<compile_context>
chip_gen: v7x
topology: tpu7x:2x2x1
jax: 0.10.2.dev20260603
libtpu: 0.0.44.dev20260713+nightly
codegen_flags: <defaults>
</compile_context>

<pallas_src>
import functools

import jax
import jax.numpy as jnp
from jax import lax
from jax.experimental import pallas as pl
from jax.experimental.pallas import tpu as pltpu
from jax.experimental.pallas import tpu_sc as plsc

BATCH = 4096
VOCAB_ = 1000000
NUM_WORDS = 50
EMB = 32
LAT = 64
HALF = 16

NC = 2
NS = 16
NW = NC * NS
B_PER_W = BATCH // NW
CHUNK = 16
NCHUNK = B_PER_W // CHUNK
ROWS = CHUNK * NUM_WORDS

_mesh = plsc.VectorSubcoreMesh(core_axis_name="c", subcore_axis_name="s")


KG = 10
NKG = NUM_WORDS // KG

_DT_C = 16384
_DT_Q = _DT_C // 4
_DT_SH = _DT_Q.bit_length() - 1
_DT_G = (VOCAB_ + _DT_C - 1) // _DT_C
_OUT_ROWS = _DT_G * (_DT_C // 4)
PSEUDO_V = _OUT_ROWS * 128 // EMB


@functools.partial(
    pl.kernel,
    mesh=_mesh,
    compiler_params=pltpu.CompilerParams(use_tc_tiling_on_sc=False),
    out_type=jax.ShapeDtypeStruct((BATCH, EMB), jnp.float32),
    scratch_types=[
        pltpu.VMEM((NUM_WORDS * B_PER_W,), jnp.int32),
        pltpu.VMEM((KG * B_PER_W, EMB), jnp.float32),
        pltpu.VMEM((KG * B_PER_W, EMB), jnp.float32),
        pltpu.VMEM((B_PER_W, EMB), jnp.float32),
        pltpu.SemaphoreType.DMA,
        pltpu.SemaphoreType.DMA,
        pltpu.SemaphoreType.DMA,
    ],
)
def _sc_pool(wT_hbm, table_hbm, out_hbm, idxk_v, buf0, buf1, acc_v,
             sem0, sem1, sem_fill):
    wid = lax.axis_index("s") * NC + lax.axis_index("c")
    obase = wid * B_PER_W

    fills = []
    for k in range(NUM_WORDS):
        fills.append(pltpu.async_copy(
            wT_hbm.at[k, pl.ds(obase, B_PER_W)],
            idxk_v.at[pl.ds(k * B_PER_W, B_PER_W)],
            sem_fill))
    for f in fills:
        f.wait()

    def xform_body(k, carry):
        sl = pl.ds(k * HALF, HALF)
        i = idxk_v[sl]
        v = jnp.bitwise_and(i, _DT_C - 1)
        idxk_v[sl] = ((i - v)
                      + jnp.left_shift(jnp.bitwise_and(v, _DT_Q - 1), 2)
                      + jnp.right_shift(v, _DT_SH))
        return carry

    lax.fori_loop(0, NUM_WORDS * B_PER_W // HALF, xform_body, 0)

    bufs = (buf0, buf1)
    sems = (sem0, sem1)
    handles = [None, None]

    def start(g):
        idx_sl = idxk_v.at[pl.ds(g * KG * B_PER_W, KG * B_PER_W)]
        handles[g % 2] = pltpu.async_copy(
            table_hbm.at[idx_sl], bufs[g % 2], sems[g % 2])

    def process(g):
        buf = bufs[g % 2]
        first = g == 0

        def row_body(r, carry):
            for h in range(2):
                sl = pl.ds(h * HALF, HALF)
                b = [buf[j * B_PER_W + r, sl] for j in range(KG)]
                s = (((b[0] + b[1]) + (b[2] + b[3]))
                     + ((b[4] + b[5]) + (b[6] + b[7]))) + (b[8] + b[9])
                if first:
                    acc_v[r, sl] = s
                else:
                    acc_v[r, sl] = acc_v[r, sl] + s
            return carry

        lax.fori_loop(0, B_PER_W, row_body, 0)

    start(0)
    for g in range(1, NKG):
        start(g)
        handles[(g - 1) % 2].wait()
        process(g - 1)
    handles[(NKG - 1) % 2].wait()
    process(NKG - 1)

    scale = jnp.float32(1.0 / NUM_WORDS)

    def scale_body(r, carry):
        for h in range(2):
            sl = pl.ds(h * HALF, HALF)
            acc_v[r, sl] = acc_v[r, sl] * scale
        return carry

    lax.fori_loop(0, B_PER_W, scale_body, 0)
    pltpu.sync_copy(acc_v, out_hbm.at[pl.ds(obase, B_PER_W)])


def _detile_body(tT_ref, out_ref):
    blk = tT_ref[...]
    out_ref[...] = jnp.concatenate(
        [blk[:, q * _DT_Q:(q + 1) * _DT_Q].T for q in range(4)], axis=1)


_detile = pl.pallas_call(
    _detile_body,
    grid=(_DT_G,),
    in_specs=[pl.BlockSpec((EMB, _DT_C), lambda c: (0, c))],
    out_specs=pl.BlockSpec((_DT_C // 4, 128), lambda c: (c, 0)),
    out_shape=jax.ShapeDtypeStruct((_OUT_ROWS, 128), jnp.float32),
)


def _headsT_body(p_ref, wmu_ref, bmu_ref, wsig_ref, bsig_ref,
                 mT_ref, lT_ref):
    pooled = p_ref[...]
    mT_ref[...] = lax.dot_general(
        wmu_ref[...], pooled, (((0,), (1,)), ((), ())),
        preferred_element_type=jnp.float32) + bmu_ref[...]
    lT_ref[...] = lax.dot_general(
        wsig_ref[...], pooled, (((0,), (1,)), ((), ())),
        preferred_element_type=jnp.float32) + bsig_ref[...]


_headsT = pl.pallas_call(
    _headsT_body,
    out_shape=(
        jax.ShapeDtypeStruct((LAT, BATCH), jnp.float32),
        jax.ShapeDtypeStruct((LAT, BATCH), jnp.float32),
    ),
)


def kernel(w, table, W_mu, b_mu, W_sig, b_sig):
    table_lin = _detile(table.T).reshape(PSEUDO_V, EMB)
    pooled = _sc_pool(w.T.astype(jnp.int32), table_lin)
    meanT, logstdT = _headsT(
        pooled, W_mu, b_mu.reshape(LAT, 1), W_sig, b_sig.reshape(LAT, 1))
    return (meanT.T, logstdT.T)

# --- scband reference (transcript-rebuilt; emitter-appended) ---
"""Pipeline reference for scband-sentence-decoder-51359218925985 (READ-ONLY COPY).

The authoritative reference and input builder live on the scoring server;
editing this copy changes nothing except your own understanding.
"""

import jax, jax.numpy as jnp
import numpy as np

VOCAB = 1000000
EMB_DIM = 32
NUM_WORDS = 50
BATCH = 4096
LATENT = 64

def setup_inputs(seed: int = 0) -> dict:
    key = jax.random.key(seed)
    k1, k2, k3, k4, k5 = jax.random.split(key, 5)
    w = jax.random.randint(k1, (BATCH, NUM_WORDS), 0, VOCAB, dtype=jnp.int64 if jax.config.jax_enable_x64 else jnp.int32)
    table = jax.random.normal(k2, (VOCAB, EMB_DIM), dtype=jnp.float32)
    W_mu = jax.random.normal(k3, (EMB_DIM, LATENT), dtype=jnp.float32) / np.sqrt(EMB_DIM)
    b_mu = jnp.zeros((LATENT,), dtype=jnp.float32)
    W_sig = jax.random.normal(k4, (EMB_DIM, LATENT), dtype=jnp.float32) / np.sqrt(EMB_DIM)
    b_sig = jnp.zeros((LATENT,), dtype=jnp.float32)
    return {"w": w, "table": table, "W_mu": W_mu, "b_mu": b_mu, "W_sig": W_sig, "b_sig": b_sig}

def reference(w, table, W_mu, b_mu, W_sig, b_sig):
    # embedding lookup: (bs, num_words, emb_dim)
    w_emb = jnp.take(table, w, axis=0)
    # concrete EmbeddingDecoder: mean-pool over words then two linear heads
    pooled = jnp.mean(w_emb, axis=1)
    mean = pooled @ W_mu + b_mu
    logstd = pooled @ W_sig + b_sig
    return (mean, logstd)

if __name__ == "__main__":
    import jax
    _d = setup_inputs()
    print(jax.jit(kernel)(*tuple(_d.values())))

</pallas_src>

<mosaic_0001>
#map = affine_map<(d0, d1) -> (0, 0)>
module attributes {stable_mosaic.version = 14 : i64} {
  func.func @_sc_pool(%arg0: i32, %arg1: i32, %arg2: memref<50x4096xi32, #tpu.memory_space<hbm>>, %arg3: memref<1015808x32xf32, #tpu.memory_space<hbm>>, %arg4: memref<4096x32xf32, #tpu.memory_space<hbm>>, %arg5: memref<6400xi32, #tpu.memory_space<vmem>>, %arg6: memref<1280x32xf32, #tpu.memory_space<vmem>>, %arg7: memref<1280x32xf32, #tpu.memory_space<vmem>>, %arg8: memref<128x32xf32, #tpu.memory_space<vmem>>, %arg9: memref<!tpu.dma_semaphore, #tpu.memory_space<semaphore_mem>>, %arg10: memref<!tpu.dma_semaphore, #tpu.memory_space<semaphore_mem>>, %arg11: memref<!tpu.dma_semaphore, #tpu.memory_space<semaphore_mem>>) attributes {dimension_semantics = [#tpu.dimension_semantics<core_parallel>, #tpu.dimension_semantics<subcore_parallel>], iteration_bounds = array<i64: 2, 16>, scalar_prefetch = 0 : i64, scratch_operands = 7 : i64, tpu.core_type = #tpu.core_type<sc_vector_subcore>, window_params = [{transform_indices = #map}, {transform_indices = #map}, {transform_indices = #map}]} {
    %mul3A = arith.constant 2 : i32
    %mul3A_0 = arith.muli %arg1, %mul3A : i32
    %add3A = arith.addi %mul3A_0, %arg0 : i32
    %mul3A_1 = arith.constant 128 : i32
    %mul3A_2 = arith.muli %add3A, %mul3A_1 : i32
    %dma_start3A = arith.constant 0 : i32
    %dma_start3A_3 = arith.constant 0 : i32
    %dma_start3A_4 = tpu.memref_slice %arg5[%dma_start3A_3] : memref<6400xi32, #tpu.memory_space<vmem>> -> memref<128xi32, #tpu.memory_space<vmem>>
    %dma_start3A_5 = tpu.memref_slice %arg2[%dma_start3A, %mul3A_2] : memref<50x4096xi32, #tpu.memory_space<hbm>> -> memref<1x128xi32, #tpu.memory_space<hbm>>
    %dma_start3A_6 = tpu.memref_squeeze %dma_start3A_5 : memref<1x128xi32, #tpu.memory_space<hbm>> -> memref<128xi32, #tpu.memory_space<hbm>>
    %dma_start3A_7 = arith.constant 0 : i32
    %dma_start3A_8 = tpu.memref_slice %arg5[%dma_start3A_7] : memref<6400xi32, #tpu.memory_space<vmem>> -> memref<128xi32, #tpu.memory_space<vmem>>
    %dma_start3A_9 = tpu.memref_slice %arg2[%dma_start3A, %mul3A_2] : memref<50x4096xi32, #tpu.memory_space<hbm>> -> memref<1x128xi32, #tpu.memory_space<hbm>>
    %dma_start3A_10 = tpu.memref_squeeze %dma_start3A_9 : memref<1x128xi32, #tpu.memory_space<hbm>> -> memref<128xi32, #tpu.memory_space<hbm>>
    tpu.enqueue_dma source(%dma_start3A_10 : memref<128xi32, #tpu.memory_space<hbm>>) target(%dma_start3A_8 : memref<128xi32, #tpu.memory_space<vmem>>) target_semaphore(%arg11 : memref<!tpu.dma_semaphore, #tpu.memory_space<semaphore_mem>>)
    %dma_start3A_11 = arith.constant 1 : i32
    %dma_start3A_12 = arith.constant 128 : i32
    %dma_start3A_13 = tpu.memref_slice %arg5[%dma_start3A_12] : memref<6400xi32, #tpu.memory_space<vmem>> -> memref<128xi32, #tpu.memory_space<vmem>>
    %dma_start3A_14 = tpu.memref_slice %arg2[%dma_start3A_11, %mul3A_2] : memref<50x4096xi32, #tpu.memory_space<hbm>> -> memref<1x128xi32, #tpu.memory_space<hbm>>
    %dma_start3A_15 = tpu.memref_squeeze %dma_start3A_14 : memref<1x128xi32, #tpu.memory_space<hbm>> -> memref<128xi32, #tpu.memory_space<hbm>>
    %dma_start3A_16 = arith.constant 128 : i32
    %dma_start3A_17 = tpu.memref_slice %arg5[%dma_start3A_16] : memref<6400xi32, #tpu.memory_space<vmem>> -> memref<128xi32, #tpu.memory_space<vmem>>
    %dma_start3A_18 = tpu.memref_slice %arg2[%dma_start3A_11, %mul3A_2] : memref<50x4096xi32, #tpu.memory_space<hbm>> -> memref<1x128xi32, #tpu.memory_space<hbm>>
    %dma_start3A_19 = tpu.memref_squeeze %dma_start3A_18 : memref<1x128xi32, #tpu.memory_space<hbm>> -> memref<128xi32, #tpu.memory_space<hbm>>
    tpu.enqueue_dma source(%dma_start3A_19 : memref<128xi32, #tpu.memory_space<hbm>>) target(%dma_start3A_17 : memref<128xi32, #tpu.memory_space<vmem>>) target_semaphore(%arg11 : memref<!tpu.dma_semaphore, #tpu.memory_space<semaphore_mem>>)
    %dma_start3A_20 = arith.constant 2 : i32
    %dma_start3A_21 = arith.constant 256 : i32
    %dma_start3A_22 = tpu.memref_slice %arg5[%dma_start3A_21] : memref<6400xi32, #tpu.memory_space<vmem>> -> memref<128xi32, #tpu.memory_space<vmem>>
    %dma_start3A_23 = tpu.memref_slice %arg2[%dma_start3A_20, %mul3A_2] : memref<50x4096xi32, #tpu.memory_space<hbm>> -> memref<1x128xi32, #tpu.memory_space<hbm>>
    %dma_start3A_24 = tpu.memref_squeeze %dma_start3A_23 : memref<1x128xi32, #tpu.memory_space<hbm>> -> memref<128xi32, #tpu.memory_space<hbm>>
    %dma_start3A_25 = arith.constant 256 : i32
    %dma_start3A_26 = tpu.memref_slice %arg5[%dma_start3A_25] : memref<6400xi32, #tpu.memory_space<vmem>> -> memref<128xi32, #tpu.memory_space<vmem>>
    %dma_start3A_27 = tpu.memref_slice %arg2[%dma_start3A_20, %mul3A_2] : memref<50x4096xi32, #tpu.memory_space<hbm>> -> memref<1x128xi32, #tpu.memory_space<hbm>>
    %dma_start3A_28 = tpu.memref_squeeze %dma_start3A_27 : memref<1x128xi32, #tpu.memory_space<hbm>> -> memref<128xi32, #tpu.memory_space<hbm>>
    tpu.enqueue_dma source(%dma_start3A_28 : memref<128xi32, #tpu.memory_space<hbm>>) target(%dma_start3A_26 : memref<128xi32, #tpu.memory_space<vmem>>) target_semaphore(%arg11 : memref<!tpu.dma_semaphore, #tpu.memory_space<semaphore_mem>>)
    %dma_start3A_29 = arith.constant 3 : i32
    %dma_start3A_30 = arith.constant 384 : i32
    %dma_start3A_31 = tpu.memref_slice %arg5[%dma_start3A_30] : memref<6400xi32, #tpu.memory_space<vmem>> -> memref<128xi32, #tpu.memory_space<vmem>>
    %dma_start3A_32 = tpu.memref_slice %arg2[%dma_start3A_29, %mul3A_2] : memref<50x4096xi32, #tpu.memory_space<hbm>> -> memref<1x128xi32, #tpu.memory_space<hbm>>
    %dma_start3A_33 = tpu.memref_squeeze %dma_start3A_32 : memref<1x128xi32, #tpu.memory_space<hbm>> -> memref<128xi32, #tpu.memory_space<hbm>>
    %dma_start3A_34 = arith.constant 384 : i32
    %dma_start3A_35 = tpu.memref_slice %arg5[%dma_start3A_34] : memref<6400xi32, #tpu.memory_space<vmem>> -> memref<128xi32, #tpu.memory_space<vmem>>
    %dma_start3A_36 = tpu.memref_slice %arg2[%dma_start3A_29, %mul3A_2] : memref<50x4096xi32, #tpu.memory_space<hbm>> -> memref<1x128xi32, #tpu.memory_space<hbm>>
    %dma_start3A_37 = tpu.memref_squeeze %dma_start3A_36 : memref<1x128xi32, #tpu.memory_space<hbm>> -> memref<128xi32, #tpu.memory_space<hbm>>
    tpu.enqueue_dma source(%dma_start3A_37 : memref<128xi32, #tpu.memory_space<hbm>>) target(%dma_start3A_35 : memref<128xi32, #tpu.memory_space<vmem>>) target_semaphore(%arg11 : memref<!tpu.dma_semaphore, #tpu.memory_space<semaphore_mem>>)
    %dma_start3A_38 = arith.constant 4 : i32
    %dma_start3A_39 = arith.constant 512 : i32
    %dma_start3A_40 = tpu.memref_slice %arg5[%dma_start3A_39] : memref<6400xi32, #tpu.memory_space<vmem>> -> memref<128xi32, #tpu.memory_space<vmem>>
    %dma_start3A_41 = tpu.memref_slice %arg2[%dma_start3A_38, %mul3A_2] : memref<50x4096xi32, #tpu.memory_space<hbm>> -> memref<1x128xi32, #tpu.memory_space<hbm>>
    %dma_start3A_42 = tpu.memref_squeeze %dma_start3A_41 : memref<1x128xi32, #tpu.memory_space<hbm>> -> memref<128xi32, #tpu.memory_space<hbm>>
    %dma_start3A_43 = arith.constant 512 : i32
    %dma_start3A_44 = tpu.memref_slice %arg5[%dma_start3A_43] : memref<6400xi32, #tpu.memory_space<vmem>> -> memref<128xi32, #tpu.memory_space<vmem>>
    %dma_start3A_45 = tpu.memref_slice %arg2[%dma_start3A_38, %mul3A_2] : memref<50x4096xi32, #tpu.memory_space<hbm>> -> memref<1x128xi32, #tpu.memory_space<hbm>>
    %dma_start3A_46 = tpu.memref_squeeze %dma_start3A_45 : memref<1x128xi32, #tpu.memory_space<hbm>> -> memref<128xi32, #tpu.memory_space<hbm>>
    tpu.enqueue_dma source(%dma_start3A_46 : memref<128xi32, #tpu.memory_space<hbm>>) target(%dma_start3A_44 : memref<128xi32, #tpu.memory_space<vmem>>) target_semaphore(%arg11 : memref<!tpu.dma_semaphore, #tpu.memory_space<semaphore_mem>>)
    %dma_start3A_47 = arith.constant 5 : i32
    %dma_start3A_48 = arith.constant 640 : i32
    %dma_start3A_49 = tpu.memref_slice %arg5[%dma_start3A_48] : memref<6400xi32, #tpu.memory_space<vmem>> -> memref<128xi32, #tpu.memory_space<vmem>>
    %dma_start3A_50 = tpu.memref_slice %arg2[%dma_start3A_47, %mul3A_2] : memref<50x4096xi32, #tpu.memory_space<hbm>> -> memref<1x128xi32, #tpu.memory_space<hbm>>
    %dma_start3A_51 = tpu.memref_squeeze %dma_start3A_50 : memref<1x128xi32, #tpu.memory_space<hbm>> -> memref<128xi32, #tpu.memory_space<hbm>>
    %dma_start3A_52 = arith.constant 640 : i32
    %dma_start3A_53 = tpu.memref_slice %arg5[%dma_start3A_52] : memref<6400xi32, #tpu.memory_space<vmem>> -> memref<128xi32, #tpu.memory_space<vmem>>
    %dma_start3A_54 = tpu.memref_slice %arg2[%dma_start3A_47, %mul3A_2] : memref<50x4096xi32, #tpu.memory_space<hbm>> -> memref<1x128xi32, #tpu.memory_space<hbm>>
    %dma_start3A_55 = tpu.memref_squeeze %dma_start3A_54 : memref<1x128xi32, #tpu.memory_space<hbm>> -> memref<128xi32, #tpu.memory_space<hbm>>
    tpu.enqueue_dma source(%dma_start3A_55 : memref<128xi32, #tpu.memory_space<hbm>>) target(%dma_start3A_53 : memref<128xi32, #tpu.memory_space<vmem>>) target_semaphore(%arg11 : memref<!tpu.dma_semaphore, #tpu.memory_space<semaphore_mem>>)
    %dma_start3A_56 = arith.constant 6 : i32
    %dma_start3A_57 = arith.constant 768 : i32
    %dma_start3A_58 = tpu.memref_slice %arg5[%dma_start3A_57] : memref<6400xi32, #tpu.memory_space<vmem>> -> memref<128xi32, #tpu.memory_space<vmem>>
    %dma_start3A_59 = tpu.memref_slice %arg2[%dma_start3A_56, %mul3A_2] : memref<50x4096xi32, #tpu.memory_space<hbm>> -> memref<1x128xi32, #tpu.memory_space<hbm>>
    %dma_start3A_60 = tpu.memref_squeeze %dma_start3A_59 : memref<1x128xi32, #tpu.memory_space<hbm>> -> memref<128xi32, #tpu.memory_space<hbm>>
    %dma_start3A_61 = arith.constant 768 : i32
    %dma_start3A_62 = tpu.memref_slice %arg5[%dma_start3A_61] : memref<6400xi32, #tpu.memory_space<vmem>> -> memref<128xi32, #tpu.memory_space<vmem>>
    %dma_start3A_63 = tpu.memref_slice %arg2[%dma_start3A_56, %mul3A_2] : memref<50x4096xi32, #tpu.memory_space<hbm>> -> memref<1x128xi32, #tpu.memory_space<hbm>>
    %dma_start3A_64 = tpu.memref_squeeze %dma_start3A_63 : memref<1x128xi32, #tpu.memory_space<hbm>> -> memref<128xi32, #tpu.memory_space<hbm>>
    tpu.enqueue_dma source(%dma_start3A_64 : memref<128xi32, #tpu.memory_space<hbm>>) target(%dma_start3A_62 : memref<128xi32, #tpu.memory_space<vmem>>) target_semaphore(%arg11 : memref<!tpu.dma_semaphore, #tpu.memory_space<semaphore_mem>>)
    %dma_start3A_65 = arith.constant 7 : i32
    %dma_start3A_66 = arith.constant 896 : i32
    %dma_start3A_67 = tpu.memref_slice %arg5[%dma_start3A_66] : memref<6400xi32, #tpu.memory_space<vmem>> -> memref<128xi32, #tpu.memory_space<vmem>>
    %dma_start3A_68 = tpu.memref_slice %arg2[%dma_start3A_65, %mul3A_2] : memref<50x4096xi32, #tpu.memory_space<hbm>> -> memref<1x128xi32, #tpu.memory_space<hbm>>
    %dma_start3A_69 = tpu.memref_squeeze %dma_start3A_68 : memref<1x128xi32, #tpu.memory_space<hbm>> -> memref<128xi32, #tpu.memory_space<hbm>>
    %dma_start3A_70 = arith.constant 896 : i32
    %dma_start3A_71 = tpu.memref_slice %arg5[%dma_start3A_70] : memref<6400xi32, #tpu.memory_space<vmem>> -> memref<128xi32, #tpu.memory_space<vmem>>
    %dma_start3A_72 = tpu.memref_slice %arg2[%dma_start3A_65, %mul3A_2] : memref<50x4096xi32, #tpu.memory_space<hbm>> -> memref<1x128xi32, #tpu.memory_space<hbm>>
    %dma_start3A_73 = tpu.memref_squeeze %dma_start3A_72 : memref<1x128xi32, #tpu.memory_space<hbm>> -> memref<128xi32, #tpu.memory_space<hbm>>
    tpu.enqueue_dma source(%dma_start3A_73 : memref<128xi32, #tpu.memory_space<hbm>>) target(%dma_start3A_71 : memref<128xi32, #tpu.memory_space<vmem>>) target_semaphore(%arg11 : memref<!tpu.dma_semaphore, #tpu.memory_space<semaphore_mem>>)
    %dma_start3A_74 = arith.constant 8 : i32
    %dma_start3A_75 = arith.constant 1024 : i32
    %dma_start3A_76 = tpu.memref_slice %arg5[%dma_start3A_75] : memref<6400xi32, #tpu.memory_space<vmem>> -> memref<128xi32, #tpu.memory_space<vmem>>
    %dma_start3A_77 = tpu.memref_slice %arg2[%dma_start3A_74, %mul3A_2] : memref<50x4096xi32, #tpu.memory_space<hbm>> -> memref<1x128xi32, #tpu.memory_space<hbm>>
    %dma_start3A_78 = tpu.memref_squeeze %dma_start3A_77 : memref<1x128xi32, #tpu.memory_space<hbm>> -> memref<128xi32, #tpu.memory_space<hbm>>
    %dma_start3A_79 = arith.constant 1024 : i32
    %dma_start3A_80 = tpu.memref_slice %arg5[%dma_start3A_79] : memref<6400xi32, #tpu.memory_space<vmem>> -> memref<128xi32, #tpu.memory_space<vmem>>
    %dma_start3A_81 = tpu.memref_slice %arg2[%dma_start3A_74, %mul3A_2] : memref<50x4096xi32, #tpu.memory_space<hbm>> -> memref<1x128xi32, #tpu.memory_space<hbm>>
    %dma_start3A_82 = tpu.memref_squeeze %dma_start3A_81 : memref<1x128xi32, #tpu.memory_space<hbm>> -> memref<128xi32, #tpu.memory_space<hbm>>
    tpu.enqueue_dma source(%dma_start3A_82 : memref<128xi32, #tpu.memory_space<hbm>>) target(%dma_start3A_80 : memref<128xi32, #tpu.memory_space<vmem>>) target_semaphore(%arg11 : memref<!tpu.dma_semaphore, #tpu.memory_space<semaphore_mem>>)
    %dma_start3A_83 = arith.constant 9 : i32
    %dma_start3A_84 = arith.constant 1152 : i32
    %dma_start3A_85 = tpu.memref_slice %arg5[%dma_start3A_84] : memref<6400xi32, #tpu.memory_space<vmem>> -> memref<128xi32, #tpu.memory_space<vmem>>
    %dma_start3A_86 = tpu.memref_slice %arg2[%dma_start3A_83, %mul3A_2] : memref<50x4096xi32, #tpu.memory_space<hbm>> -> memref<1x128xi32, #tpu.memory_space<hbm>>
    %dma_start3A_87 = tpu.memref_squeeze %dma_start3A_86 : memref<1x128xi32, #tpu.memory_space<hbm>> -> memref<128xi32, #tpu.memory_space<hbm>>
    %dma_start3A_88 = arith.constant 1152 : i32
    %dma_start3A_89 = tpu.memref_slice %arg5[%dma_start3A_88] : memref<6400xi32, #tpu.memory_space<vmem>> -> memref<128xi32, #tpu.memory_space<vmem>>
    %dma_start3A_90 = tpu.memref_slice %arg2[%dma_start3A_83, %mul3A_2] : memref<50x4096xi32, #tpu.memory_space<hbm>> -> memref<1x128xi32, #tpu.memory_space<hbm>>
    %dma_start3A_91 = tpu.memref_squeeze %dma_start3A_90 : memref<1x128xi32, #tpu.memory_space<hbm>> -> memref<128xi32, #tpu.memory_space<hbm>>
    tpu.enqueue_dma source(%dma_start3A_91 : memref<128xi32, #tpu.memory_space<hbm>>) target(%dma_start3A_89 : memref<128xi32, #tpu.memory_space<vmem>>) target_semaphore(%arg11 : memref<!tpu.dma_semaphore, #tpu.memory_space<semaphore_mem>>)
    %dma_start3A_92 = arith.constant 10 : i32
    %dma_start3A_93 = arith.constant 1280 : i32
    %dma_start3A_94 = tpu.memref_slice %arg5[%dma_start3A_93] : memref<6400xi32, #tpu.memory_space<vmem>> -> memref<128xi32, #tpu.memory_space<vmem>>
    %dma_start3A_95 = tpu.memref_slice %arg2[%dma_start3A_92, %mul3A_2] : memref<50x4096xi32, #tpu.memory_space<hbm>> -> memref<1x128xi32, #tpu.memory_space<hbm>>
    %dma_start3A_96 = tpu.memref_squeeze %dma_start3A_95 : memref<1x128xi32, #tpu.memory_space<hbm>> -> memref<128xi32, #tpu.memory_space<hbm>>
    %dma_start3A_97 = arith.constant 1280 : i32
    %dma_start3A_98 = tpu.memref_slice %arg5[%dma_start3A_97] : memref<6400xi32, #tpu.memory_space<vmem>> -> memref<128xi32, #tpu.memory_space<vmem>>
    %dma_start3A_99 = tpu.memref_slice %arg2[%dma_start3A_92, %mul3A_2] : memref<50x4096xi32, #tpu.memory_space<hbm>> -> memref<1x128xi32, #tpu.memory_space<hbm>>
    %dma_start3A_100 = tpu.memref_squeeze %dma_start3A_99 : memref<1x128xi32, #tpu.memory_space<hbm>> -> memref<128xi32, #tpu.memory_space<hbm>>
    tpu.enqueue_dma source(%dma_start3A_100 : memref<128xi32, #tpu.memory_space<hbm>>) target(%dma_start3A_98 : memref<128xi32, #tpu.memory_space<vmem>>) target_semaphore(%arg11 : memref<!tpu.dma_semaphore, #tpu.memory_space<semaphore_mem>>)
    %dma_start3A_101 = arith.constant 11 : i32
    %dma_start3A_102 = arith.constant 1408 : i32
    %dma_start3A_103 = tpu.memref_slice %arg5[%dma_start3A_102] : memref<6400xi32, #tpu.memory_space<vmem>> -> memref<128xi32, #tpu.memory_space<vmem>>
    %dma_start3A_104 = tpu.memref_slice %arg2[%dma_start3A_101, %mul3A_2] : memref<50x4096xi32, #tpu.memory_space<hbm>> -> memref<1x128xi32, #tpu.memory_space<hbm>>
    %dma_start3A_105 = tpu.memref_squeeze %dma_start3A_104 : memref<1x128xi32, #tpu.memory_space<hbm>> -> memref<128xi32, #tpu.memory_space<hbm>>
    %dma_start3A_106 = arith.constant 1408 : i32
    %dma_start3A_107 = tpu.memref_slice %arg5[%dma_start3A_106] : memref<6400xi32, #tpu.memory_space<vmem>> -> memref<128xi32, #tpu.memory_space<vmem>>
    %dma_start3A_108 = tpu.memref_slice %arg2[%dma_start3A_101, %mul3A_2] : memref<50x4096xi32, #tpu.memory_space<hbm>> -> memref<1x128xi32, #tpu.memory_space<hbm>>
    %dma_start3A_109 = tpu.memref_squeeze %dma_start3A_108 : memref<1x128xi32, #tpu.memory_space<hbm>> -> memref<128xi32, #tpu.memory_space<hbm>>
    tpu.enqueue_dma source(%dma_start3A_109 : memref<128xi32, #tpu.memory_space<hbm>>) target(%dma_start3A_107 : memref<128xi32, #tpu.memory_space<vmem>>) target_semaphore(%arg11 : memref<!tpu.dma_semaphore, #tpu.memory_space<semaphore_mem>>)
    %dma_start3A_110 = arith.constant 12 : i32
    %dma_start3A_111 = arith.constant 1536 : i32
    %dma_start3A_112 = tpu.memref_slice %arg5[%dma_start3A_111] : memref<6400xi32, #tpu.memory_space<vmem>> -> memref<128xi32, #tpu.memory_space<vmem>>
    %dma_start3A_113 = tpu.memref_slice %arg2[%dma_start3A_110, %mul3A_2] : memref<50x4096xi32, #tpu.memory_space<hbm>> -> memref<1x128xi32, #tpu.memory_space<hbm>>
    %dma_start3A_114 = tpu.memref_squeeze %dma_start3A_113 : memref<1x128xi32, #tpu.memory_space<hbm>> -> memref<128xi32, #tpu.memory_space<hbm>>
    %dma_start3A_115 = arith.constant 1536 : i32
    %dma_start3A_116 = tpu.memref_slice %arg5[%dma_start3A_115] : memref<6400xi32, #tpu.memory_space<vmem>> -> memref<128xi32, #tpu.memory_space<vmem>>
    %dma_start3A_117 = tpu.memref_slice %arg2[%dma_start3A_110, %mul3A_2] : memref<50x4096xi32, #tpu.memory_space<hbm>> -> memref<1x128xi32, #tpu.memory_space<hbm>>
    %dma_start3A_118 = tpu.memref_squeeze %dma_start3A_117 : memref<1x128xi32, #tpu.memory_space<hbm>> -> memref<128xi32, #tpu.memory_space<hbm>>
    tpu.enqueue_dma source(%dma_start3A_118 : memref<128xi32, #tpu.memory_space<hbm>>) target(%dma_start3A_116 : memref<128xi32, #tpu.memory_space<vmem>>) target_semaphore(%arg11 : memref<!tpu.dma_semaphore, #tpu.memory_space<semaphore_mem>>)
    %dma_start3A_119 = arith.constant 13 : i32
    %dma_start3A_120 = arith.constant 1664 : i32
    %dma_start3A_121 = tpu.memref_slice %arg5[%dma_start3A_120] : memref<6400xi32, #tpu.memory_space<vmem>> -> memref<128xi32, #tpu.memory_space<vmem>>
    %dma_start3A_122 = tpu.memref_slice %arg2[%dma_start3A_119, %mul3A_2] : memref<50x4096xi32, #tpu.memory_space<hbm>> -> memref<1x128xi32, #tpu.memory_space<hbm>>
    %dma_start3A_123 = tpu.memref_squeeze %dma_start3A_122 : memref<1x128xi32, #tpu.memory_space<hbm>> -> memref<128xi32, #tpu.memory_space<hbm>>
    %dma_start3A_124 = arith.constant 1664 : i32
    %dma_start3A_125 = tpu.memref_slice %arg5[%dma_start3A_124] : memref<6400xi32, #tpu.memory_space<vmem>> -> memref<128xi32, #tpu.memory_space<vmem>>
    %dma_start3A_126 = tpu.memref_slice %arg2[%dma_start3A_119, %mul3A_2] : memref<50x4096xi32, #tpu.memory_space<hbm>> -> memref<1x128xi32, #tpu.memory_space<hbm>>
    %dma_start3A_127 = tpu.memref_squeeze %dma_start3A_126 : memref<1x128xi32, #tpu.memory_space<hbm>> -> memref<128xi32, #tpu.memory_space<hbm>>
    tpu.enqueue_dma source(%dma_start3A_127 : memref<128xi32, #tpu.memory_space<hbm>>) target(%dma_start3A_125 : memref<128xi32, #tpu.memory_space<vmem>>) target_semaphore(%arg11 : memref<!tpu.dma_semaphore, #tpu.memory_space<semaphore_mem>>)
    %dma_start3A_128 = arith.constant 14 : i32
    %dma_start3A_129 = arith.constant 1792 : i32
    %dma_start3A_130 = tpu.memref_slice %arg5[%dma_start3A_129] : memref<6400xi32, #tpu.memory_space<vmem>> -> memref<128xi32, #tpu.memory_space<vmem>>
    %dma_start3A_131 = tpu.memref_slice %arg2[%dma_start3A_128, %mul3A_2] : memref<50x4096xi32, #tpu.memory_space<hbm>> -> memref<1x128xi32, #tpu.memory_space<hbm>>
    %dma_start3A_132 = tpu.memref_squeeze %dma_start3A_131 : memref<1x128xi32, #tpu.memory_space<hbm>> -> memref<128xi32, #tpu.memory_space<hbm>>
    %dma_start3A_133 = arith.constant 1792 : i32
    %dma_start3A_134 = tpu.memref_slice %arg5[%dma_start3A_133] : memref<6400xi32, #tpu.memory_space<vmem>> -> memref<128xi32, #tpu.memory_space<vmem>>
    %dma_start3A_135 = tpu.memref_slice %arg2[%dma_start3A_128, %mul3A_2] : memref<50x4096xi32, #tpu.memory_space<hbm>> -> memref<1x128xi32, #tpu.memory_space<hbm>>
    %dma_start3A_136 = tpu.memref_squeeze %dma_start3A_135 : memref<1x128xi32, #tpu.memory_space<hbm>> -> memref<128xi32, #tpu.memory_space<hbm>>
    tpu.enqueue_dma source(%dma_start3A_136 : memref<128xi32, #tpu.memory_space<hbm>>) target(%dma_start3A_134 : memref<128xi32, #tpu.memory_space<vmem>>) target_semaphore(%arg11 : memref<!tpu.dma_semaphore, #tpu.memory_space<semaphore_mem>>)
    %dma_start3A_137 = arith.constant 15 : i32
    %dma_start3A_138 = arith.constant 1920 : i32
    %dma_start3A_139 = tpu.memref_slice %arg5[%dma_start3A_138] : memref<6400xi32, #tpu.memory_space<vmem>> -> memref<128xi32, #tpu.memory_space<vmem>>
    %dma_start3A_140 = tpu.memref_slice %arg2[%dma_start3A_137, %mul3A_2] : memref<50x4096xi32, #tpu.memory_space<hbm>> -> memref<1x128xi32, #tpu.memory_space<hbm>>
    %dma_start3A_141 = tpu.memref_squeeze %dma_start3A_140 : memref<1x128xi32, #tpu.memory_space<hbm>> -> memref<128xi32, #tpu.memory_space<hbm>>
    %dma_start3A_142 = arith.constant 1920 : i32
    %dma_start3A_143 = tpu.memref_slice %arg5[%dma_start3A_142] : memref<6400xi32, #tpu.memory_space<vmem>> -> memref<128xi32, #tpu.memory_space<vmem>>
    %dma_start3A_144 = tpu.memref_slice %arg2[%dma_start3A_137, %mul3A_2] : memref<50x4096xi32, #tpu.memory_space<hbm>> -> memref<1x128xi32, #tpu.memory_space<hbm>>
    %dma_start3A_145 = tpu.memref_squeeze %dma_start3A_144 : memref<1x128xi32, #tpu.memory_space<hbm>> -> memref<128xi32, #tpu.memory_space<hbm>>
    tpu.enqueue_dma source(%dma_start3A_145 : memref<128xi32, #tpu.memory_space<hbm>>) target(%dma_start3A_143 : memref<128xi32, #tpu.memory_space<vmem>>) target_semaphore(%arg11 : memref<!tpu.dma_semaphore, #tpu.memory_space<semaphore_mem>>)
    %dma_start3A_146 = arith.constant 16 : i32
    %dma_start3A_147 = arith.constant 2048 : i32
    %dma_start3A_148 = tpu.memref_slice %arg5[%dma_start3A_147] : memref<6400xi32, #tpu.memory_space<vmem>> -> memref<128xi32, #tpu.memory_space<vmem>>
    %dma_start3A_149 = tpu.memref_slice %arg2[%dma_start3A_146, %mul3A_2] : memref<50x4096xi32, #tpu.memory_space<hbm>> -> memref<1x128xi32, #tpu.memory_space<hbm>>
    %dma_start3A_150 = tpu.memref_squeeze %dma_start3A_149 : memref<1x128xi32, #tpu.memory_space<hbm>> -> memref<128xi32, #tpu.memory_space<hbm>>
    %dma_start3A_151 = arith.constant 2048 : i32
    %dma_start3A_152 = tpu.memref_slice %arg5[%dma_start3A_151] : memref<6400xi32, #tpu.memory_space<vmem>> -> memref<128xi32, #tpu.memory_space<vmem>>
    %dma_start3A_153 = tpu.memref_slice %arg2[%dma_start3A_146, %mul3A_2] : memref<50x4096xi32, #tpu.memory_space<hbm>> -> memref<1x128xi32, #tpu.memory_space<hbm>>
    %dma_start3A_154 = tpu.memref_squeeze %dma_start3A_153 : memref<1x128xi32, #tpu.memory_space<hbm>> -> memref<128xi32, #tpu.memory_space<hbm>>
    tpu.enqueue_dma source(%dma_start3A_154 : memref<128xi32, #tpu.memory_space<hbm>>) target(%dma_start3A_152 : memref<128xi32, #tpu.memory_space<vmem>>) target_semaphore(%arg11 : memref<!tpu.dma_semaphore, #tpu.memory_space<semaphore_mem>>)
    %dma_start3A_155 = arith.constant 17 : i32
    %dma_start3A_156 = arith.constant 2176 : i32
    %dma_start3A_157 = tpu.memref_slice %arg5[%dma_start3A_156] : memref<6400xi32, #tpu.memory_space<vmem>> -> memref<128xi32, #tpu.memory_space<vmem>>
    %dma_start3A_158 = tpu.memref_slice %arg2[%dma_start3A_155, %mul3A_2] : memref<50x4096xi32, #tpu.memory_space<hbm>> -> memref<1x128xi32, #tpu.memory_space<hbm>>
    %dma_start3A_159 = tpu.memref_squeeze %dma_start3A_158 : memref<1x128xi32, #tpu.memory_space<hbm>> -> memref<128xi32, #tpu.memory_space<hbm>>
    %dma_start3A_160 = arith.constant 2176 : i32
    %dma_start3A_161 = tpu.memref_slice %arg5[%dma_start3A_160] : memref<6400xi32, #tpu.memory_space<vmem>> -> memref<128xi32, #tpu.memory_space<vmem>>
    %dma_start3A_162 = tpu.memref_slice %arg2[%dma_start3A_155, %mul3A_2] : memref<50x4096xi32, #tpu.memory_space<hbm>> -> memref<1x128xi32, #tpu.memory_space<hbm>>
    %dma_start3A_163 = tpu.memref_squeeze %dma_start3A_162 : memref<1x128xi32, #tpu.memory_space<hbm>> -> memref<128xi32, #tpu.memory_space<hbm>>
    tpu.enqueue_dma source(%dma_start3A_163 : memref<128xi32, #tpu.memory_space<hbm>>) target(%dma_start3A_161 : memref<128xi32, #tpu.memory_space<vmem>>) target_semaphore(%arg11 : memref<!tpu.dma_semaphore, #tpu.memory_space<semaphore_mem>>)
    %dma_start3A_164 = arith.constant 18 : i32
    %dma_start3A_165 = arith.constant 2304 : i32
    %dma_start3A_166 = tpu.memref_slice %arg5[%dma_start3A_165] : memref<6400xi32, #tpu.memory_space<vmem>> -> memref<128xi32, #tpu.memory_space<vmem>>
    %dma_start3A_167 = tpu.memref_slice %arg2[%dma_start3A_164, %mul3A_2] : memref<50x4096xi32, #tpu.memory_space<hbm>> -> memref<1x128xi32, #tpu.memory_space<hbm>>
    %dma_start3A_168 = tpu.memref_squeeze %dma_start3A_167 : memref<1x128xi32, #tpu.memory_space<hbm>> -> memref<128xi32, #tpu.memory_space<hbm>>
    %dma_start3A_169 = arith.constant 2304 : i32
    %dma_start3A_170 = tpu.memref_slice %arg5[%dma_start3A_169] : memref<6400xi32, #tpu.memory_space<vmem>> -> memref<128xi32, #tpu.memory_space<vmem>>
    %dma_start3A_171 = tpu.memref_slice %arg2[%dma_start3A_164, %mul3A_2] : memref<50x4096xi32, #tpu.memory_space<hbm>> -> memref<1x128xi32, #tpu.memory_space<hbm>>
    %dma_start3A_172 = tpu.memref_squeeze %dma_start3A_171 : memref<1x128xi32, #tpu.memory_space<hbm>> -> memref<128xi32, #tpu.memory_space<hbm>>
    tpu.enqueue_dma source(%dma_start3A_172 : memref<128xi32, #tpu.memory_space<hbm>>) target(%dma_start3A_170 : memref<128xi32, #tpu.memory_space<vmem>>) target_semaphore(%arg11 : memref<!tpu.dma_semaphore, #tpu.memory_space<semaphore_mem>>)
    %dma_start3A_173 = arith.constant 19 : i32
    %dma_start3A_174 = arith.constant 2432 : i32
    %dma_start3A_175 = tpu.memref_slice %arg5[%dma_start3A_174] : memref<6400xi32, #tpu.memory_space<vmem>> -> memref<128xi32, #tpu.memory_space<vmem>>
    %dma_start3A_176 = tpu.memref_slice %arg2[%dma_start3A_173, %mul3A_2] : memref<50x4096xi32, #tpu.memory_space<hbm>> -> memref<1x128xi32, #tpu.memory_space<hbm>>
    %dma_start3A_177 = tpu.memref_squeeze %dma_start3A_176 : memref<1x128xi32, #tpu.memory_space<hbm>> -> memref<128xi32, #tpu.memory_space<hbm>>
    %dma_start3A_178 = arith.constant 2432 : i32
    %dma_start3A_179 = tpu.memref_slice %arg5[%dma_start3A_178] : memref<6400xi32, #tpu.memory_space<vmem>> -> memref<128xi32, #tpu.memory_space<vmem>>
    %dma_start3A_180 = tpu.memref_slice %arg2[%dma_start3A_173, %mul3A_2] : memref<50x4096xi32, #tpu.memory_space<hbm>> -> memref<1x128xi32, #tpu.memory_space<hbm>>
    %dma_start3A_181 = tpu.memref_squeeze %dma_start3A_180 : memref<1x128xi32, #tpu.memory_space<hbm>> -> memref<128xi32, #tpu.memory_space<hbm>>
    tpu.enqueue_dma source(%dma_start3A_181 : memref<128xi32, #tpu.memory_space<hbm>>) target(%dma_start3A_179 : memref<128xi32, #tpu.memory_space<vmem>>) target_semaphore(%arg11 : memref<!tpu.dma_semaphore, #tpu.memory_space<semaphore_mem>>)
    %dma_start3A_182 = arith.constant 20 : i32
    %dma_start3A_183 = arith.constant 2560 : i32
    %dma_start3A_184 = tpu.memref_slice %arg5[%dma_start3A_183] : memref<6400xi32, #tpu.memory_space<vmem>> -> memref<128xi32, #tpu.memory_space<vmem>>
    %dma_start3A_185 = tpu.memref_slice %arg2[%dma_start3A_182, %mul3A_2] : memref<50x4096xi32, #tpu.memory_space<hbm>> -> memref<1x128xi32, #tpu.memory_space<hbm>>
    %dma_start3A_186 = tpu.memref_squeeze %dma_start3A_185 : memref<1x128xi32, #tpu.memory_space<hbm>> -> memref<128xi32, #tpu.memory_space<hbm>>
    %dma_start3A_187 = arith.constant 2560 : i32
    %dma_start3A_188 = tpu.memref_slice %arg5[%dma_start3A_187] : memref<6400xi32, #tpu.memory_space<vmem>> -> memref<128xi32, #tpu.memory_space<vmem>>
    %dma_start3A_189 = tpu.memref_slice %arg2[%dma_start3A_182, %mul3A_2] : memref<50x4096xi32, #tpu.memory_space<hbm>> -> memref<1x128xi32, #tpu.memory_space<hbm>>
    %dma_start3A_190 = tpu.memref_squeeze %dma_start3A_189 : memref<1x128xi32, #tpu.memory_space<hbm>> -> memref<128xi32, #tpu.memory_space<hbm>>
    tpu.enqueue_dma source(%dma_start3A_190 : memref<128xi32, #tpu.memory_space<hbm>>) target(%dma_start3A_188 : memref<128xi32, #tpu.memory_space<vmem>>) target_semaphore(%arg11 : memref<!tpu.dma_semaphore, #tpu.memory_space<semaphore_mem>>)
    %dma_start3A_191 = arith.constant 21 : i32
    %dma_start3A_192 = arith.constant 2688 : i32
    %dma_start3A_193 = tpu.memref_slice %arg5[%dma_start3A_192] : memref<6400xi32, #tpu.memory_space<vmem>> -> memref<128xi32, #tpu.memory_space<vmem>>
    %dma_start3A_194 = tpu.memref_slice %arg2[%dma_start3A_191, %mul3A_2] : memref<50x4096xi32, #tpu.memory_space<hbm>> -> memref<1x128xi32, #tpu.memory_space<hbm>>
    %dma_start3A_195 = tpu.memref_squeeze %dma_start3A_194 : memref<1x128xi32, #tpu.memory_space<hbm>> -> memref<128xi32, #tpu.memory_space<hbm>>
    %dma_start3A_196 = arith.constant 2688 : i32
    %dma_start3A_197 = tpu.memref_slice %arg5[%dma_start3A_196] : memref<6400xi32, #tpu.memory_space<vmem>> -> memref<128xi32, #tpu.memory_space<vmem>>
    %dma_start3A_198 = tpu.memref_slice %arg2[%dma_start3A_191, %mul3A_2] : memref<50x4096xi32, #tpu.memory_space<hbm>> -> memref<1x128xi32, #tpu.memory_space<hbm>>
    %dma_start3A_199 = tpu.memref_squeeze %dma_start3A_198 : memref<1x128xi32, #tpu.memory_space<hbm>> -> memref<128xi32, #tpu.memory_space<hbm>>
    tpu.enqueue_dma source(%dma_start3A_199 : memref<128xi32, #tpu.memory_space<hbm>>) target(%dma_start3A_197 : memref<128xi32, #tpu.memory_space<vmem>>) target_semaphore(%arg11 : memref<!tpu.dma_semaphore, #tpu.memory_space<semaphore_mem>>)
    %dma_start3A_200 = arith.constant 22 : i32
    %dma_start3A_201 = arith.constant 2816 : i32
    %dma_start3A_202 = tpu.memref_slice %arg5[%dma_start3A_201] : memref<6400xi32, #tpu.memory_space<vmem>> -> memref<128xi32, #tpu.memory_space<vmem>>
    %dma_start3A_203 = tpu.memref_slice %arg2[%dma_start3A_200, %mul3A_2] : memref<50x4096xi32, #tpu.memory_space<hbm>> -> memref<1x128xi32, #tpu.memory_space<hbm>>
    %dma_start3A_204 = tpu.memref_squeeze %dma_start3A_203 : memref<1x128xi32, #tpu.memory_space<hbm>> -> memref<128xi32, #tpu.memory_space<hbm>>
    %dma_start3A_205 = arith.constant 2816 : i32
    %dma_start3A_206 = tpu.memref_slice %arg5[%dma_start3A_205] : memref<6400xi32, #tpu.memory_space<vmem>> -> memref<128xi32, #tpu.memory_space<vmem>>
    %dma_start3A_207 = tpu.memref_slice %arg2[%dma_start3A_200, %mul3A_2] : memref<50x4096xi32, #tpu.memory_space<hbm>> -> memref<1x128xi32, #tpu.memory_space<hbm>>
    %dma_start3A_208 = tpu.memref_squeeze %dma_start3A_207 : memref<1x128xi32, #tpu.memory_space<hbm>> -> memref<128xi32, #tpu.memory_space<hbm>>
    tpu.enqueue_dma source(%dma_start3A_208 : memref<128xi32, #tpu.memory_space<hbm>>) target(%dma_start3A_206 : memref<128xi32, #tpu.memory_space<vmem>>) target_semaphore(%arg11 : memref<!tpu.dma_semaphore, #tpu.memory_space<semaphore_mem>>)
    %dma_start3A_209 = arith.constant 23 : i32
    %dma_start3A_210 = arith.constant 2944 : i32
    %dma_start3A_211 = tpu.memref_slice %arg5[%dma_start3A_210] : memref<6400xi32, #tpu.memory_space<vmem>> -> memref<128xi32, #tpu.memory_space<vmem>>
    %dma_start3A_212 = tpu.memref_slice %arg2[%dma_start3A_209, %mul3A_2] : memref<50x4096xi32, #tpu.memory_space<hbm>> -> memref<1x128xi32, #tpu.memory_space<hbm>>
    %dma_start3A_213 = tpu.memref_squeeze %dma_start3A_212 : memref<1x128xi32, #tpu.memory_space<hbm>> -> memref<128xi32, #tpu.memory_space<hbm>>
    %dma_start3A_214 = arith.constant 2944 : i32
    %dma_start3A_215 = tpu.memref_slice %arg5[%dma_start3A_214] : memref<6400xi32, #tpu.memory_space<vmem>> -> memref<128xi32, #tpu.memory_space<vmem>>
    %dma_start3A_216 = tpu.memref_slice %arg2[%dma_start3A_209, %mul3A_2] : memref<50x4096xi32, #tpu.memory_space<hbm>> -> memref<1x128xi32, #tpu.memory_space<hbm>>
    %dma_start3A_217 = tpu.memref_squeeze %dma_start3A_216 : memref<1x128xi32, #tpu.memory_space<hbm>> -> memref<128xi32, #tpu.memory_space<hbm>>
    tpu.enqueue_dma source(%dma_start3A_217 : memref<128xi32, #tpu.memory_space<hbm>>) target(%dma_start3A_215 : memref<128xi32, #tpu.memory_space<vmem>>) target_semaphore(%arg11 : memref<!tpu.dma_semaphore, #tpu.memory_space<semaphore_mem>>)
    %dma_start3A_218 = arith.constant 24 : i32
    %dma_start3A_219 = arith.constant 3072 : i32
    %dma_start3A_220 = tpu.memref_slice %arg5[%dma_start3A_219] : memref<6400xi32, #tpu.memory_space<vmem>> -> memref<128xi32, #tpu.memory_space<vmem>>
    %dma_start3A_221 = tpu.memref_slice %arg2[%dma_start3A_218, %mul3A_2] : memref<50x4096xi32, #tpu.memory_space<hbm>> -> memref<1x128xi32, #tpu.memory_space<hbm>>
    %dma_start3A_222 = tpu.memref_squeeze %dma_start3A_221 : memref<1x128xi32, #tpu.memory_space<hbm>> -> memref<128xi32, #tpu.memory_space<hbm>>
    %dma_start3A_223 = arith.constant 3072 : i32
    %dma_start3A_224 = tpu.memref_slice %arg5[%dma_start3A_223] : memref<6400xi32, #tpu.memory_space<vmem>> -> memref<128xi32, #tpu.memory_space<vmem>>
    %dma_start3A_225 = tpu.memref_slice %arg2[%dma_start3A_218, %mul3A_2] : memref<50x4096xi32, #tpu.memory_space<hbm>> -> memref<1x128xi32, #tpu.memory_space<hbm>>
    %dma_start3A_226 = tpu.memref_squeeze %dma_start3A_225 : memref<1x128xi32, #tpu.memory_space<hbm>> -> memref<128xi32, #tpu.memory_space<hbm>>
    tpu.enqueue_dma source(%dma_start3A_226 : memref<128xi32, #tpu.memory_space<hbm>>) target(%dma_start3A_224 : memref<128xi32, #tpu.memory_space<vmem>>) target_semaphore(%arg11 : memref<!tpu.dma_semaphore, #tpu.memory_space<semaphore_mem>>)
    %dma_start3A_227 = arith.constant 25 : i32
    %dma_start3A_228 = arith.constant 3200 : i32
    %dma_start3A_229 = tpu.memref_slice %arg5[%dma_start3A_228] : memref<6400xi32, #tpu.memory_space<vmem>> -> memref<128xi32, #tpu.memory_space<vmem>>
    %dma_start3A_230 = tpu.memref_slice %arg2[%dma_start3A_227, %mul3A_2] : memref<50x4096xi32, #tpu.memory_space<hbm>> -> memref<1x128xi32, #tpu.memory_space<hbm>>
    %dma_start3A_231 = tpu.memref_squeeze %dma_start3A_230 : memref<1x128xi32, #tpu.memory_space<hbm>> -> memref<128xi32, #tpu.memory_space<hbm>>
    %dma_start3A_232 = arith.constant 3200 : i32
    %dma_start3A_233 = tpu.memref_slice %arg5[%dma_start3A_232] : memref<6400xi32, #tpu.memory_space<vmem>> -> memref<128xi32, #tpu.memory_space<vmem>>
    %dma_start3A_234 = tpu.memref_slice %arg2[%dma_start3A_227, %mul3A_2] : memref<50x4096xi32, #tpu.memory_space<hbm>> -> memref<1x128xi32, #tpu.memory_space<hbm>>
    %dma_start3A_235 = tpu.memref_squeeze %dma_start3A_234 : memref<1x128xi32, #tpu.memory_space<hbm>> -> memref<128xi32, #tpu.memory_space<hbm>>
    tpu.enqueue_dma source(%dma_start3A_235 : memref<128xi32, #tpu.memory_space<hbm>>) target(%dma_start3A_233 : memref<128xi32, #tpu.memory_space<vmem>>) target_semaphore(%arg11 : memref<!tpu.dma_semaphore, #tpu.memory_space<semaphore_mem>>)
    %dma_start3A_236 = arith.constant 26 : i32
    %dma_start3A_237 = arith.constant 3328 : i32
    %dma_start3A_238 = tpu.memref_slice %arg5[%dma_start3A_237] : memref<6400xi32, #tpu.memory_space<vmem>> -> memref<128xi32, #tpu.memory_space<vmem>>
    %dma_start3A_239 = tpu.memref_slice %arg2[%dma_start3A_236, %mul3A_2] : memref<50x4096xi32, #tpu.memory_space<hbm>> -> memref<1x128xi32, #tpu.memory_space<hbm>>
    %dma_start3A_240 = tpu.memref_squeeze %dma_start3A_239 : memref<1x128xi32, #tpu.memory_space<hbm>> -> memref<128xi32, #tpu.memory_space<hbm>>
    %dma_start3A_241 = arith.constant 3328 : i32
    %dma_start3A_242 = tpu.memref_slice %arg5[%dma_start3A_241] : memref<6400xi32, #tpu.memory_space<vmem>> -> memref<128xi32, #tpu.memory_space<vmem>>
    %dma_start3A_243 = tpu.memref_slice %arg2[%dma_start3A_236, %mul3A_2] : memref<50x4096xi32, #tpu.memory_space<hbm>> -> memref<1x128xi32, #tpu.memory_space<hbm>>
    %dma_start3A_244 = tpu.memref_squeeze %dma_start3A_243 : memref<1x128xi32, #tpu.memory_space<hbm>> -> memref<128xi32, #tpu.memory_space<hbm>>
    tpu.enqueue_dma source(%dma_start3A_244 : memref<128xi32, #tpu.memory_space<hbm>>) target(%dma_start3A_242 : memref<128xi32, #tpu.memory_space<vmem>>) target_semaphore(%arg11 : memref<!tpu.dma_semaphore, #tpu.memory_space<semaphore_mem>>)
    %dma_start3A_245 = arith.constant 27 : i32
    %dma_start3A_246 = arith.constant 3456 : i32
    %dma_start3A_247 = tpu.memref_slice %arg5[%dma_start3A_246] : memref<6400xi32, #tpu.memory_space<vmem>> -> memref<128xi32, #tpu.memory_space<vmem>>
    %dma_start3A_248 = tpu.memref_slice %arg2[%dma_start3A_245, %mul3A_2] : memref<50x4096xi32, #tpu.memory_space<hbm>> -> memref<1x128xi32, #tpu.memory_space<hbm>>
    %dma_start3A_249 = tpu.memref_squeeze %dma_start3A_248 : memref<1x128xi32, #tpu.memory_space<hbm>> -> memref<128xi32, #tpu.memory_space<hbm>>
    %dma_start3A_250 = arith.constant 3456 : i32
    %dma_start3A_251 = tpu.memref_slice %arg5[%dma_start3A_250] : memref<6400xi32, #tpu.memory_space<vmem>> -> memref<128xi32, #tpu.memory_space<vmem>>
    %dma_start3A_252 = tpu.memref_slice %arg2[%dma_start3A_245, %mul3A_2] : memref<50x4096xi32, #tpu.memory_space<hbm>> -> memref<1x128xi32, #tpu.memory_space<hbm>>
    %dma_start3A_253 = tpu.memref_squeeze %dma_start3A_252 : memref<1x128xi32, #tpu.memory_space<hbm>> -> memref<128xi32, #tpu.memory_space<hbm>>
    tpu.enqueue_dma source(%dma_start3A_253 : memref<128xi32, #tpu.memory_space<hbm>>) target(%dma_start3A_251 : memref<128xi32, #tpu.memory_space<vmem>>) target_semaphore(%arg11 : memref<!tpu.dma_semaphore, #tpu.memory_space<semaphore_mem>>)
    %dma_start3A_254 = arith.constant 28 : i32
    %dma_start3A_255 = arith.constant 3584 : i32
    %dma_start3A_256 = tpu.memref_slice %arg5[%dma_start3A_255] : memref<6400xi32, #tpu.memory_space<vmem>> -> memref<128xi32, #tpu.memory_space<vmem>>
    %dma_start3A_257 = tpu.memref_slice %arg2[%dma_start3A_254, %mul3A_2] : memref<50x4096xi32, #tpu.memory_space<hbm>> -> memref<1x128xi32, #tpu.memory_space<hbm>>
    %dma_start3A_258 = tpu.memref_squeeze %dma_start3A_257 : memref<1x128xi32, #tpu.memory_space<hbm>> -> memref<128xi32, #tpu.memory_space<hbm>>
    %dma_start3A_259 = arith.constant 3584 : i32
    %dma_start3A_260 = tpu.memref_slice %arg5[%dma_start3A_259] : memref<6400xi32, #tpu.memory_space<vmem>> -> memref<128xi32, #tpu.memory_space<vmem>>
    %dma_start3A_261 = tpu.memref_slice %arg2[%dma_start3A_254, %mul3A_2] : memref<50x4096xi32, #tpu.memory_space<hbm>> -> memref<1x128xi32, #tpu.memory_space<hbm>>
    %dma_start3A_262 = tpu.memref_squeeze %dma_start3A_261 : memref<1x128xi32, #tpu.memory_space<hbm>> -> memref<128xi32, #tpu.memory_space<hbm>>
    tpu.enqueue_dma source(%dma_start3A_262 : memref<128xi32, #tpu.memory_space<hbm>>) target(%dma_start3A_260 : memref<128xi32, #tpu.memory_space<vmem>>) target_semaphore(%arg11 : memref<!tpu.dma_semaphore, #tpu.memory_space<semaphore_mem>>)
    %dma_start3A_263 = arith.constant 29 : i32
    %dma_start3A_264 = arith.constant 3712 : i32
    %dma_start3A_265 = tpu.memref_slice %arg5[%dma_start3A_264] : memref<6400xi32, #tpu.memory_space<vmem>> -> memref<128xi32, #tpu.memory_space<vmem>>
    %dma_start3A_266 = tpu.memref_slice %arg2[%dma_start3A_263, %mul3A_2] : memref<50x4096xi32, #tpu.memory_space<hbm>> -> memref<1x128xi32, #tpu.memory_space<hbm>>
    %dma_start3A_267 = tpu.memref_squeeze %dma_start3A_266 : memref<1x128xi32, #tpu.memory_space<hbm>> -> memref<128xi32, #tpu.memory_space<hbm>>
    %dma_start3A_268 = arith.constant 3712 : i32
    %dma_start3A_269 = tpu.memref_slice %arg5[%dma_start3A_268] : memref<6400xi32, #tpu.memory_space<vmem>> -> memref<128xi32, #tpu.memory_space<vmem>>
    %dma_start3A_270 = tpu.memref_slice %arg2[%dma_start3A_263, %mul3A_2] : memref<50x4096xi32, #tpu.memory_space<hbm>> -> memref<1x128xi32, #tpu.memory_space<hbm>>
    %dma_start3A_271 = tpu.memref_squeeze %dma_start3A_270 : memref<1x128xi32, #tpu.memory_space<hbm>> -> memref<128xi32, #tpu.memory_space<hbm>>
    tpu.enqueue_dma source(%dma_start3A_271 : memref<128xi32, #tpu.memory_space<hbm>>) target(%dma_start3A_269 : memref<128xi32, #tpu.memory_space<vmem>>) target_semaphore(%arg11 : memref<!tpu.dma_semaphore, #tpu.memory_space<semaphore_mem>>)
    %dma_start3A_272 = arith.constant 30 : i32
    %dma_start3A_273 = arith.constant 3840 : i32
    %dma_start3A_274 = tpu.memref_slice %arg5[%dma_start3A_273] : memref<6400xi32, #tpu.memory_space<vmem>> -> memref<128xi32, #tpu.memory_space<vmem>>
    %dma_start3A_275 = tpu.memref_slice %arg2[%dma_start3A_272, %mul3A_2] : memref<50x4096xi32, #tpu.memory_space<hbm>> -> memref<1x128xi32, #tpu.memory_space<hbm>>
    %dma_start3A_276 = tpu.memref_squeeze %dma_start3A_275 : memref<1x128xi32, #tpu.memory_space<hbm>> -> memref<128xi32, #tpu.memory_space<hbm>>
    %dma_start3A_277 = arith.constant 3840 : i32
    %dma_start3A_278 = tpu.memref_slice %arg5[%dma_start3A_277] : memref<6400xi32, #tpu.memory_space<vmem>> -> memref<128xi32, #tpu.memory_space<vmem>>
    %dma_start3A_279 = tpu.memref_slice %arg2[%dma_start3A_272, %mul3A_2] : memref<50x4096xi32, #tpu.memory_space<hbm>> -> memref<1x128xi32, #tpu.memory_space<hbm>>
    %dma_start3A_280 = tpu.memref_squeeze %dma_start3A_279 : memref<1x128xi32, #tpu.memory_space<hbm>> -> memref<128xi32, #tpu.memory_space<hbm>>
    tpu.enqueue_dma source(%dma_start3A_280 : memref<128xi32, #tpu.memory_space<hbm>>) target(%dma_start3A_278 : memref<128xi32, #tpu.memory_space<vmem>>) target_semaphore(%arg11 : memref<!tpu.dma_semaphore, #tpu.memory_space<semaphore_mem>>)
    %dma_start3A_281 = arith.constant 31 : i32
    %dma_start3A_282 = arith.constant 3968 : i32
    %dma_start3A_283 = tpu.memref_slice %arg5[%dma_start3A_282] : memref<6400xi32, #tpu.memory_space<vmem>> -> memref<128xi32, #tpu.memory_space<vmem>>
    %dma_start3A_284 = tpu.memref_slice %arg2[%dma_start3A_281, %mul3A_2] : memref<50x4096xi32, #tpu.memory_space<hbm>> -> memref<1x128xi32, #tpu.memory_space<hbm>>
    %dma_start3A_285 = tpu.memref_squeeze %dma_start3A_284 : memref<1x128xi32, #tpu.memory_space<hbm>> -> memref<128xi32, #tpu.memory_space<hbm>>
    %dma_start3A_286 = arith.constant 3968 : i32
    %dma_start3A_287 = tpu.memref_slice %arg5[%dma_start3A_286] : memref<6400xi32, #tpu.memory_space<vmem>> -> memref<128xi32, #tpu.memory_space<vmem>>
    %dma_start3A_288 = tpu.memref_slice %arg2[%dma_start3A_281, %mul3A_2] : memref<50x4096xi32, #tpu.memory_space<hbm>> -> memref<1x128xi32, #tpu.memory_space<hbm>>
    %dma_start3A_289 = tpu.memref_squeeze %dma_start3A_288 : memref<1x128xi32, #tpu.memory_space<hbm>> -> memref<128xi32, #tpu.memory_space<hbm>>
    tpu.enqueue_dma source(%dma_start3A_289 : memref<128xi32, #tpu.memory_space<hbm>>) target(%dma_start3A_287 : memref<128xi32, #tpu.memory_space<vmem>>) target_semaphore(%arg11 : memref<!tpu.dma_semaphore, #tpu.memory_space<semaphore_mem>>)
    %dma_start3A_290 = arith.constant 32 : i32
    %dma_start3A_291 = arith.constant 4096 : i32
    %dma_start3A_292 = tpu.memref_slice %arg5[%dma_start3A_291] : memref<6400xi32, #tpu.memory_space<vmem>> -> memref<128xi32, #tpu.memory_space<vmem>>
    %dma_start3A_293 = tpu.memref_slice %arg2[%dma_start3A_290, %mul3A_2] : memref<50x4096xi32, #tpu.memory_space<hbm>> -> memref<1x128xi32, #tpu.memory_space<hbm>>
    %dma_start3A_294 = tpu.memref_squeeze %dma_start3A_293 : memref<1x128xi32, #tpu.memory_space<hbm>> -> memref<128xi32, #tpu.memory_space<hbm>>
    %dma_start3A_295 = arith.constant 4096 : i32
    %dma_start3A_296 = tpu.memref_slice %arg5[%dma_start3A_295] : memref<6400xi32, #tpu.memory_space<vmem>> -> memref<128xi32, #tpu.memory_space<vmem>>
    %dma_start3A_297 = tpu.memref_slice %arg2[%dma_start3A_290, %mul3A_2] : memref<50x4096xi32, #tpu.memory_space<hbm>> -> memref<1x128xi32, #tpu.memory_space<hbm>>
    %dma_start3A_298 = tpu.memref_squeeze %dma_start3A_297 : memref<1x128xi32, #tpu.memory_space<hbm>> -> memref<128xi32, #tpu.memory_space<hbm>>
    tpu.enqueue_dma source(%dma_start3A_298 : memref<128xi32, #tpu.memory_space<hbm>>) target(%dma_start3A_296 : memref<128xi32, #tpu.memory_space<vmem>>) target_semaphore(%arg11 : memref<!tpu.dma_semaphore, #tpu.memory_space<semaphore_mem>>)
    %dma_start3A_299 = arith.constant 33 : i32
    %dma_start3A_300 = arith.constant 4224 : i32
    %dma_start3A_301 = tpu.memref_slice %arg5[%dma_start3A_300] : memref<6400xi32, #tpu.memory_space<vmem>> -> memref<128xi32, #tpu.memory_space<vmem>>
    %dma_start3A_302 = tpu.memref_slice %arg2[%dma_start3A_299, %mul3A_2] : memref<50x4096xi32, #tpu.memory_space<hbm>> -> memref<1x128xi32, #tpu.memory_space<hbm>>
    %dma_start3A_303 = tpu.memref_squeeze %dma_start3A_302 : memref<1x128xi32, #tpu.memory_space<hbm>> -> memref<128xi32, #tpu.memory_space<hbm>>
    %dma_start3A_304 = arith.constant 4224 : i32
    %dma_start3A_305 = tpu.memref_slice %arg5[%dma_start3A_304] : memref<6400xi32, #tpu.memory_space<vmem>> -> memref<128xi32, #tpu.memory_space<vmem>>
    %dma_start3A_306 = tpu.memref_slice %arg2[%dma_start3A_299, %mul3A_2] : memref<50x4096xi32, #tpu.memory_space<hbm>> -> memref<1x128xi32, #tpu.memory_space<hbm>>
    %dma_start3A_307 = tpu.memref_squeeze %dma_start3A_306 : memref<1x128xi32, #tpu.memory_space<hbm>> -> memref<128xi32, #tpu.memory_space<hbm>>
    tpu.enqueue_dma source(%dma_start3A_307 : memref<128xi32, #tpu.memory_space<hbm>>) target(%dma_start3A_305 : memref<128xi32, #tpu.memory_space<vmem>>) target_semaphore(%arg11 : memref<!tpu.dma_semaphore, #tpu.memory_space<semaphore_mem>>)
    %dma_start3A_308 = arith.constant 34 : i32
    %dma_start3A_309 = arith.constant 4352 : i32
    %dma_start3A_310 = tpu.memref_slice %arg5[%dma_start3A_309] : memref<6400xi32, #tpu.memory_space<vmem>> -> memref<128xi32, #tpu.memory_space<vmem>>
    %dma_start3A_311 = tpu.memref_slice %arg2[%dma_start3A_308, %mul3A_2] : memref<50x4096xi32, #tpu.memory_space<hbm>> -> memref<1x128xi32, #tpu.memory_space<hbm>>
    %dma_start3A_312 = tpu.memref_squeeze %dma_start3A_311 : memref<1x128xi32, #tpu.memory_space<hbm>> -> memref<128xi32, #tpu.memory_space<hbm>>
    %dma_start3A_313 = arith.constant 4352 : i32
    %dma_start3A_314 = tpu.memref_slice %arg5[%dma_start3A_313] : memref<6400xi32, #tpu.memory_space<vmem>> -> memref<128xi32, #tpu.memory_space<vmem>>
    %dma_start3A_315 = tpu.memref_slice %arg2[%dma_start3A_308, %mul3A_2] : memref<50x4096xi32, #tpu.memory_space<hbm>> -> memref<1x128xi32, #tpu.memory_space<hbm>>
    %dma_start3A_316 = tpu.memref_squeeze %dma_start3A_315 : memref<1x128xi32, #tpu.memory_space<hbm>> -> memref<128xi32, #tpu.memory_space<hbm>>
    tpu.enqueue_dma source(%dma_start3A_316 : memref<128xi32, #tpu.memory_space<hbm>>) target(%dma_start3A_314 : memref<128xi32, #tpu.memory_space<vmem>>) target_semaphore(%arg11 : memref<!tpu.dma_semaphore, #tpu.memory_space<semaphore_mem>>)
    %dma_start3A_317 = arith.constant 35 : i32
    %dma_start3A_318 = arith.constant 4480 : i32
    %dma_start3A_319 = tpu.memref_slice %arg5[%dma_start3A_318] : memref<6400xi32, #tpu.memory_space<vmem>> -> memref<128xi32, #tpu.memory_space<vmem>>
    %dma_start3A_320 = tpu.memref_slice %arg2[%dma_start3A_317, %mul3A_2] : memref<50x4096xi32, #tpu.memory_space<hbm>> -> memref<1x128xi32, #tpu.memory_space<hbm>>
    %dma_start3A_321 = tpu.memref_squeeze %dma_start3A_320 : memref<1x128xi32, #tpu.memory_space<hbm>> -> memref<128xi32, #tpu.memory_space<hbm>>
    %dma_start3A_322 = arith.constant 4480 : i32
    %dma_start3A_323 = tpu.memref_slice %arg5[%dma_start3A_322] : memref<6400xi32, #tpu.memory_space<vmem>> -> memref<128xi32, #tpu.memory_space<vmem>>
    %dma_start3A_324 = tpu.memref_slice %arg2[%dma_start3A_317, %mul3A_2] : memref<50x4096xi32, #tpu.memory_space<hbm>> -> memref<1x128xi32, #tpu.memory_space<hbm>>
    %dma_start3A_325 = tpu.memref_squeeze %dma_start3A_324 : memref<1x128xi32, #tpu.memory_space<hbm>> -> memref<128xi32, #tpu.memory_space<hbm>>
    tpu.enqueue_dma source(%dma_start3A_325 : memref<128xi32, #tpu.memory_space<hbm>>) target(%dma_start3A_323 : memref<128xi32, #tpu.memory_space<vmem>>) target_semaphore(%arg11 : memref<!tpu.dma_semaphore, #tpu.memory_space<semaphore_mem>>)
    %dma_start3A_326 = arith.constant 36 : i32
    %dma_start3A_327 = arith.constant 4608 : i32
    %dma_start3A_328 = tpu.memref_slice %arg5[%dma_start3A_327] : memref<6400xi32, #tpu.memory_space<vmem>> -> memref<128xi32, #tpu.memory_space<vmem>>
    %dma_start3A_329 = tpu.memref_slice %arg2[%dma_start3A_326, %mul3A_2] : memref<50x4096xi32, #tpu.memory_space<hbm>> -> memref<1x128xi32, #tpu.memory_space<hbm>>
    %dma_start3A_330 = tpu.memref_squeeze %dma_start3A_329 : memref<1x128xi32, #tpu.memory_space<hbm>> -> memref<128xi32, #tpu.memory_space<hbm>>
    %dma_start3A_331 = arith.constant 4608 : i32
    %dma_start3A_332 = tpu.memref_slice %arg5[%dma_start3A_331] : memref<6400xi32, #tpu.memory_space<vmem>> -> memref<128xi32, #tpu.memory_space<vmem>>
    %dma_start3A_333 = tpu.memref_slice %arg2[%dma_start3A_326, %mul3A_2] : memref<50x4096xi32, #tpu.memory_space<hbm>> -> memref<1x128xi32, #tpu.memory_space<hbm>>
    %dma_start3A_334 = tpu.memref_squeeze %dma_start3A_333 : memref<1x128xi32, #tpu.memory_space<hbm>> -> memref<128xi32, #tpu.memory_space<hbm>>
    tpu.enqueue_dma source(%dma_start3A_334 : memref<128xi32, #tpu.memory_space<hbm>>) target(%dma_start3A_332 : memref<128xi32, #tpu.memory_space<vmem>>) target_semaphore(%arg11 : memref<!tpu.dma_semaphore, #tpu.memory_space<semaphore_mem>>)
    %dma_start3A_335 = arith.constant 37 : i32
    %dma_start3A_336 = arith.constant 4736 : i32
    %dma_start3A_337 = tpu.memref_slice %arg5[%dma_start3A_336] : memref<6400xi32, #tpu.memory_space<vmem>> -> memref<128xi32, #tpu.memory_space<vmem>>
    %dma_start3A_338 = tpu.memref_slice %arg2[%dma_start3A_335, %mul3A_2] : memref<50x4096xi32, #tpu.memory_space<hbm>> -> memref<1x128xi32, #tpu.memory_space<hbm>>
    %dma_start3A_339 = tpu.memref_squeeze %dma_start3A_338 : memref<1x128xi32, #tpu.memory_space<hbm>> -> memref<128xi32, #tpu.memory_space<hbm>>
    %dma_start3A_340 = arith.constant 4736 : i32
    %dma_start3A_341 = tpu.memref_slice %arg5[%dma_start3A_340] : memref<6400xi32, #tpu.memory_space<vmem>> -> memref<128xi32, #tpu.memory_space<vmem>>
    %dma_start3A_342 = tpu.memref_slice %arg2[%dma_start3A_335, %mul3A_2] : memref<50x4096xi32, #tpu.memory_space<hbm>> -> memref<1x128xi32, #tpu.memory_space<hbm>>
    %dma_start3A_343 = tpu.memref_squeeze %dma_start3A_342 : memref<1x128xi32, #tpu.memory_space<hbm>> -> memref<128xi32, #tpu.memory_space<hbm>>
    tpu.enqueue_dma source(%dma_start3A_343 : memref<128xi32, #tpu.memory_space<hbm>>) target(%dma_start3A_341 : memref<128xi32, #tpu.memory_space<vmem>>) target_semaphore(%arg11 : memref<!tpu.dma_semaphore, #tpu.memory_space<semaphore_mem>>)
    %dma_start3A_344 = arith.constant 38 : i32
    %dma_start3A_345 = arith.constant 4864 : i32
    %dma_start3A_346 = tpu.memref_slice %arg5[%dma_start3A_345] : memref<6400xi32, #tpu.memory_space<vmem>> -> memref<128xi32, #tpu.memory_space<vmem>>
    %dma_start3A_347 = tpu.memref_slice %arg2[%dma_start3A_344, %mul3A_2] : memref<50x4096xi32, #tpu.memory_space<hbm>> -> memref<1x128xi32, #tpu.memory_space<hbm>>
    %dma_start3A_348 = tpu.memref_squeeze %dma_start3A_347 : memref<1x128xi32, #tpu.memory_space<hbm>> -> memref<128xi32, #tpu.memory_space<hbm>>
    %dma_start3A_349 = arith.constant 4864 : i32
    %dma_start3A_350 = tpu.memref_slice %arg5[%dma_start3A_349] : memref<6400xi32, #tpu.memory_space<vmem>> -> memref<128xi32, #tpu.memory_space<vmem>>
    %dma_start3A_351 = tpu.memref_slice %arg2[%dma_start3A_344, %mul3A_2] : memref<50x4096xi32, #tpu.memory_space<hbm>> -> memref<1x128xi32, #tpu.memory_space<hbm>>
    %dma_start3A_352 = tpu.memref_squeeze %dma_start3A_351 : memref<1x128xi32, #tpu.memory_space<hbm>> -> memref<128xi32, #tpu.memory_space<hbm>>
    tpu.enqueue_dma source(%dma_start3A_352 : memref<128xi32, #tpu.memory_space<hbm>>) target(%dma_start3A_350 : memref<128xi32, #tpu.memory_space<vmem>>) target_semaphore(%arg11 : memref<!tpu.dma_semaphore, #tpu.memory_space<semaphore_mem>>)
    %dma_start3A_353 = arith.constant 39 : i32
    %dma_start3A_354 = arith.constant 4992 : i32
    %dma_start3A_355 = tpu.memref_slice %arg5[%dma_start3A_354] : memref<6400xi32, #tpu.memory_space<vmem>> -> memref<128xi32, #tpu.memory_space<vmem>>
    %dma_start3A_356 = tpu.memref_slice %arg2[%dma_start3A_353, %mul3A_2] : memref<50x4096xi32, #tpu.memory_space<hbm>> -> memref<1x128xi32, #tpu.memory_space<hbm>>
    %dma_start3A_357 = tpu.memref_squeeze %dma_start3A_356 : memref<1x128xi32, #tpu.memory_space<hbm>> -> memref<128xi32, #tpu.memory_space<hbm>>
    %dma_start3A_358 = arith.constant 4992 : i32
    %dma_start3A_359 = tpu.memref_slice %arg5[%dma_start3A_358] : memref<6400xi32, #tpu.memory_space<vmem>> -> memref<128xi32, #tpu.memory_space<vmem>>
    %dma_start3A_360 = tpu.memref_slice %arg2[%dma_start3A_353, %mul3A_2] : memref<50x4096xi32, #tpu.memory_space<hbm>> -> memref<1x128xi32, #tpu.memory_space<hbm>>
    %dma_start3A_361 = tpu.memref_squeeze %dma_start3A_360 : memref<1x128xi32, #tpu.memory_space<hbm>> -> memref<128xi32, #tpu.memory_space<hbm>>
    tpu.enqueue_dma source(%dma_start3A_361 : memref<128xi32, #tpu.memory_space<hbm>>) target(%dma_start3A_359 : memref<128xi32, #tpu.memory_space<vmem>>) target_semaphore(%arg11 : memref<!tpu.dma_semaphore, #tpu.memory_space<semaphore_mem>>)
    %dma_start3A_362 = arith.constant 40 : i32
    %dma_start3A_363 = arith.constant 5120 : i32
    %dma_start3A_364 = tpu.memref_slice %arg5[%dma_start3A_363] : memref<6400xi32, #tpu.memory_space<vmem>> -> memref<128xi32, #tpu.memory_space<vmem>>
    %dma_start3A_365 = tpu.memref_slice %arg2[%dma_start3A_362, %mul3A_2] : memref<50x4096xi32, #tpu.memory_space<hbm>> -> memref<1x128xi32, #tpu.memory_space<hbm>>
    %dma_start3A_366 = tpu.memref_squeeze %dma_start3A_365 : memref<1x128xi32, #tpu.memory_space<hbm>> -> memref<128xi32, #tpu.memory_space<hbm>>
    %dma_start3A_367 = arith.constant 5120 : i32
    %dma_start3A_368 = tpu.memref_slice %arg5[%dma_start3A_367] : memref<6400xi32, #tpu.memory_space<vmem>> -> memref<128xi32, #tpu.memory_space<vmem>>
    %dma_start3A_369 = tpu.memref_slice %arg2[%dma_start3A_362, %mul3A_2] : memref<50x4096xi32, #tpu.memory_space<hbm>> -> memref<1x128xi32, #tpu.memory_space<hbm>>
    %dma_start3A_370 = tpu.memref_squeeze %dma_start3A_369 : memref<1x128xi32, #tpu.memory_space<hbm>> -> memref<128xi32, #tpu.memory_space<hbm>>
    tpu.enqueue_dma source(%dma_start3A_370 : memref<128xi32, #tpu.memory_space<hbm>>) target(%dma_start3A_368 : memref<128xi32, #tpu.memory_space<vmem>>) target_semaphore(%arg11 : memref<!tpu.dma_semaphore, #tpu.memory_space<semaphore_mem>>)
    %dma_start3A_371 = arith.constant 41 : i32
    %dma_start3A_372 = arith.constant 5248 : i32
    %dma_start3A_373 = tpu.memref_slice %arg5[%dma_start3A_372] : memref<6400xi32, #tpu.memory_space<vmem>> -> memref<128xi32, #tpu.memory_space<vmem>>
    %dma_start3A_374 = tpu.memref_slice %arg2[%dma_start3A_371, %mul3A_2] : memref<50x4096xi32, #tpu.memory_space<hbm>> -> memref<1x128xi32, #tpu.memory_space<hbm>>
    %dma_start3A_375 = tpu.memref_squeeze %dma_start3A_374 : memref<1x128xi32, #tpu.memory_space<hbm>> -> memref<128xi32, #tpu.memory_space<hbm>>
    %dma_start3A_376 = arith.constant 5248 : i32
    %dma_start3A_377 = tpu.memref_slice %arg5[%dma_start3A_376] : memref<6400xi32, #tpu.memory_space<vmem>> -> memref<128xi32, #tpu.memory_space<vmem>>
    %dma_start3A_378 = tpu.memref_slice %arg2[%dma_start3A_371, %mul3A_2] : memref<50x4096xi32, #tpu.memory_space<hbm>> -> memref<1x128xi32, #tpu.memory_space<hbm>>
    %dma_start3A_379 = tpu.memref_squeeze %dma_start3A_378 : memref<1x128xi32, #tpu.memory_space<hbm>> -> memref<128xi32, #tpu.memory_space<hbm>>
    tpu.enqueue_dma source(%dma_start3A_379 : memref<128xi32, #tpu.memory_space<hbm>>) target(%dma_start3A_377 : memref<128xi32, #tpu.memory_space<vmem>>) target_semaphore(%arg11 : memref<!tpu.dma_semaphore, #tpu.memory_space<semaphore_mem>>)
    %dma_start3A_380 = arith.constant 42 : i32
    %dma_start3A_381 = arith.constant 5376 : i32
    %dma_start3A_382 = tpu.memref_slice %arg5[%dma_start3A_381] : memref<6400xi32, #tpu.memory_space<vmem>> -> memref<128xi32, #tpu.memory_space<vmem>>
    %dma_start3A_383 = tpu.memref_slice %arg2[%dma_start3A_380, %mul3A_2] : memref<50x4096xi32, #tpu.memory_space<hbm>> -> memref<1x128xi32, #tpu.memory_space<hbm>>
    %dma_start3A_384 = tpu.memref_squeeze %dma_start3A_383 : memref<1x128xi32, #tpu.memory_space<hbm>> -> memref<128xi32, #tpu.memory_space<hbm>>
    %dma_start3A_385 = arith.constant 5376 : i32
    %dma_start3A_386 = tpu.memref_slice %arg5[%dma_start3A_385] : memref<6400xi32, #tpu.memory_space<vmem>> -> memref<128xi32, #tpu.memory_space<vmem>>
    %dma_start3A_387 = tpu.memref_slice %arg2[%dma_start3A_380, %mul3A_2] : memref<50x4096xi32, #tpu.memory_space<hbm>> -> memref<1x128xi32, #tpu.memory_space<hbm>>
    %dma_start3A_388 = tpu.memref_squeeze %dma_start3A_387 : memref<1x128xi32, #tpu.memory_space<hbm>> -> memref<128xi32, #tpu.memory_space<hbm>>
    tpu.enqueue_dma source(%dma_start3A_388 : memref<128xi32, #tpu.memory_space<hbm>>) target(%dma_start3A_386 : memref<128xi32, #tpu.memory_space<vmem>>) target_semaphore(%arg11 : memref<!tpu.dma_semaphore, #tpu.memory_space<semaphore_mem>>)
    %dma_start3A_389 = arith.constant 43 : i32
    %dma_start3A_390 = arith.constant 5504 : i32
    %dma_start3A_391 = tpu.memref_slice %arg5[%dma_start3A_390] : memref<6400xi32, #tpu.memory_space<vmem>> -> memref<128xi32, #tpu.memory_space<vmem>>
    %dma_start3A_392 = tpu.memref_slice %arg2[%dma_start3A_389, %mul3A_2] : memref<50x4096xi32, #tpu.memory_space<hbm>> -> memref<1x128xi32, #tpu.memory_space<hbm>>
    %dma_start3A_393 = tpu.memref_squeeze %dma_start3A_392 : memref<1x128xi32, #tpu.memory_space<hbm>> -> memref<128xi32, #tpu.memory_space<hbm>>
    %dma_start3A_394 = arith.constant 5504 : i32
    %dma_start3A_395 = tpu.memref_slice %arg5[%dma_start3A_394] : memref<6400xi32, #tpu.memory_space<vmem>> -> memref<128xi32, #tpu.memory_space<vmem>>
    %dma_start3A_396 = tpu.memref_slice %arg2[%dma_start3A_389, %mul3A_2] : memref<50x4096xi32, #tpu.memory_space<hbm>> -> memref<1x128xi32, #tpu.memory_space<hbm>>
    %dma_start3A_397 = tpu.memref_squeeze %dma_start3A_396 : memref<1x128xi32, #tpu.memory_space<hbm>> -> memref<128xi32, #tpu.memory_space<hbm>>
    tpu.enqueue_dma source(%dma_start3A_397 : memref<128xi32, #tpu.memory_space<hbm>>) target(%dma_start3A_395 : memref<128xi32, #tpu.memory_space<vmem>>) target_semaphore(%arg11 : memref<!tpu.dma_semaphore, #tpu.memory_space<semaphore_mem>>)
    %dma_start3A_398 = arith.constant 44 : i32
    %dma_start3A_399 = arith.constant 5632 : i32
    %dma_start3A_400 = tpu.memref_slice %arg5[%dma_start3A_399] : memref<6400xi32, #tpu.memory_space<vmem>> -> memref<128xi32, #tpu.memory_space<vmem>>
    %dma_start3A_401 = tpu.memref_slice %arg2[%dma_start3A_398, %mul3A_2] : memref<50x4096xi32, #tpu.memory_space<hbm>> -> memref<1x128xi32, #tpu.memory_space<hbm>>
    %dma_start3A_402 = tpu.memref_squeeze %dma_start3A_401 : memref<1x128xi32, #tpu.memory_space<hbm>> -> memref<128xi32, #tpu.memory_space<hbm>>
    %dma_start3A_403 = arith.constant 5632 : i32
    %dma_start3A_404 = tpu.memref_slice %arg5[%dma_start3A_403] : memref<6400xi32, #tpu.memory_space<vmem>> -> memref<128xi32, #tpu.memory_space<vmem>>
    %dma_start3A_405 = tpu.memref_slice %arg2[%dma_start3A_398, %mul3A_2] : memref<50x4096xi32, #tpu.memory_space<hbm>> -> memref<1x128xi32, #tpu.memory_space<hbm>>
    %dma_start3A_406 = tpu.memref_squeeze %dma_start3A_405 : memref<1x128xi32, #tpu.memory_space<hbm>> -> memref<128xi32, #tpu.memory_space<hbm>>
    tpu.enqueue_dma source(%dma_start3A_406 : memref<128xi32, #tpu.memory_space<hbm>>) target(%dma_start3A_404 : memref<128xi32, #tpu.memory_space<vmem>>) target_semaphore(%arg11 : memref<!tpu.dma_semaphore, #tpu.memory_space<semaphore_mem>>)
    %dma_start3A_407 = arith.constant 45 : i32
    %dma_start3A_408 = arith.constant 5760 : i32
    %dma_start3A_409 = tpu.memref_slice %arg5[%dma_start3A_408] : memref<6400xi32, #tpu.memory_space<vmem>> -> memref<128xi32, #tpu.memory_space<vmem>>
    %dma_start3A_410 = tpu.memref_slice %arg2[%dma_start3A_407, %mul3A_2] : memref<50x4096xi32, #tpu.memory_space<hbm>> -> memref<1x128xi32, #tpu.memory_space<hbm>>
    %dma_start3A_411 = tpu.memref_squeeze %dma_start3A_410 : memref<1x128xi32, #tpu.memory_space<hbm>> -> memref<128xi32, #tpu.memory_space<hbm>>
    %dma_start3A_412 = arith.constant 5760 : i32
    %dma_start3A_413 = tpu.memref_slice %arg5[%dma_start3A_412] : memref<6400xi32, #tpu.memory_space<vmem>> -> memref<128xi32, #tpu.memory_space<vmem>>
    %dma_start3A_414 = tpu.memref_slice %arg2[%dma_start3A_407, %mul3A_2] : memref<50x4096xi32, #tpu.memory_space<hbm>> -> memref<1x128xi32, #tpu.memory_space<hbm>>
    %dma_start3A_415 = tpu.memref_squeeze %dma_start3A_414 : memref<1x128xi32, #tpu.memory_space<hbm>> -> memref<128xi32, #tpu.memory_space<hbm>>
    tpu.enqueue_dma source(%dma_start3A_415 : memref<128xi32, #tpu.memory_space<hbm>>) target(%dma_start3A_413 : memref<128xi32, #tpu.memory_space<vmem>>) target_semaphore(%arg11 : memref<!tpu.dma_semaphore, #tpu.memory_space<semaphore_mem>>)
    %dma_start3A_416 = arith.constant 46 : i32
    %dma_start3A_417 = arith.constant 5888 : i32
    %dma_start3A_418 = tpu.memref_slice %arg5[%dma_start3A_417] : memref<6400xi32, #tpu.memory_space<vmem>> -> memref<128xi32, #tpu.memory_space<vmem>>
    %dma_start3A_419 = tpu.memref_slice %arg2[%dma_start3A_416, %mul3A_2] : memref<50x4096xi32, #tpu.memory_space<hbm>> -> memref<1x128xi32, #tpu.memory_space<hbm>>
    %dma_start3A_420 = tpu.memref_squeeze %dma_start3A_419 : memref<1x128xi32, #tpu.memory_space<hbm>> -> memref<128xi32, #tpu.memory_space<hbm>>
    %dma_start3A_421 = arith.constant 5888 : i32
    %dma_start3A_422 = tpu.memref_slice %arg5[%dma_start3A_421] : memref<6400xi32, #tpu.memory_space<vmem>> -> memref<128xi32, #tpu.memory_space<vmem>>
    %dma_start3A_423 = tpu.memref_slice %arg2[%dma_start3A_416, %mul3A_2] : memref<50x4096xi32, #tpu.memory_space<hbm>> -> memref<1x128xi32, #tpu.memory_space<hbm>>
    %dma_start3A_424 = tpu.memref_squeeze %dma_start3A_423 : memref<1x128xi32, #tpu.memory_space<hbm>> -> memref<128xi32, #tpu.memory_space<hbm>>
    tpu.enqueue_dma source(%dma_start3A_424 : memref<128xi32, #tpu.memory_space<hbm>>) target(%dma_start3A_422 : memref<128xi32, #tpu.memory_space<vmem>>) target_semaphore(%arg11 : memref<!tpu.dma_semaphore, #tpu.memory_space<semaphore_mem>>)
    %dma_start3A_425 = arith.constant 47 : i32
    %dma_start3A_426 = arith.constant 6016 : i32
    %dma_start3A_427 = tpu.memref_slice %arg5[%dma_start3A_426] : memref<6400xi32, #tpu.memory_space<vmem>> -> memref<128xi32, #tpu.memory_space<vmem>>
    %dma_start3A_428 = tpu.memref_slice %arg2[%dma_start3A_425, %mul3A_2] : memref<50x4096xi32, #tpu.memory_space<hbm>> -> memref<1x128xi32, #tpu.memory_space<hbm>>
    %dma_start3A_429 = tpu.memref_squeeze %dma_start3A_428 : memref<1x128xi32, #tpu.memory_space<hbm>> -> memref<128xi32, #tpu.memory_space<hbm>>
    %dma_start3A_430 = arith.constant 6016 : i32
    %dma_start3A_431 = tpu.memref_slice %arg5[%dma_start3A_430] : memref<6400xi32, #tpu.memory_space<vmem>> -> memref<128xi32, #tpu.memory_space<vmem>>
    %dma_start3A_432 = tpu.memref_slice %arg2[%dma_start3A_425, %mul3A_2] : memref<50x4096xi32, #tpu.memory_space<hbm>> -> memref<1x128xi32, #tpu.memory_space<hbm>>
    %dma_start3A_433 = tpu.memref_squeeze %dma_start3A_432 : memref<1x128xi32, #tpu.memory_space<hbm>> -> memref<128xi32, #tpu.memory_space<hbm>>
    tpu.enqueue_dma source(%dma_start3A_433 : memref<128xi32, #tpu.memory_space<hbm>>) target(%dma_start3A_431 : memref<128xi32, #tpu.memory_space<vmem>>) target_semaphore(%arg11 : memref<!tpu.dma_semaphore, #tpu.memory_space<semaphore_mem>>)
    %dma_start3A_434 = arith.constant 48 : i32
    %dma_start3A_435 = arith.constant 6144 : i32
    %dma_start3A_436 = tpu.memref_slice %arg5[%dma_start3A_435] : memref<6400xi32, #tpu.memory_space<vmem>> -> memref<128xi32, #tpu.memory_space<vmem>>
    %dma_start3A_437 = tpu.memref_slice %arg2[%dma_start3A_434, %mul3A_2] : memref<50x4096xi32, #tpu.memory_space<hbm>> -> memref<1x128xi32, #tpu.memory_space<hbm>>
    %dma_start3A_438 = tpu.memref_squeeze %dma_start3A_437 : memref<1x128xi32, #tpu.memory_space<hbm>> -> memref<128xi32, #tpu.memory_space<hbm>>
    %dma_start3A_439 = arith.constant 6144 : i32
    %dma_start3A_440 = tpu.memref_slice %arg5[%dma_start3A_439] : memref<6400xi32, #tpu.memory_space<vmem>> -> memref<128xi32, #tpu.memory_space<vmem>>
    %dma_start3A_441 = tpu.memref_slice %arg2[%dma_start3A_434, %mul3A_2] : memref<50x4096xi32, #tpu.memory_space<hbm>> -> memref<1x128xi32, #tpu.memory_space<hbm>>
    %dma_start3A_442 = tpu.memref_squeeze %dma_start3A_441 : memref<1x128xi32, #tpu.memory_space<hbm>> -> memref<128xi32, #tpu.memory_space<hbm>>
    tpu.enqueue_dma source(%dma_start3A_442 : memref<128xi32, #tpu.memory_space<hbm>>) target(%dma_start3A_440 : memref<128xi32, #tpu.memory_space<vmem>>) target_semaphore(%arg11 : memref<!tpu.dma_semaphore, #tpu.memory_space<semaphore_mem>>)
    %dma_start3A_443 = arith.constant 49 : i32
    %dma_start3A_444 = arith.constant 6272 : i32
    %dma_start3A_445 = tpu.memref_slice %arg5[%dma_start3A_444] : memref<6400xi32, #tpu.memory_space<vmem>> -> memref<128xi32, #tpu.memory_space<vmem>>
    %dma_start3A_446 = tpu.memref_slice %arg2[%dma_start3A_443, %mul3A_2] : memref<50x4096xi32, #tpu.memory_space<hbm>> -> memref<1x128xi32, #tpu.memory_space<hbm>>
    %dma_start3A_447 = tpu.memref_squeeze %dma_start3A_446 : memref<1x128xi32, #tpu.memory_space<hbm>> -> memref<128xi32, #tpu.memory_space<hbm>>
    %dma_start3A_448 = arith.constant 6272 : i32
    %dma_start3A_449 = tpu.memref_slice %arg5[%dma_start3A_448] : memref<6400xi32, #tpu.memory_space<vmem>> -> memref<128xi32, #tpu.memory_space<vmem>>
    %dma_start3A_450 = tpu.memref_slice %arg2[%dma_start3A_443, %mul3A_2] : memref<50x4096xi32, #tpu.memory_space<hbm>> -> memref<1x128xi32, #tpu.memory_space<hbm>>
    %dma_start3A_451 = tpu.memref_squeeze %dma_start3A_450 : memref<1x128xi32, #tpu.memory_space<hbm>> -> memref<128xi32, #tpu.memory_space<hbm>>
    tpu.enqueue_dma source(%dma_start3A_451 : memref<128xi32, #tpu.memory_space<hbm>>) target(%dma_start3A_449 : memref<128xi32, #tpu.memory_space<vmem>>) target_semaphore(%arg11 : memref<!tpu.dma_semaphore, #tpu.memory_space<semaphore_mem>>)
    %dma_wait3A = arith.constant 0 : i32
    %dma_wait3A_452 = arith.constant 0 : i32
    %dma_wait3A_453 = tpu.memref_slice %arg5[%dma_wait3A_452] : memref<6400xi32, #tpu.memory_space<vmem>> -> memref<128xi32, #tpu.memory_space<vmem>>
    %dma_wait3A_454 = tpu.memref_slice %arg2[%dma_wait3A, %mul3A_2] : memref<50x4096xi32, #tpu.memory_space<hbm>> -> memref<1x128xi32, #tpu.memory_space<hbm>>
    %dma_wait3A_455 = tpu.memref_squeeze %dma_wait3A_454 : memref<1x128xi32, #tpu.memory_space<hbm>> -> memref<128xi32, #tpu.memory_space<hbm>>
    %dma_wait3A_456 = arith.constant 0 : i32
    %dma_wait3A_457 = tpu.memref_slice %arg5[%dma_wait3A_456] : memref<6400xi32, #tpu.memory_space<vmem>> -> memref<128xi32, #tpu.memory_space<vmem>>
    %dma_wait3A_458 = tpu.memref_slice %arg2[%dma_wait3A, %mul3A_2] : memref<50x4096xi32, #tpu.memory_space<hbm>> -> memref<1x128xi32, #tpu.memory_space<hbm>>
    %dma_wait3A_459 = tpu.memref_squeeze %dma_wait3A_458 : memref<1x128xi32, #tpu.memory_space<hbm>> -> memref<128xi32, #tpu.memory_space<hbm>>
    tpu.wait_dma2 semaphore(%arg11 : memref<!tpu.dma_semaphore, #tpu.memory_space<semaphore_mem>>) src(%dma_wait3A_459 : memref<128xi32, #tpu.memory_space<hbm>>) dst(%dma_wait3A_457 : memref<128xi32, #tpu.memory_space<vmem>>)
    %dma_wait3A_460 = arith.constant 1 : i32
    %dma_wait3A_461 = arith.constant 128 : i32
    %dma_wait3A_462 = tpu.memref_slice %arg5[%dma_wait3A_461] : memref<6400xi32, #tpu.memory_space<vmem>> -> memref<128xi32, #tpu.memory_space<vmem>>
    %dma_wait3A_463 = tpu.memref_slice %arg2[%dma_wait3A_460, %mul3A_2] : memref<50x4096xi32, #tpu.memory_space<hbm>> -> memref<1x128xi32, #tpu.memory_space<hbm>>
    %dma_wait3A_464 = tpu.memref_squeeze %dma_wait3A_463 : memref<1x128xi32, #tpu.memory_space<hbm>> -> memref<128xi32, #tpu.memory_space<hbm>>
    %dma_wait3A_465 = arith.constant 128 : i32
    %dma_wait3A_466 = tpu.memref_slice %arg5[%dma_wait3A_465] : memref<6400xi32, #tpu.memory_space<vmem>> -> memref<128xi32, #tpu.memory_space<vmem>>
    %dma_wait3A_467 = tpu.memref_slice %arg2[%dma_wait3A_460, %mul3A_2] : memref<50x4096xi32, #tpu.memory_space<hbm>> -> memref<1x128xi32, #tpu.memory_space<hbm>>
    %dma_wait3A_468 = tpu.memref_squeeze %dma_wait3A_467 : memref<1x128xi32, #tpu.memory_space<hbm>> -> memref<128xi32, #tpu.memory_space<hbm>>
    tpu.wait_dma2 semaphore(%arg11 : memref<!tpu.dma_semaphore, #tpu.memory_space<semaphore_mem>>) src(%dma_wait3A_468 : memref<128xi32, #tpu.memory_space<hbm>>) dst(%dma_wait3A_466 : memref<128xi32, #tpu.memory_space<vmem>>)
    %dma_wait3A_469 = arith.constant 2 : i32
    %dma_wait3A_470 = arith.constant 256 : i32
    %dma_wait3A_471 = tpu.memref_slice %arg5[%dma_wait3A_470] : memref<6400xi32, #tpu.memory_space<vmem>> -> memref<128xi32, #tpu.memory_space<vmem>>
    %dma_wait3A_472 = tpu.memref_slice %arg2[%dma_wait3A_469, %mul3A_2] : memref<50x4096xi32, #tpu.memory_space<hbm>> -> memref<1x128xi32, #tpu.memory_space<hbm>>
    %dma_wait3A_473 = tpu.memref_squeeze %dma_wait3A_472 : memref<1x128xi32, #tpu.memory_space<hbm>> -> memref<128xi32, #tpu.memory_space<hbm>>
    %dma_wait3A_474 = arith.constant 256 : i32
    %dma_wait3A_475 = tpu.memref_slice %arg5[%dma_wait3A_474] : memref<6400xi32, #tpu.memory_space<vmem>> -> memref<128xi32, #tpu.memory_space<vmem>>
    %dma_wait3A_476 = tpu.memref_slice %arg2[%dma_wait3A_469, %mul3A_2] : memref<50x4096xi32, #tpu.memory_space<hbm>> -> memref<1x128xi32, #tpu.memory_space<hbm>>
    %dma_wait3A_477 = tpu.memref_squeeze %dma_wait3A_476 : memref<1x128xi32, #tpu.memory_space<hbm>> -> memref<128xi32, #tpu.memory_space<hbm>>
    tpu.wait_dma2 semaphore(%arg11 : memref<!tpu.dma_semaphore, #tpu.memory_space<semaphore_mem>>) src(%dma_wait3A_477 : memref<128xi32, #tpu.memory_space<hbm>>) dst(%dma_wait3A_475 : memref<128xi32, #tpu.memory_space<vmem>>)
    %dma_wait3A_478 = arith.constant 3 : i32
    %dma_wait3A_479 = arith.constant 384 : i32
    %dma_wait3A_480 = tpu.memref_slice %arg5[%dma_wait3A_479] : memref<6400xi32, #tpu.memory_space<vmem>> -> memref<128xi32, #tpu.memory_space<vmem>>
    %dma_wait3A_481 = tpu.memref_slice %arg2[%dma_wait3A_478, %mul3A_2] : memref<50x4096xi32, #tpu.memory_space<hbm>> -> memref<1x128xi32, #tpu.memory_space<hbm>>
    %dma_wait3A_482 = tpu.memref_squeeze %dma_wait3A_481 : memref<1x128xi32, #tpu.memory_space<hbm>> -> memref<128xi32, #tpu.memory_space<hbm>>
    %dma_wait3A_483 = arith.constant 384 : i32
    %dma_wait3A_484 = tpu.memref_slice %arg5[%dma_wait3A_483] : memref<6400xi32, #tpu.memory_space<vmem>> -> memref<128xi32, #tpu.memory_space<vmem>>
    %dma_wait3A_485 = tpu.memref_slice %arg2[%dma_wait3A_478, %mul3A_2] : memref<50x4096xi32, #tpu.memory_space<hbm>> -> memref<1x128xi32, #tpu.memory_space<hbm>>
    %dma_wait3A_486 = tpu.memref_squeeze %dma_wait3A_485 : memref<1x128xi32, #tpu.memory_space<hbm>> -> memref<128xi32, #tpu.memory_space<hbm>>
    tpu.wait_dma2 semaphore(%arg11 : memref<!tpu.dma_semaphore, #tpu.memory_space<semaphore_mem>>) src(%dma_wait3A_486 : memref<128xi32, #tpu.memory_space<hbm>>) dst(%dma_wait3A_484 : memref<128xi32, #tpu.memory_space<vmem>>)
    %dma_wait3A_487 = arith.constant 4 : i32
    %dma_wait3A_488 = arith.constant 512 : i32
    %dma_wait3A_489 = tpu.memref_slice %arg5[%dma_wait3A_488] : memref<6400xi32, #tpu.memory_space<vmem>> -> memref<128xi32, #tpu.memory_space<vmem>>
    %dma_wait3A_490 = tpu.memref_slice %arg2[%dma_wait3A_487, %mul3A_2] : memref<50x4096xi32, #tpu.memory_space<hbm>> -> memref<1x128xi32, #tpu.memory_space<hbm>>
    %dma_wait3A_491 = tpu.memref_squeeze %dma_wait3A_490 : memref<1x128xi32, #tpu.memory_space<hbm>> -> memref<128xi32, #tpu.memory_space<hbm>>
    %dma_wait3A_492 = arith.constant 512 : i32
    %dma_wait3A_493 = tpu.memref_slice %arg5[%dma_wait3A_492] : memref<6400xi32, #tpu.memory_space<vmem>> -> memref<128xi32, #tpu.memory_space<vmem>>
    %dma_wait3A_494 = tpu.memref_slice %arg2[%dma_wait3A_487, %mul3A_2] : memref<50x4096xi32, #tpu.memory_space<hbm>> -> memref<1x128xi32, #tpu.memory_space<hbm>>
    %dma_wait3A_495 = tpu.memref_squeeze %dma_wait3A_494 : memref<1x128xi32, #tpu.memory_space<hbm>> -> memref<128xi32, #tpu.memory_space<hbm>>
    tpu.wait_dma2 semaphore(%arg11 : memref<!tpu.dma_semaphore, #tpu.memory_space<semaphore_mem>>) src(%dma_wait3A_495 : memref<128xi32, #tpu.memory_space<hbm>>) dst(%dma_wait3A_493 : memref<128xi32, #tpu.memory_space<vmem>>)
    %dma_wait3A_496 = arith.constant 5 : i32
    %dma_wait3A_497 = arith.constant 640 : i32
    %dma_wait3A_498 = tpu.memref_slice %arg5[%dma_wait3A_497] : memref<6400xi32, #tpu.memory_space<vmem>> -> memref<128xi32, #tpu.memory_space<vmem>>
    %dma_wait3A_499 = tpu.memref_slice %arg2[%dma_wait3A_496, %mul3A_2] : memref<50x4096xi32, #tpu.memory_space<hbm>> -> memref<1x128xi32, #tpu.memory_space<hbm>>
    %dma_wait3A_500 = tpu.memref_squeeze %dma_wait3A_499 : memref<1x128xi32, #tpu.memory_space<hbm>> -> memref<128xi32, #tpu.memory_space<hbm>>
    %dma_wait3A_501 = arith.constant 640 : i32
    %dma_wait3A_502 = tpu.memref_slice %arg5[%dma_wait3A_501] : memref<6400xi32, #tpu.memory_space<vmem>> -> memref<128xi32, #tpu.memory_space<vmem>>
    %dma_wait3A_503 = tpu.memref_slice %arg2[%dma_wait3A_496, %mul3A_2] : memref<50x4096xi32, #tpu.memory_space<hbm>> -> memref<1x128xi32, #tpu.memory_space<hbm>>
    %dma_wait3A_504 = tpu.memref_squeeze %dma_wait3A_503 : memref<1x128xi32, #tpu.memory_space<hbm>> -> memref<128xi32, #tpu.memory_space<hbm>>
    tpu.wait_dma2 semaphore(%arg11 : memref<!tpu.dma_semaphore, #tpu.memory_space<semaphore_mem>>) src(%dma_wait3A_504 : memref<128xi32, #tpu.memory_space<hbm>>) dst(%dma_wait3A_502 : memref<128xi32, #tpu.memory_space<vmem>>)
    %dma_wait3A_505 = arith.constant 6 : i32
    %dma_wait3A_506 = arith.constant 768 : i32
    %dma_wait3A_507 = tpu.memref_slice %arg5[%dma_wait3A_506] : memref<6400xi32, #tpu.memory_space<vmem>> -> memref<128xi32, #tpu.memory_space<vmem>>
    %dma_wait3A_508 = tpu.memref_slice %arg2[%dma_wait3A_505, %mul3A_2] : memref<50x4096xi32, #tpu.memory_space<hbm>> -> memref<1x128xi32, #tpu.memory_space<hbm>>
    %dma_wait3A_509 = tpu.memref_squeeze %dma_wait3A_508 : memref<1x128xi32, #tpu.memory_space<hbm>> -> memref<128xi32, #tpu.memory_space<hbm>>
    %dma_wait3A_510 = arith.constant 768 : i32
    %dma_wait3A_511 = tpu.memref_slice %arg5[%dma_wait3A_510] : memref<6400xi32, #tpu.memory_space<vmem>> -> memref<128xi32, #tpu.memory_space<vmem>>
    %dma_wait3A_512 = tpu.memref_slice %arg2[%dma_wait3A_505, %mul3A_2] : memref<50x4096xi32, #tpu.memory_space<hbm>> -> memref<1x128xi32, #tpu.memory_space<hbm>>
    %dma_wait3A_513 = tpu.memref_squeeze %dma_wait3A_512 : memref<1x128xi32, #tpu.memory_space<hbm>> -> memref<128xi32, #tpu.memory_space<hbm>>
    tpu.wait_dma2 semaphore(%arg11 : memref<!tpu.dma_semaphore, #tpu.memory_space<semaphore_mem>>) src(%dma_wait3A_513 : memref<128xi32, #tpu.memory_space<hbm>>) dst(%dma_wait3A_511 : memref<128xi32, #tpu.memory_space<vmem>>)
    %dma_wait3A_514 = arith.constant 7 : i32
    %dma_wait3A_515 = arith.constant 896 : i32
    %dma_wait3A_516 = tpu.memref_slice %arg5[%dma_wait3A_515] : memref<6400xi32, #tpu.memory_space<vmem>> -> memref<128xi32, #tpu.memory_space<vmem>>
    %dma_wait3A_517 = tpu.memref_slice %arg2[%dma_wait3A_514, %mul3A_2] : memref<50x4096xi32, #tpu.memory_space<hbm>> -> memref<1x128xi32, #tpu.memory_space<hbm>>
    %dma_wait3A_518 = tpu.memref_squeeze %dma_wait3A_517 : memref<1x128xi32, #tpu.memory_space<hbm>> -> memref<128xi32, #tpu.memory_space<hbm>>
    %dma_wait3A_519 = arith.constant 896 : i32
    %dma_wait3A_520 = tpu.memref_slice %arg5[%dma_wait3A_519] : memref<6400xi32, #tpu.memory_space<vmem>> -> memref<128xi32, #tpu.memory_space<vmem>>
    %dma_wait3A_521 = tpu.memref_slice %arg2[%dma_wait3A_514, %mul3A_2] : memref<50x4096xi32, #tpu.memory_space<hbm>> -> memref<1x128xi32, #tpu.memory_space<hbm>>
    %dma_wait3A_522 = tpu.memref_squeeze %dma_wait3A_521 : memref<1x128xi32, #tpu.memory_space<hbm>> -> memref<128xi32, #tpu.memory_space<hbm>>
    tpu.wait_dma2 semaphore(%arg11 : memref<!tpu.dma_semaphore, #tpu.memory_space<semaphore_mem>>) src(%dma_wait3A_522 : memref<128xi32, #tpu.memory_space<hbm>>) dst(%dma_wait3A_520 : memref<128xi32, #tpu.memory_space<vmem>>)
    %dma_wait3A_523 = arith.constant 8 : i32
    %dma_wait3A_524 = arith.constant 1024 : i32
    %dma_wait3A_525 = tpu.memref_slice %arg5[%dma_wait3A_524] : memref<6400xi32, #tpu.memory_space<vmem>> -> memref<128xi32, #tpu.memory_space<vmem>>
    %dma_wait3A_526 = tpu.memref_slice %arg2[%dma_wait3A_523, %mul3A_2] : memref<50x4096xi32, #tpu.memory_space<hbm>> -> memref<1x128xi32, #tpu.memory_space<hbm>>
    %dma_wait3A_527 = tpu.memref_squeeze %dma_wait3A_526 : memref<1x128xi32, #tpu.memory_space<hbm>> -> memref<128xi32, #tpu.memory_space<hbm>>
    %dma_wait3A_528 = arith.constant 1024 : i32
    %dma_wait3A_529 = tpu.memref_slice %arg5[%dma_wait3A_528] : memref<6400xi32, #tpu.memory_space<vmem>> -> memref<128xi32, #tpu.memory_space<vmem>>
    %dma_wait3A_530 = tpu.memref_slice %arg2[%dma_wait3A_523, %mul3A_2] : memref<50x4096xi32, #tpu.memory_space<hbm>> -> memref<1x128xi32, #tpu.memory_space<hbm>>
    %dma_wait3A_531 = tpu.memref_squeeze %dma_wait3A_530 : memref<1x128xi32, #tpu.memory_space<hbm>> -> memref<128xi32, #tpu.memory_space<hbm>>
    tpu.wait_dma2 semaphore(%arg11 : memref<!tpu.dma_semaphore, #tpu.memory_space<semaphore_mem>>) src(%dma_wait3A_531 : memref<128xi32, #tpu.memory_space<hbm>>) dst(%dma_wait3A_529 : memref<128xi32, #tpu.memory_space<vmem>>)
    %dma_wait3A_532 = arith.constant 9 : i32
    %dma_wait3A_533 = arith.constant 1152 : i32
    %dma_wait3A_534 = tpu.memref_slice %arg5[%dma_wait3A_533] : memref<6400xi32, #tpu.memory_space<vmem>> -> memref<128xi32, #tpu.memory_space<vmem>>
    %dma_wait3A_535 = tpu.memref_slice %arg2[%dma_wait3A_532, %mul3A_2] : memref<50x4096xi32, #tpu.memory_space<hbm>> -> memref<1x128xi32, #tpu.memory_space<hbm>>
    %dma_wait3A_536 = tpu.memref_squeeze %dma_wait3A_535 : memref<1x128xi32, #tpu.memory_space<hbm>> -> memref<128xi32, #tpu.memory_space<hbm>>
    %dma_wait3A_537 = arith.constant 1152 : i32
    %dma_wait3A_538 = tpu.memref_slice %arg5[%dma_wait3A_537] : memref<6400xi32, #tpu.memory_space<vmem>> -> memref<128xi32, #tpu.memory_space<vmem>>
    %dma_wait3A_539 = tpu.memref_slice %arg2[%dma_wait3A_532, %mul3A_2] : memref<50x4096xi32, #tpu.memory_space<hbm>> -> memref<1x128xi32, #tpu.memory_space<hbm>>
    %dma_wait3A_540 = tpu.memref_squeeze %dma_wait3A_539 : memref<1x128xi32, #tpu.memory_space<hbm>> -> memref<128xi32, #tpu.memory_space<hbm>>
    tpu.wait_dma2 semaphore(%arg11 : memref<!tpu.dma_semaphore, #tpu.memory_space<semaphore_mem>>) src(%dma_wait3A_540 : memref<128xi32, #tpu.memory_space<hbm>>) dst(%dma_wait3A_538 : memref<128xi32, #tpu.memory_space<vmem>>)
    %dma_wait3A_541 = arith.constant 10 : i32
    %dma_wait3A_542 = arith.constant 1280 : i32
    %dma_wait3A_543 = tpu.memref_slice %arg5[%dma_wait3A_542] : memref<6400xi32, #tpu.memory_space<vmem>> -> memref<128xi32, #tpu.memory_space<vmem>>
    %dma_wait3A_544 = tpu.memref_slice %arg2[%dma_wait3A_541, %mul3A_2] : memref<50x4096xi32, #tpu.memory_space<hbm>> -> memref<1x128xi32, #tpu.memory_space<hbm>>
    %dma_wait3A_545 = tpu.memref_squeeze %dma_wait3A_544 : memref<1x128xi32, #tpu.memory_space<hbm>> -> memref<128xi32, #tpu.memory_space<hbm>>
    %dma_wait3A_546 = arith.constant 1280 : i32
    %dma_wait3A_547 = tpu.memref_slice %arg5[%dma_wait3A_546] : memref<6400xi32, #tpu.memory_space<vmem>> -> memref<128xi32, #tpu.memory_space<vmem>>
    %dma_wait3A_548 = tpu.memref_slice %arg2[%dma_wait3A_541, %mul3A_2] : memref<50x4096xi32, #tpu.memory_space<hbm>> -> memref<1x128xi32, #tpu.memory_space<hbm>>
    %dma_wait3A_549 = tpu.memref_squeeze %dma_wait3A_548 : memref<1x128xi32, #tpu.memory_space<hbm>> -> memref<128xi32, #tpu.memory_space<hbm>>
    tpu.wait_dma2 semaphore(%arg11 : memref<!tpu.dma_semaphore, #tpu.memory_space<semaphore_mem>>) src(%dma_wait3A_549 : memref<128xi32, #tpu.memory_space<hbm>>) dst(%dma_wait3A_547 : memref<128xi32, #tpu.memory_space<vmem>>)
    %dma_wait3A_550 = arith.constant 11 : i32
    %dma_wait3A_551 = arith.constant 1408 : i32
    %dma_wait3A_552 = tpu.memref_slice %arg5[%dma_wait3A_551] : memref<6400xi32, #tpu.memory_space<vmem>> -> memref<128xi32, #tpu.memory_space<vmem>>
    %dma_wait3A_553 = tpu.memref_slice %arg2[%dma_wait3A_550, %mul3A_2] : memref<50x4096xi32, #tpu.memory_space<hbm>> -> memref<1x128xi32, #tpu.memory_space<hbm>>
    %dma_wait3A_554 = tpu.memref_squeeze %dma_wait3A_553 : memref<1x128xi32, #tpu.memory_space<hbm>> -> memref<128xi32, #tpu.memory_space<hbm>>
    %dma_wait3A_555 = arith.constant 1408 : i32
    %dma_wait3A_556 = tpu.memref_slice %arg5[%dma_wait3A_555] : memref<6400xi32, #tpu.memory_space<vmem>> -> memref<128xi32, #tpu.memory_space<vmem>>
    %dma_wait3A_557 = tpu.memref_slice %arg2[%dma_wait3A_550, %mul3A_2] : memref<50x4096xi32, #tpu.memory_space<hbm>> -> memref<1x128xi32, #tpu.memory_space<hbm>>
    %dma_wait3A_558 = tpu.memref_squeeze %dma_wait3A_557 : memref<1x128xi32, #tpu.memory_space<hbm>> -> memref<128xi32, #tpu.memory_space<hbm>>
    tpu.wait_dma2 semaphore(%arg11 : memref<!tpu.dma_semaphore, #tpu.memory_space<semaphore_mem>>) src(%dma_wait3A_558 : memref<128xi32, #tpu.memory_space<hbm>>) dst(%dma_wait3A_556 : memref<128xi32, #tpu.memory_space<vmem>>)
    %dma_wait3A_559 = arith.constant 12 : i32
    %dma_wait3A_560 = arith.constant 1536 : i32
    %dma_wait3A_561 = tpu.memref_slice %arg5[%dma_wait3A_560] : memref<6400xi32, #tpu.memory_space<vmem>> -> memref<128xi32, #tpu.memory_space<vmem>>
    %dma_wait3A_562 = tpu.memref_slice %arg2[%dma_wait3A_559, %mul3A_2] : memref<50x4096xi32, #tpu.memory_space<hbm>> -> memref<1x128xi32, #tpu.memory_space<hbm>>
    %dma_wait3A_563 = tpu.memref_squeeze %dma_wait3A_562 : memref<1x128xi32, #tpu.memory_space<hbm>> -> memref<128xi32, #tpu.memory_space<hbm>>
    %dma_wait3A_564 = arith.constant 1536 : i32
    %dma_wait3A_565 = tpu.memref_slice %arg5[%dma_wait3A_564] : memref<6400xi32, #tpu.memory_space<vmem>> -> memref<128xi32, #tpu.memory_space<vmem>>
    %dma_wait3A_566 = tpu.memref_slice %arg2[%dma_wait3A_559, %mul3A_2] : memref<50x4096xi32, #tpu.memory_space<hbm>> -> memref<1x128xi32, #tpu.memory_space<hbm>>
    %dma_wait3A_567 = tpu.memref_squeeze %dma_wait3A_566 : memref<1x128xi32, #tpu.memory_space<hbm>> -> memref<128xi32, #tpu.memory_space<hbm>>
    tpu.wait_dma2 semaphore(%arg11 : memref<!tpu.dma_semaphore, #tpu.memory_space<semaphore_mem>>) src(%dma_wait3A_567 : memref<128xi32, #tpu.memory_space<hbm>>) dst(%dma_wait3A_565 : memref<128xi32, #tpu.memory_space<vmem>>)
    %dma_wait3A_568 = arith.constant 13 : i32
    %dma_wait3A_569 = arith.constant 1664 : i32
    %dma_wait3A_570 = tpu.memref_slice %arg5[%dma_wait3A_569] : memref<6400xi32, #tpu.memory_space<vmem>> -> memref<128xi32, #tpu.memory_space<vmem>>
    %dma_wait3A_571 = tpu.memref_slice %arg2[%dma_wait3A_568, %mul3A_2] : memref<50x4096xi32, #tpu.memory_space<hbm>> -> memref<1x128xi32, #tpu.memory_space<hbm>>
    %dma_wait3A_572 = tpu.memref_squeeze %dma_wait3A_571 : memref<1x128xi32, #tpu.memory_space<hbm>> -> memref<128xi32, #tpu.memory_space<hbm>>
    %dma_wait3A_573 = arith.constant 1664 : i32
    %dma_wait3A_574 = tpu.memref_slice %arg5[%dma_wait3A_573] : memref<6400xi32, #tpu.memory_space<vmem>> -> memref<128xi32, #tpu.memory_space<vmem>>
    %dma_wait3A_575 = tpu.memref_slice %arg2[%dma_wait3A_568, %mul3A_2] : memref<50x4096xi32, #tpu.memory_space<hbm>> -> memref<1x128xi32, #tpu.memory_space<hbm>>
    %dma_wait3A_576 = tpu.memref_squeeze %dma_wait3A_575 : memref<1x128xi32, #tpu.memory_space<hbm>> -> memref<128xi32, #tpu.memory_space<hbm>>
    tpu.wait_dma2 semaphore(%arg11 : memref<!tpu.dma_semaphore, #tpu.memory_space<semaphore_mem>>) src(%dma_wait3A_576 : memref<128xi32, #tpu.memory_space<hbm>>) dst(%dma_wait3A_574 : memref<128xi32, #tpu.memory_space<vmem>>)
    %dma_wait3A_577 = arith.constant 14 : i32
    %dma_wait3A_578 = arith.constant 1792 : i32
    %dma_wait3A_579 = tpu.memref_slice %arg5[%dma_wait3A_578] : memref<6400xi32, #tpu.memory_space<vmem>> -> memref<128xi32, #tpu.memory_space<vmem>>
    %dma_wait3A_580 = tpu.memref_slice %arg2[%dma_wait3A_577, %mul3A_2] : memref<50x4096xi32, #tpu.memory_space<hbm>> -> memref<1x128xi32, #tpu.memory_space<hbm>>
    %dma_wait3A_581 = tpu.memref_squeeze %dma_wait3A_580 : memref<1x128xi32, #tpu.memory_space<hbm>> -> memref<128xi32, #tpu.memory_space<hbm>>
    %dma_wait3A_582 = arith.constant 1792 : i32
    %dma_wait3A_583 = tpu.memref_slice %arg5[%dma_wait3A_582] : memref<6400xi32, #tpu.memory_space<vmem>> -> memref<128xi32, #tpu.memory_space<vmem>>
    %dma_wait3A_584 = tpu.memref_slice %arg2[%dma_wait3A_577, %mul3A_2] : memref<50x4096xi32, #tpu.memory_space<hbm>> -> memref<1x128xi32, #tpu.memory_space<hbm>>
    %dma_wait3A_585 = tpu.memref_squeeze %dma_wait3A_584 : memref<1x128xi32, #tpu.memory_space<hbm>> -> memref<128xi32, #tpu.memory_space<hbm>>
    tpu.wait_dma2 semaphore(%arg11 : memref<!tpu.dma_semaphore, #tpu.memory_space<semaphore_mem>>) src(%dma_wait3A_585 : memref<128xi32, #tpu.memory_space<hbm>>) dst(%dma_wait3A_583 : memref<128xi32, #tpu.memory_space<vmem>>)
    %dma_wait3A_586 = arith.constant 15 : i32
    %dma_wait3A_587 = arith.constant 1920 : i32
    %dma_wait3A_588 = tpu.memref_slice %arg5[%dma_wait3A_587] : memref<6400xi32, #tpu.memory_space<vmem>> -> memref<128xi32, #tpu.memory_space<vmem>>
    %dma_wait3A_589 = tpu.memref_slice %arg2[%dma_wait3A_586, %mul3A_2] : memref<50x4096xi32, #tpu.memory_space<hbm>> -> memref<1x128xi32, #tpu.memory_space<hbm>>
    %dma_wait3A_590 = tpu.memref_squeeze %dma_wait3A_589 : memref<1x128xi32, #tpu.memory_space<hbm>> -> memref<128xi32, #tpu.memory_space<hbm>>
    %dma_wait3A_591 = arith.constant 1920 : i32
    %dma_wait3A_592 = tpu.memref_slice %arg5[%dma_wait3A_591] : memref<6400xi32, #tpu.memory_space<vmem>> -> memref<128xi32, #tpu.memory_space<vmem>>
    %dma_wait3A_593 = tpu.memref_slice %arg2[%dma_wait3A_586, %mul3A_2] : memref<50x4096xi32, #tpu.memory_space<hbm>> -> memref<1x128xi32, #tpu.memory_space<hbm>>
    %dma_wait3A_594 = tpu.memref_squeeze %dma_wait3A_593 : memref<1x128xi32, #tpu.memory_space<hbm>> -> memref<128xi32, #tpu.memory_space<hbm>>
    tpu.wait_dma2 semaphore(%arg11 : memref<!tpu.dma_semaphore, #tpu.memory_space<semaphore_mem>>) src(%dma_wait3A_594 : memref<128xi32, #tpu.memory_space<hbm>>) dst(%dma_wait3A_592 : memref<128xi32, #tpu.memory_space<vmem>>)
    %dma_wait3A_595 = arith.constant 16 : i32
    %dma_wait3A_596 = arith.constant 2048 : i32
    %dma_wait3A_597 = tpu.memref_slice %arg5[%dma_wait3A_596] : memref<6400xi32, #tpu.memory_space<vmem>> -> memref<128xi32, #tpu.memory_space<vmem>>
    %dma_wait3A_598 = tpu.memref_slice %arg2[%dma_wait3A_595, %mul3A_2] : memref<50x4096xi32, #tpu.memory_space<hbm>> -> memref<1x128xi32, #tpu.memory_space<hbm>>
    %dma_wait3A_599 = tpu.memref_squeeze %dma_wait3A_598 : memref<1x128xi32, #tpu.memory_space<hbm>> -> memref<128xi32, #tpu.memory_space<hbm>>
    %dma_wait3A_600 = arith.constant 2048 : i32
    %dma_wait3A_601 = tpu.memref_slice %arg5[%dma_wait3A_600] : memref<6400xi32, #tpu.memory_space<vmem>> -> memref<128xi32, #tpu.memory_space<vmem>>
    %dma_wait3A_602 = tpu.memref_slice %arg2[%dma_wait3A_595, %mul3A_2] : memref<50x4096xi32, #tpu.memory_space<hbm>> -> memref<1x128xi32, #tpu.memory_space<hbm>>
    %dma_wait3A_603 = tpu.memref_squeeze %dma_wait3A_602 : memref<1x128xi32, #tpu.memory_space<hbm>> -> memref<128xi32, #tpu.memory_space<hbm>>
    tpu.wait_dma2 semaphore(%arg11 : memref<!tpu.dma_semaphore, #tpu.memory_space<semaphore_mem>>) src(%dma_wait3A_603 : memref<128xi32, #tpu.memory_space<hbm>>) dst(%dma_wait3A_601 : memref<128xi32, #tpu.memory_space<vmem>>)
    %dma_wait3A_604 = arith.constant 17 : i32
    %dma_wait3A_605 = arith.constant 2176 : i32
    %dma_wait3A_606 = tpu.memref_slice %arg5[%dma_wait3A_605] : memref<6400xi32, #tpu.memory_space<vmem>> -> memref<128xi32, #tpu.memory_space<vmem>>
    %dma_wait3A_607 = tpu.memref_slice %arg2[%dma_wait3A_604, %mul3A_2] : memref<50x4096xi32, #tpu.memory_space<hbm>> -> memref<1x128xi32, #tpu.memory_space<hbm>>
    %dma_wait3A_608 = tpu.memref_squeeze %dma_wait3A_607 : memref<1x128xi32, #tpu.memory_space<hbm>> -> memref<128xi32, #tpu.memory_space<hbm>>
    %dma_wait3A_609 = arith.constant 2176 : i32
    %dma_wait3A_610 = tpu.memref_slice %arg5[%dma_wait3A_609] : memref<6400xi32, #tpu.memory_space<vmem>> -> memref<128xi32, #tpu.memory_space<vmem>>
    %dma_wait3A_611 = tpu.memref_slice %arg2[%dma_wait3A_604, %mul3A_2] : memref<50x4096xi32, #tpu.memory_space<hbm>> -> memref<1x128xi32, #tpu.memory_space<hbm>>
    %dma_wait3A_612 = tpu.memref_squeeze %dma_wait3A_611 : memref<1x128xi32, #tpu.memory_space<hbm>> -> memref<128xi32, #tpu.memory_space<hbm>>
    tpu.wait_dma2 semaphore(%arg11 : memref<!tpu.dma_semaphore, #tpu.memory_space<semaphore_mem>>) src(%dma_wait3A_612 : memref<128xi32, #tpu.memory_space<hbm>>) dst(%dma_wait3A_610 : memref<128xi32, #tpu.memory_space<vmem>>)
    %dma_wait3A_613 = arith.constant 18 : i32
    %dma_wait3A_614 = arith.constant 2304 : i32
    %dma_wait3A_615 = tpu.memref_slice %arg5[%dma_wait3A_614] : memref<6400xi32, #tpu.memory_space<vmem>> -> memref<128xi32, #tpu.memory_space<vmem>>
    %dma_wait3A_616 = tpu.memref_slice %arg2[%dma_wait3A_613, %mul3A_2] : memref<50x4096xi32, #tpu.memory_space<hbm>> -> memref<1x128xi32, #tpu.memory_space<hbm>>
    %dma_wait3A_617 = tpu.memref_squeeze %dma_wait3A_616 : memref<1x128xi32, #tpu.memory_space<hbm>> -> memref<128xi32, #tpu.memory_space<hbm>>
    %dma_wait3A_618 = arith.constant 2304 : i32
    %dma_wait3A_619 = tpu.memref_slice %arg5[%dma_wait3A_618] : memref<6400xi32, #tpu.memory_space<vmem>> -> memref<128xi32, #tpu.memory_space<vmem>>
    %dma_wait3A_620 = tpu.memref_slice %arg2[%dma_wait3A_613, %mul3A_2] : memref<50x4096xi32, #tpu.memory_space<hbm>> -> memref<1x128xi32, #tpu.memory_space<hbm>>
    %dma_wait3A_621 = tpu.memref_squeeze %dma_wait3A_620 : memref<1x128xi32, #tpu.memory_space<hbm>> -> memref<128xi32, #tpu.memory_space<hbm>>
    tpu.wait_dma2 semaphore(%arg11 : memref<!tpu.dma_semaphore, #tpu.memory_space<semaphore_mem>>) src(%dma_wait3A_621 : memref<128xi32, #tpu.memory_space<hbm>>) dst(%dma_wait3A_619 : memref<128xi32, #tpu.memory_space<vmem>>)
    %dma_wait3A_622 = arith.constant 19 : i32
    %dma_wait3A_623 = arith.constant 2432 : i32
    %dma_wait3A_624 = tpu.memref_slice %arg5[%dma_wait3A_623] : memref<6400xi32, #tpu.memory_space<vmem>> -> memref<128xi32, #tpu.memory_space<vmem>>
    %dma_wait3A_625 = tpu.memref_slice %arg2[%dma_wait3A_622, %mul3A_2] : memref<50x4096xi32, #tpu.memory_space<hbm>> -> memref<1x128xi32, #tpu.memory_space<hbm>>
    %dma_wait3A_626 = tpu.memref_squeeze %dma_wait3A_625 : memref<1x128xi32, #tpu.memory_space<hbm>> -> memref<128xi32, #tpu.memory_space<hbm>>
    %dma_wait3A_627 = arith.constant 2432 : i32
    %dma_wait3A_628 = tpu.memref_slice %arg5[%dma_wait3A_627] : memref<6400xi32, #tpu.memory_space<vmem>> -> memref<128xi32, #tpu.memory_space<vmem>>
    %dma_wait3A_629 = tpu.memref_slice %arg2[%dma_wait3A_622, %mul3A_2] : memref<50x4096xi32, #tpu.memory_space<hbm>> -> memref<1x128xi32, #tpu.memory_space<hbm>>
    %dma_wait3A_630 = tpu.memref_squeeze %dma_wait3A_629 : memref<1x128xi32, #tpu.memory_space<hbm>> -> memref<128xi32, #tpu.memory_space<hbm>>
    tpu.wait_dma2 semaphore(%arg11 : memref<!tpu.dma_semaphore, #tpu.memory_space<semaphore_mem>>) src(%dma_wait3A_630 : memref<128xi32, #tpu.memory_space<hbm>>) dst(%dma_wait3A_628 : memref<128xi32, #tpu.memory_space<vmem>>)
    %dma_wait3A_631 = arith.constant 20 : i32
    %dma_wait3A_632 = arith.constant 2560 : i32
    %dma_wait3A_633 = tpu.memref_slice %arg5[%dma_wait3A_632] : memref<6400xi32, #tpu.memory_space<vmem>> -> memref<128xi32, #tpu.memory_space<vmem>>
    %dma_wait3A_634 = tpu.memref_slice %arg2[%dma_wait3A_631, %mul3A_2] : memref<50x4096xi32, #tpu.memory_space<hbm>> -> memref<1x128xi32, #tpu.memory_space<hbm>>
    %dma_wait3A_635 = tpu.memref_squeeze %dma_wait3A_634 : memref<1x128xi32, #tpu.memory_space<hbm>> -> memref<128xi32, #tpu.memory_space<hbm>>
    %dma_wait3A_636 = arith.constant 2560 : i32
    %dma_wait3A_637 = tpu.memref_slice %arg5[%dma_wait3A_636] : memref<6400xi32, #tpu.memory_space<vmem>> -> memref<128xi32, #tpu.memory_space<vmem>>
    %dma_wait3A_638 = tpu.memref_slice %arg2[%dma_wait3A_631, %mul3A_2] : memref<50x4096xi32, #tpu.memory_space<hbm>> -> memref<1x128xi32, #tpu.memory_space<hbm>>
    %dma_wait3A_639 = tpu.memref_squeeze %dma_wait3A_638 : memref<1x128xi32, #tpu.memory_space<hbm>> -> memref<128xi32, #tpu.memory_space<hbm>>
    tpu.wait_dma2 semaphore(%arg11 : memref<!tpu.dma_semaphore, #tpu.memory_space<semaphore_mem>>) src(%dma_wait3A_639 : memref<128xi32, #tpu.memory_space<hbm>>) dst(%dma_wait3A_637 : memref<128xi32, #tpu.memory_space<vmem>>)
    %dma_wait3A_640 = arith.constant 21 : i32
    %dma_wait3A_641 = arith.constant 2688 : i32
    %dma_wait3A_642 = tpu.memref_slice %arg5[%dma_wait3A_641] : memref<6400xi32, #tpu.memory_space<vmem>> -> memref<128xi32, #tpu.memory_space<vmem>>
    %dma_wait3A_643 = tpu.memref_slice %arg2[%dma_wait3A_640, %mul3A_2] : memref<50x4096xi32, #tpu.memory_space<hbm>> -> memref<1x128xi32, #tpu.memory_space<hbm>>
    %dma_wait3A_644 = tpu.memref_squeeze %dma_wait3A_643 : memref<1x128xi32, #tpu.memory_space<hbm>> -> memref<128xi32, #tpu.memory_space<hbm>>
    %dma_wait3A_645 = arith.constant 2688 : i32
    %dma_wait3A_646 = tpu.memref_slice %arg5[%dma_wait3A_645] : memref<6400xi32, #tpu.memory_space<vmem>> -> memref<128xi32, #tpu.memory_space<vmem>>
    %dma_wait3A_647 = tpu.memref_slice %arg2[%dma_wait3A_640, %mul3A_2] : memref<50x4096xi32, #tpu.memory_space<hbm>> -> memref<1x128xi32, #tpu.memory_space<hbm>>
    %dma_wait3A_648 = tpu.memref_squeeze %dma_wait3A_647 : memref<1x128xi32, #tpu.memory_space<hbm>> -> memref<128xi32, #tpu.memory_space<hbm>>
    tpu.wait_dma2 semaphore(%arg11 : memref<!tpu.dma_semaphore, #tpu.memory_space<semaphore_mem>>) src(%dma_wait3A_648 : memref<128xi32, #tpu.memory_space<hbm>>) dst(%dma_wait3A_646 : memref<128xi32, #tpu.memory_space<vmem>>)
    %dma_wait3A_649 = arith.constant 22 : i32
    %dma_wait3A_650 = arith.constant 2816 : i32
    %dma_wait3A_651 = tpu.memref_slice %arg5[%dma_wait3A_650] : memref<6400xi32, #tpu.memory_space<vmem>> -> memref<128xi32, #tpu.memory_space<vmem>>
    %dma_wait3A_652 = tpu.memref_slice %arg2[%dma_wait3A_649, %mul3A_2] : memref<50x4096xi32, #tpu.memory_space<hbm>> -> memref<1x128xi32, #tpu.memory_space<hbm>>
    %dma_wait3A_653 = tpu.memref_squeeze %dma_wait3A_652 : memref<1x128xi32, #tpu.memory_space<hbm>> -> memref<128xi32, #tpu.memory_space<hbm>>
    %dma_wait3A_654 = arith.constant 2816 : i32
    %dma_wait3A_655 = tpu.memref_slice %arg5[%dma_wait3A_654] : memref<6400xi32, #tpu.memory_space<vmem>> -> memref<128xi32, #tpu.memory_space<vmem>>
    %dma_wait3A_656 = tpu.memref_slice %arg2[%dma_wait3A_649, %mul3A_2] : memref<50x4096xi32, #tpu.memory_space<hbm>> -> memref<1x128xi32, #tpu.memory_space<hbm>>
    %dma_wait3A_657 = tpu.memref_squeeze %dma_wait3A_656 : memref<1x128xi32, #tpu.memory_space<hbm>> -> memref<128xi32, #tpu.memory_space<hbm>>
    tpu.wait_dma2 semaphore(%arg11 : memref<!tpu.dma_semaphore, #tpu.memory_space<semaphore_mem>>) src(%dma_wait3A_657 : memref<128xi32, #tpu.memory_space<hbm>>) dst(%dma_wait3A_655 : memref<128xi32, #tpu.memory_space<vmem>>)
    %dma_wait3A_658 = arith.constant 23 : i32
    %dma_wait3A_659 = arith.constant 2944 : i32
    %dma_wait3A_660 = tpu.memref_slice %arg5[%dma_wait3A_659] : memref<6400xi32, #tpu.memory_space<vmem>> -> memref<128xi32, #tpu.memory_space<vmem>>
    %dma_wait3A_661 = tpu.memref_slice %arg2[%dma_wait3A_658, %mul3A_2] : memref<50x4096xi32, #tpu.memory_space<hbm>> -> memref<1x128xi32, #tpu.memory_space<hbm>>
    %dma_wait3A_662 = tpu.memref_squeeze %dma_wait3A_661 : memref<1x128xi32, #tpu.memory_space<hbm>> -> memref<128xi32, #tpu.memory_space<hbm>>
    %dma_wait3A_663 = arith.constant 2944 : i32
    %dma_wait3A_664 = tpu.memref_slice %arg5[%dma_wait3A_663] : memref<6400xi32, #tpu.memory_space<vmem>> -> memref<128xi32, #tpu.memory_space<vmem>>
    %dma_wait3A_665 = tpu.memref_slice %arg2[%dma_wait3A_658, %mul3A_2] : memref<50x4096xi32, #tpu.memory_space<hbm>> -> memref<1x128xi32, #tpu.memory_space<hbm>>
    %dma_wait3A_666 = tpu.memref_squeeze %dma_wait3A_665 : memref<1x128xi32, #tpu.memory_space<hbm>> -> memref<128xi32, #tpu.memory_space<hbm>>
    tpu.wait_dma2 semaphore(%arg11 : memref<!tpu.dma_semaphore, #tpu.memory_space<semaphore_mem>>) src(%dma_wait3A_666 : memref<128xi32, #tpu.memory_space<hbm>>) dst(%dma_wait3A_664 : memref<128xi32, #tpu.memory_space<vmem>>)
    %dma_wait3A_667 = arith.constant 24 : i32
    %dma_wait3A_668 = arith.constant 3072 : i32
    %dma_wait3A_669 = tpu.memref_slice %arg5[%dma_wait3A_668] : memref<6400xi32, #tpu.memory_space<vmem>> -> memref<128xi32, #tpu.memory_space<vmem>>
    %dma_wait3A_670 = tpu.memref_slice %arg2[%dma_wait3A_667, %mul3A_2] : memref<50x4096xi32, #tpu.memory_space<hbm>> -> memref<1x128xi32, #tpu.memory_space<hbm>>
    %dma_wait3A_671 = tpu.memref_squeeze %dma_wait3A_670 : memref<1x128xi32, #tpu.memory_space<hbm>> -> memref<128xi32, #tpu.memory_space<hbm>>
    %dma_wait3A_672 = arith.constant 3072 : i32
    %dma_wait3A_673 = tpu.memref_slice %arg5[%dma_wait3A_672] : memref<6400xi32, #tpu.memory_space<vmem>> -> memref<128xi32, #tpu.memory_space<vmem>>
    %dma_wait3A_674 = tpu.memref_slice %arg2[%dma_wait3A_667, %mul3A_2] : memref<50x4096xi32, #tpu.memory_space<hbm>> -> memref<1x128xi32, #tpu.memory_space<hbm>>
    %dma_wait3A_675 = tpu.memref_squeeze %dma_wait3A_674 : memref<1x128xi32, #tpu.memory_space<hbm>> -> memref<128xi32, #tpu.memory_space<hbm>>
    tpu.wait_dma2 semaphore(%arg11 : memref<!tpu.dma_semaphore, #tpu.memory_space<semaphore_mem>>) src(%dma_wait3A_675 : memref<128xi32, #tpu.memory_space<hbm>>) dst(%dma_wait3A_673 : memref<128xi32, #tpu.memory_space<vmem>>)
    %dma_wait3A_676 = arith.constant 25 : i32
    %dma_wait3A_677 = arith.constant 3200 : i32
    %dma_wait3A_678 = tpu.memref_slice %arg5[%dma_wait3A_677] : memref<6400xi32, #tpu.memory_space<vmem>> -> memref<128xi32, #tpu.memory_space<vmem>>
    %dma_wait3A_679 = tpu.memref_slice %arg2[%dma_wait3A_676, %mul3A_2] : memref<50x4096xi32, #tpu.memory_space<hbm>> -> memref<1x128xi32, #tpu.memory_space<hbm>>
    %dma_wait3A_680 = tpu.memref_squeeze %dma_wait3A_679 : memref<1x128xi32, #tpu.memory_space<hbm>> -> memref<128xi32, #tpu.memory_space<hbm>>
    %dma_wait3A_681 = arith.constant 3200 : i32
    %dma_wait3A_682 = tpu.memref_slice %arg5[%dma_wait3A_681] : memref<6400xi32, #tpu.memory_space<vmem>> -> memref<128xi32, #tpu.memory_space<vmem>>
    %dma_wait3A_683 = tpu.memref_slice %arg2[%dma_wait3A_676, %mul3A_2] : memref<50x4096xi32, #tpu.memory_space<hbm>> -> memref<1x128xi32, #tpu.memory_space<hbm>>
    %dma_wait3A_684 = tpu.memref_squeeze %dma_wait3A_683 : memref<1x128xi32, #tpu.memory_space<hbm>> -> memref<128xi32, #tpu.memory_space<hbm>>
    tpu.wait_dma2 semaphore(%arg11 : memref<!tpu.dma_semaphore, #tpu.memory_space<semaphore_mem>>) src(%dma_wait3A_684 : memref<128xi32, #tpu.memory_space<hbm>>) dst(%dma_wait3A_682 : memref<128xi32, #tpu.memory_space<vmem>>)
    %dma_wait3A_685 = arith.constant 26 : i32
    %dma_wait3A_686 = arith.constant 3328 : i32
    %dma_wait3A_687 = tpu.memref_slice %arg5[%dma_wait3A_686] : memref<6400xi32, #tpu.memory_space<vmem>> -> memref<128xi32, #tpu.memory_space<vmem>>
    %dma_wait3A_688 = tpu.memref_slice %arg2[%dma_wait3A_685, %mul3A_2] : memref<50x4096xi32, #tpu.memory_space<hbm>> -> memref<1x128xi32, #tpu.memory_space<hbm>>
    %dma_wait3A_689 = tpu.memref_squeeze %dma_wait3A_688 : memref<1x128xi32, #tpu.memory_space<hbm>> -> memref<128xi32, #tpu.memory_space<hbm>>
    %dma_wait3A_690 = arith.constant 3328 : i32
    %dma_wait3A_691 = tpu.memref_slice %arg5[%dma_wait3A_690] : memref<6400xi32, #tpu.memory_space<vmem>> -> memref<128xi32, #tpu.memory_space<vmem>>
    %dma_wait3A_692 = tpu.memref_slice %arg2[%dma_wait3A_685, %mul3A_2] : memref<50x4096xi32, #tpu.memory_space<hbm>> -> memref<1x128xi32, #tpu.memory_space<hbm>>
    %dma_wait3A_693 = tpu.memref_squeeze %dma_wait3A_692 : memref<1x128xi32, #tpu.memory_space<hbm>> -> memref<128xi32, #tpu.memory_space<hbm>>
    tpu.wait_dma2 semaphore(%arg11 : memref<!tpu.dma_semaphore, #tpu.memory_space<semaphore_mem>>) src(%dma_wait3A_693 : memref<128xi32, #tpu.memory_space<hbm>>) dst(%dma_wait3A_691 : memref<128xi32, #tpu.memory_space<vmem>>)
    %dma_wait3A_694 = arith.constant 27 : i32
    %dma_wait3A_695 = arith.constant 3456 : i32
    %dma_wait3A_696 = tpu.memref_slice %arg5[%dma_wait3A_695] : memref<6400xi32, #tpu.memory_space<vmem>> -> memref<128xi32, #tpu.memory_space<vmem>>
    %dma_wait3A_697 = tpu.memref_slice %arg2[%dma_wait3A_694, %mul3A_2] : memref<50x4096xi32, #tpu.memory_space<hbm>> -> memref<1x128xi32, #tpu.memory_space<hbm>>
    %dma_wait3A_698 = tpu.memref_squeeze %dma_wait3A_697 : memref<1x128xi32, #tpu.memory_space<hbm>> -> memref<128xi32, #tpu.memory_space<hbm>>
    %dma_wait3A_699 = arith.constant 3456 : i32
    %dma_wait3A_700 = tpu.memref_slice %arg5[%dma_wait3A_699] : memref<6400xi32, #tpu.memory_space<vmem>> -> memref<128xi32, #tpu.memory_space<vmem>>
    %dma_wait3A_701 = tpu.memref_slice %arg2[%dma_wait3A_694, %mul3A_2] : memref<50x4096xi32, #tpu.memory_space<hbm>> -> memref<1x128xi32, #tpu.memory_space<hbm>>
    %dma_wait3A_702 = tpu.memref_squeeze %dma_wait3A_701 : memref<1x128xi32, #tpu.memory_space<hbm>> -> memref<128xi32, #tpu.memory_space<hbm>>
    tpu.wait_dma2 semaphore(%arg11 : memref<!tpu.dma_semaphore, #tpu.memory_space<semaphore_mem>>) src(%dma_wait3A_702 : memref<128xi32, #tpu.memory_space<hbm>>) dst(%dma_wait3A_700 : memref<128xi32, #tpu.memory_space<vmem>>)
    %dma_wait3A_703 = arith.constant 28 : i32
    %dma_wait3A_704 = arith.constant 3584 : i32
    %dma_wait3A_705 = tpu.memref_slice %arg5[%dma_wait3A_704] : memref<6400xi32, #tpu.memory_space<vmem>> -> memref<128xi32, #tpu.memory_space<vmem>>
    %dma_wait3A_706 = tpu.memref_slice %arg2[%dma_wait3A_703, %mul3A_2] : memref<50x4096xi32, #tpu.memory_space<hbm>> -> memref<1x128xi32, #tpu.memory_space<hbm>>
    %dma_wait3A_707 = tpu.memref_squeeze %dma_wait3A_706 : memref<1x128xi32, #tpu.memory_space<hbm>> -> memref<128xi32, #tpu.memory_space<hbm>>
    %dma_wait3A_708 = arith.constant 3584 : i32
    %dma_wait3A_709 = tpu.memref_slice %arg5[%dma_wait3A_708] : memref<6400xi32, #tpu.memory_space<vmem>> -> memref<128xi32, #tpu.memory_space<vmem>>
    %dma_wait3A_710 = tpu.memref_slice %arg2[%dma_wait3A_703, %mul3A_2] : memref<50x4096xi32, #tpu.memory_space<hbm>> -> memref<1x128xi32, #tpu.memory_space<hbm>>
    %dma_wait3A_711 = tpu.memref_squeeze %dma_wait3A_710 : memref<1x128xi32, #tpu.memory_space<hbm>> -> memref<128xi32, #tpu.memory_space<hbm>>
    tpu.wait_dma2 semaphore(%arg11 : memref<!tpu.dma_semaphore, #tpu.memory_space<semaphore_mem>>) src(%dma_wait3A_711 : memref<128xi32, #tpu.memory_space<hbm>>) dst(%dma_wait3A_709 : memref<128xi32, #tpu.memory_space<vmem>>)
    %dma_wait3A_712 = arith.constant 29 : i32
    %dma_wait3A_713 = arith.constant 3712 : i32
    %dma_wait3A_714 = tpu.memref_slice %arg5[%dma_wait3A_713] : memref<6400xi32, #tpu.memory_space<vmem>> -> memref<128xi32, #tpu.memory_space<vmem>>
    %dma_wait3A_715 = tpu.memref_slice %arg2[%dma_wait3A_712, %mul3A_2] : memref<50x4096xi32, #tpu.memory_space<hbm>> -> memref<1x128xi32, #tpu.memory_space<hbm>>
    %dma_wait3A_716 = tpu.memref_squeeze %dma_wait3A_715 : memref<1x128xi32, #tpu.memory_space<hbm>> -> memref<128xi32, #tpu.memory_space<hbm>>
    %dma_wait3A_717 = arith.constant 3712 : i32
    %dma_wait3A_718 = tpu.memref_slice %arg5[%dma_wait3A_717] : memref<6400xi32, #tpu.memory_space<vmem>> -> memref<128xi32, #tpu.memory_space<vmem>>
    %dma_wait3A_719 = tpu.memref_slice %arg2[%dma_wait3A_712, %mul3A_2] : memref<50x4096xi32, #tpu.memory_space<hbm>> -> memref<1x128xi32, #tpu.memory_space<hbm>>
    %dma_wait3A_720 = tpu.memref_squeeze %dma_wait3A_719 : memref<1x128xi32, #tpu.memory_space<hbm>> -> memref<128xi32, #tpu.memory_space<hbm>>
    tpu.wait_dma2 semaphore(%arg11 : memref<!tpu.dma_semaphore, #tpu.memory_space<semaphore_mem>>) src(%dma_wait3A_720 : memref<128xi32, #tpu.memory_space<hbm>>) dst(%dma_wait3A_718 : memref<128xi32, #tpu.memory_space<vmem>>)
    %dma_wait3A_721 = arith.constant 30 : i32
    %dma_wait3A_722 = arith.constant 3840 : i32
    %dma_wait3A_723 = tpu.memref_slice %arg5[%dma_wait3A_722] : memref<6400xi32, #tpu.memory_space<vmem>> -> memref<128xi32, #tpu.memory_space<vmem>>
    %dma_wait3A_724 = tpu.memref_slice %arg2[%dma_wait3A_721, %mul3A_2] : memref<50x4096xi32, #tpu.memory_space<hbm>> -> memref<1x128xi32, #tpu.memory_space<hbm>>
    %dma_wait3A_725 = tpu.memref_squeeze %dma_wait3A_724 : memref<1x128xi32, #tpu.memory_space<hbm>> -> memref<128xi32, #tpu.memory_space<hbm>>
    %dma_wait3A_726 = arith.constant 3840 : i32
    %dma_wait3A_727 = tpu.memref_slice %arg5[%dma_wait3A_726] : memref<6400xi32, #tpu.memory_space<vmem>> -> memref<128xi32, #tpu.memory_space<vmem>>
    %dma_wait3A_728 = tpu.memref_slice %arg2[%dma_wait3A_721, %mul3A_2] : memref<50x4096xi32, #tpu.memory_space<hbm>> -> memref<1x128xi32, #tpu.memory_space<hbm>>
    %dma_wait3A_729 = tpu.memref_squeeze %dma_wait3A_728 : memref<1x128xi32, #tpu.memory_space<hbm>> -> memref<128xi32, #tpu.memory_space<hbm>>
    tpu.wait_dma2 semaphore(%arg11 : memref<!tpu.dma_semaphore, #tpu.memory_space<semaphore_mem>>) src(%dma_wait3A_729 : memref<128xi32, #tpu.memory_space<hbm>>) dst(%dma_wait3A_727 : memref<128xi32, #tpu.memory_space<vmem>>)
    %dma_wait3A_730 = arith.constant 31 : i32
    %dma_wait3A_731 = arith.constant 3968 : i32
    %dma_wait3A_732 = tpu.memref_slice %arg5[%dma_wait3A_731] : memref<6400xi32, #tpu.memory_space<vmem>> -> memref<128xi32, #tpu.memory_space<vmem>>
    %dma_wait3A_733 = tpu.memref_slice %arg2[%dma_wait3A_730, %mul3A_2] : memref<50x4096xi32, #tpu.memory_space<hbm>> -> memref<1x128xi32, #tpu.memory_space<hbm>>
    %dma_wait3A_734 = tpu.memref_squeeze %dma_wait3A_733 : memref<1x128xi32, #tpu.memory_space<hbm>> -> memref<128xi32, #tpu.memory_space<hbm>>
    %dma_wait3A_735 = arith.constant 3968 : i32
    %dma_wait3A_736 = tpu.memref_slice %arg5[%dma_wait3A_735] : memref<6400xi32, #tpu.memory_space<vmem>> -> memref<128xi32, #tpu.memory_space<vmem>>
    %dma_wait3A_737 = tpu.memref_slice %arg2[%dma_wait3A_730, %mul3A_2] : memref<50x4096xi32, #tpu.memory_space<hbm>> -> memref<1x128xi32, #tpu.memory_space<hbm>>
    %dma_wait3A_738 = tpu.memref_squeeze %dma_wait3A_737 : memref<1x128xi32, #tpu.memory_space<hbm>> -> memref<128xi32, #tpu.memory_space<hbm>>
    tpu.wait_dma2 semaphore(%arg11 : memref<!tpu.dma_semaphore, #tpu.memory_space<semaphore_mem>>) src(%dma_wait3A_738 : memref<128xi32, #tpu.memory_space<hbm>>) dst(%dma_wait3A_736 : memref<128xi32, #tpu.memory_space<vmem>>)
    %dma_wait3A_739 = arith.constant 32 : i32
    %dma_wait3A_740 = arith.constant 4096 : i32
    %dma_wait3A_741 = tpu.memref_slice %arg5[%dma_wait3A_740] : memref<6400xi32, #tpu.memory_space<vmem>> -> memref<128xi32, #tpu.memory_space<vmem>>
    %dma_wait3A_742 = tpu.memref_slice %arg2[%dma_wait3A_739, %mul3A_2] : memref<50x4096xi32, #tpu.memory_space<hbm>> -> memref<1x128xi32, #tpu.memory_space<hbm>>
    %dma_wait3A_743 = tpu.memref_squeeze %dma_wait3A_742 : memref<1x128xi32, #tpu.memory_space<hbm>> -> memref<128xi32, #tpu.memory_space<hbm>>
    %dma_wait3A_744 = arith.constant 4096 : i32
    %dma_wait3A_745 = tpu.memref_slice %arg5[%dma_wait3A_744] : memref<6400xi32, #tpu.memory_space<vmem>> -> memref<128xi32, #tpu.memory_space<vmem>>
    %dma_wait3A_746 = tpu.memref_slice %arg2[%dma_wait3A_739, %mul3A_2] : memref<50x4096xi32, #tpu.memory_space<hbm>> -> memref<1x128xi32, #tpu.memory_space<hbm>>
    %dma_wait3A_747 = tpu.memref_squeeze %dma_wait3A_746 : memref<1x128xi32, #tpu.memory_space<hbm>> -> memref<128xi32, #tpu.memory_space<hbm>>
    tpu.wait_dma2 semaphore(%arg11 : memref<!tpu.dma_semaphore, #tpu.memory_space<semaphore_mem>>) src(%dma_wait3A_747 : memref<128xi32, #tpu.memory_space<hbm>>) dst(%dma_wait3A_745 : memref<128xi32, #tpu.memory_space<vmem>>)
    %dma_wait3A_748 = arith.constant 33 : i32
    %dma_wait3A_749 = arith.constant 4224 : i32
    %dma_wait3A_750 = tpu.memref_slice %arg5[%dma_wait3A_749] : memref<6400xi32, #tpu.memory_space<vmem>> -> memref<128xi32, #tpu.memory_space<vmem>>
    %dma_wait3A_751 = tpu.memref_slice %arg2[%dma_wait3A_748, %mul3A_2] : memref<50x4096xi32, #tpu.memory_space<hbm>> -> memref<1x128xi32, #tpu.memory_space<hbm>>
    %dma_wait3A_752 = tpu.memref_squeeze %dma_wait3A_751 : memref<1x128xi32, #tpu.memory_space<hbm>> -> memref<128xi32, #tpu.memory_space<hbm>>
    %dma_wait3A_753 = arith.constant 4224 : i32
    %dma_wait3A_754 = tpu.memref_slice %arg5[%dma_wait3A_753] : memref<6400xi32, #tpu.memory_space<vmem>> -> memref<128xi32, #tpu.memory_space<vmem>>
    %dma_wait3A_755 = tpu.memref_slice %arg2[%dma_wait3A_748, %mul3A_2] : memref<50x4096xi32, #tpu.memory_space<hbm>> -> memref<1x128xi32, #tpu.memory_space<hbm>>
    %dma_wait3A_756 = tpu.memref_squeeze %dma_wait3A_755 : memref<1x128xi32, #tpu.memory_space<hbm>> -> memref<128xi32, #tpu.memory_space<hbm>>
    tpu.wait_dma2 semaphore(%arg11 : memref<!tpu.dma_semaphore, #tpu.memory_space<semaphore_mem>>) src(%dma_wait3A_756 : memref<128xi32, #tpu.memory_space<hbm>>) dst(%dma_wait3A_754 : memref<128xi32, #tpu.memory_space<vmem>>)
    %dma_wait3A_757 = arith.constant 34 : i32
    %dma_wait3A_758 = arith.constant 4352 : i32
    %dma_wait3A_759 = tpu.memref_slice %arg5[%dma_wait3A_758] : memref<6400xi32, #tpu.memory_space<vmem>> -> memref<128xi32, #tpu.memory_space<vmem>>
    %dma_wait3A_760 = tpu.memref_slice %arg2[%dma_wait3A_757, %mul3A_2] : memref<50x4096xi32, #tpu.memory_space<hbm>> -> memref<1x128xi32, #tpu.memory_space<hbm>>
    %dma_wait3A_761 = tpu.memref_squeeze %dma_wait3A_760 : memref<1x128xi32, #tpu.memory_space<hbm>> -> memref<128xi32, #tpu.memory_space<hbm>>
    %dma_wait3A_762 = arith.constant 4352 : i32
    %dma_wait3A_763 = tpu.memref_slice %arg5[%dma_wait3A_762] : memref<6400xi32, #tpu.memory_space<vmem>> -> memref<128xi32, #tpu.memory_space<vmem>>
    %dma_wait3A_764 = tpu.memref_slice %arg2[%dma_wait3A_757, %mul3A_2] : memref<50x4096xi32, #tpu.memory_space<hbm>> -> memref<1x128xi32, #tpu.memory_space<hbm>>
    %dma_wait3A_765 = tpu.memref_squeeze %dma_wait3A_764 : memref<1x128xi32, #tpu.memory_space<hbm>> -> memref<128xi32, #tpu.memory_space<hbm>>
    tpu.wait_dma2 semaphore(%arg11 : memref<!tpu.dma_semaphore, #tpu.memory_space<semaphore_mem>>) src(%dma_wait3A_765 : memref<128xi32, #tpu.memory_space<hbm>>) dst(%dma_wait3A_763 : memref<128xi32, #tpu.memory_space<vmem>>)
    %dma_wait3A_766 = arith.constant 35 : i32
    %dma_wait3A_767 = arith.constant 4480 : i32
    %dma_wait3A_768 = tpu.memref_slice %arg5[%dma_wait3A_767] : memref<6400xi32, #tpu.memory_space<vmem>> -> memref<128xi32, #tpu.memory_space<vmem>>
    %dma_wait3A_769 = tpu.memref_slice %arg2[%dma_wait3A_766, %mul3A_2] : memref<50x4096xi32, #tpu.memory_space<hbm>> -> memref<1x128xi32, #tpu.memory_space<hbm>>
    %dma_wait3A_770 = tpu.memref_squeeze %dma_wait3A_769 : memref<1x128xi32, #tpu.memory_space<hbm>> -> memref<128xi32, #tpu.memory_space<hbm>>
    %dma_wait3A_771 = arith.constant 4480 : i32
    %dma_wait3A_772 = tpu.memref_slice %arg5[%dma_wait3A_771] : memref<6400xi32, #tpu.memory_space<vmem>> -> memref<128xi32, #tpu.memory_space<vmem>>
    %dma_wait3A_773 = tpu.memref_slice %arg2[%dma_wait3A_766, %mul3A_2] : memref<50x4096xi32, #tpu.memory_space<hbm>> -> memref<1x128xi32, #tpu.memory_space<hbm>>
    %dma_wait3A_774 = tpu.memref_squeeze %dma_wait3A_773 : memref<1x128xi32, #tpu.memory_space<hbm>> -> memref<128xi32, #tpu.memory_space<hbm>>
    tpu.wait_dma2 semaphore(%arg11 : memref<!tpu.dma_semaphore, #tpu.memory_space<semaphore_mem>>) src(%dma_wait3A_774 : memref<128xi32, #tpu.memory_space<hbm>>) dst(%dma_wait3A_772 : memref<128xi32, #tpu.memory_space<vmem>>)
    %dma_wait3A_775 = arith.constant 36 : i32
    %dma_wait3A_776 = arith.constant 4608 : i32
    %dma_wait3A_777 = tpu.memref_slice %arg5[%dma_wait3A_776] : memref<6400xi32, #tpu.memory_space<vmem>> -> memref<128xi32, #tpu.memory_space<vmem>>
    %dma_wait3A_778 = tpu.memref_slice %arg2[%dma_wait3A_775, %mul3A_2] : memref<50x4096xi32, #tpu.memory_space<hbm>> -> memref<1x128xi32, #tpu.memory_space<hbm>>
    %dma_wait3A_779 = tpu.memref_squeeze %dma_wait3A_778 : memref<1x128xi32, #tpu.memory_space<hbm>> -> memref<128xi32, #tpu.memory_space<hbm>>
    %dma_wait3A_780 = arith.constant 4608 : i32
    %dma_wait3A_781 = tpu.memref_slice %arg5[%dma_wait3A_780] : memref<6400xi32, #tpu.memory_space<vmem>> -> memref<128xi32, #tpu.memory_space<vmem>>
    %dma_wait3A_782 = tpu.memref_slice %arg2[%dma_wait3A_775, %mul3A_2] : memref<50x4096xi32, #tpu.memory_space<hbm>> -> memref<1x128xi32, #tpu.memory_space<hbm>>
    %dma_wait3A_783 = tpu.memref_squeeze %dma_wait3A_782 : memref<1x128xi32, #tpu.memory_space<hbm>> -> memref<128xi32, #tpu.memory_space<hbm>>
    tpu.wait_dma2 semaphore(%arg11 : memref<!tpu.dma_semaphore, #tpu.memory_space<semaphore_mem>>) src(%dma_wait3A_783 : memref<128xi32, #tpu.memory_space<hbm>>) dst(%dma_wait3A_781 : memref<128xi32, #tpu.memory_space<vmem>>)
    %dma_wait3A_784 = arith.constant 37 : i32
    %dma_wait3A_785 = arith.constant 4736 : i32
    %dma_wait3A_786 = tpu.memref_slice %arg5[%dma_wait3A_785] : memref<6400xi32, #tpu.memory_space<vmem>> -> memref<128xi32, #tpu.memory_space<vmem>>
    %dma_wait3A_787 = tpu.memref_slice %arg2[%dma_wait3A_784, %mul3A_2] : memref<50x4096xi32, #tpu.memory_space<hbm>> -> memref<1x128xi32, #tpu.memory_space<hbm>>
    %dma_wait3A_788 = tpu.memref_squeeze %dma_wait3A_787 : memref<1x128xi32, #tpu.memory_space<hbm>> -> memref<128xi32, #tpu.memory_space<hbm>>
    %dma_wait3A_789 = arith.constant 4736 : i32
    %dma_wait3A_790 = tpu.memref_slice %arg5[%dma_wait3A_789] : memref<6400xi32, #tpu.memory_space<vmem>> -> memref<128xi32, #tpu.memory_space<vmem>>
    %dma_wait3A_791 = tpu.memref_slice %arg2[%dma_wait3A_784, %mul3A_2] : memref<50x4096xi32, #tpu.memory_space<hbm>> -> memref<1x128xi32, #tpu.memory_space<hbm>>
    %dma_wait3A_792 = tpu.memref_squeeze %dma_wait3A_791 : memref<1x128xi32, #tpu.memory_space<hbm>> -> memref<128xi32, #tpu.memory_space<hbm>>
    tpu.wait_dma2 semaphore(%arg11 : memref<!tpu.dma_semaphore, #tpu.memory_space<semaphore_mem>>) src(%dma_wait3A_792 : memref<128xi32, #tpu.memory_space<hbm>>) dst(%dma_wait3A_790 : memref<128xi32, #tpu.memory_space<vmem>>)
    %dma_wait3A_793 = arith.constant 38 : i32
    %dma_wait3A_794 = arith.constant 4864 : i32
    %dma_wait3A_795 = tpu.memref_slice %arg5[%dma_wait3A_794] : memref<6400xi32, #tpu.memory_space<vmem>> -> memref<128xi32, #tpu.memory_space<vmem>>
    %dma_wait3A_796 = tpu.memref_slice %arg2[%dma_wait3A_793, %mul3A_2] : memref<50x4096xi32, #tpu.memory_space<hbm>> -> memref<1x128xi32, #tpu.memory_space<hbm>>
    %dma_wait3A_797 = tpu.memref_squeeze %dma_wait3A_796 : memref<1x128xi32, #tpu.memory_space<hbm>> -> memref<128xi32, #tpu.memory_space<hbm>>
    %dma_wait3A_798 = arith.constant 4864 : i32
    %dma_wait3A_799 = tpu.memref_slice %arg5[%dma_wait3A_798] : memref<6400xi32, #tpu.memory_space<vmem>> -> memref<128xi32, #tpu.memory_space<vmem>>
    %dma_wait3A_800 = tpu.memref_slice %arg2[%dma_wait3A_793, %mul3A_2] : memref<50x4096xi32, #tpu.memory_space<hbm>> -> memref<1x128xi32, #tpu.memory_space<hbm>>
    %dma_wait3A_801 = tpu.memref_squeeze %dma_wait3A_800 : memref<1x128xi32, #tpu.memory_space<hbm>> -> memref<128xi32, #tpu.memory_space<hbm>>
    tpu.wait_dma2 semaphore(%arg11 : memref<!tpu.dma_semaphore, #tpu.memory_space<semaphore_mem>>) src(%dma_wait3A_801 : memref<128xi32, #tpu.memory_space<hbm>>) dst(%dma_wait3A_799 : memref<128xi32, #tpu.memory_space<vmem>>)
    %dma_wait3A_802 = arith.constant 39 : i32
    %dma_wait3A_803 = arith.constant 4992 : i32
    %dma_wait3A_804 = tpu.memref_slice %arg5[%dma_wait3A_803] : memref<6400xi32, #tpu.memory_space<vmem>> -> memref<128xi32, #tpu.memory_space<vmem>>
    %dma_wait3A_805 = tpu.memref_slice %arg2[%dma_wait3A_802, %mul3A_2] : memref<50x4096xi32, #tpu.memory_space<hbm>> -> memref<1x128xi32, #tpu.memory_space<hbm>>
    %dma_wait3A_806 = tpu.memref_squeeze %dma_wait3A_805 : memref<1x128xi32, #tpu.memory_space<hbm>> -> memref<128xi32, #tpu.memory_space<hbm>>
    %dma_wait3A_807 = arith.constant 4992 : i32
    %dma_wait3A_808 = tpu.memref_slice %arg5[%dma_wait3A_807] : memref<6400xi32, #tpu.memory_space<vmem>> -> memref<128xi32, #tpu.memory_space<vmem>>
    %dma_wait3A_809 = tpu.memref_slice %arg2[%dma_wait3A_802, %mul3A_2] : memref<50x4096xi32, #tpu.memory_space<hbm>> -> memref<1x128xi32, #tpu.memory_space<hbm>>
    %dma_wait3A_810 = tpu.memref_squeeze %dma_wait3A_809 : memref<1x128xi32, #tpu.memory_space<hbm>> -> memref<128xi32, #tpu.memory_space<hbm>>
    tpu.wait_dma2 semaphore(%arg11 : memref<!tpu.dma_semaphore, #tpu.memory_space<semaphore_mem>>) src(%dma_wait3A_810 : memref<128xi32, #tpu.memory_space<hbm>>) dst(%dma_wait3A_808 : memref<128xi32, #tpu.memory_space<vmem>>)
    %dma_wait3A_811 = arith.constant 40 : i32
    %dma_wait3A_812 = arith.constant 5120 : i32
    %dma_wait3A_813 = tpu.memref_slice %arg5[%dma_wait3A_812] : memref<6400xi32, #tpu.memory_space<vmem>> -> memref<128xi32, #tpu.memory_space<vmem>>
    %dma_wait3A_814 = tpu.memref_slice %arg2[%dma_wait3A_811, %mul3A_2] : memref<50x4096xi32, #tpu.memory_space<hbm>> -> memref<1x128xi32, #tpu.memory_space<hbm>>
    %dma_wait3A_815 = tpu.memref_squeeze %dma_wait3A_814 : memref<1x128xi32, #tpu.memory_space<hbm>> -> memref<128xi32, #tpu.memory_space<hbm>>
    %dma_wait3A_816 = arith.constant 5120 : i32
    %dma_wait3A_817 = tpu.memref_slice %arg5[%dma_wait3A_816] : memref<6400xi32, #tpu.memory_space<vmem>> -> memref<128xi32, #tpu.memory_space<vmem>>
    %dma_wait3A_818 = tpu.memref_slice %arg2[%dma_wait3A_811, %mul3A_2] : memref<50x4096xi32, #tpu.memory_space<hbm>> -> memref<1x128xi32, #tpu.memory_space<hbm>>
    %dma_wait3A_819 = tpu.memref_squeeze %dma_wait3A_818 : memref<1x128xi32, #tpu.memory_space<hbm>> -> memref<128xi32, #tpu.memory_space<hbm>>
    tpu.wait_dma2 semaphore(%arg11 : memref<!tpu.dma_semaphore, #tpu.memory_space<semaphore_mem>>) src(%dma_wait3A_819 : memref<128xi32, #tpu.memory_space<hbm>>) dst(%dma_wait3A_817 : memref<128xi32, #tpu.memory_space<vmem>>)
    %dma_wait3A_820 = arith.constant 41 : i32
    %dma_wait3A_821 = arith.constant 5248 : i32
    %dma_wait3A_822 = tpu.memref_slice %arg5[%dma_wait3A_821] : memref<6400xi32, #tpu.memory_space<vmem>> -> memref<128xi32, #tpu.memory_space<vmem>>
    %dma_wait3A_823 = tpu.memref_slice %arg2[%dma_wait3A_820, %mul3A_2] : memref<50x4096xi32, #tpu.memory_space<hbm>> -> memref<1x128xi32, #tpu.memory_space<hbm>>
    %dma_wait3A_824 = tpu.memref_squeeze %dma_wait3A_823 : memref<1x128xi32, #tpu.memory_space<hbm>> -> memref<128xi32, #tpu.memory_space<hbm>>
    %dma_wait3A_825 = arith.constant 5248 : i32
    %dma_wait3A_826 = tpu.memref_slice %arg5[%dma_wait3A_825] : memref<6400xi32, #tpu.memory_space<vmem>> -> memref<128xi32, #tpu.memory_space<vmem>>
    %dma_wait3A_827 = tpu.memref_slice %arg2[%dma_wait3A_820, %mul3A_2] : memref<50x4096xi32, #tpu.memory_space<hbm>> -> memref<1x128xi32, #tpu.memory_space<hbm>>
    %dma_wait3A_828 = tpu.memref_squeeze %dma_wait3A_827 : memref<1x128xi32, #tpu.memory_space<hbm>> -> memref<128xi32, #tpu.memory_space<hbm>>
    tpu.wait_dma2 semaphore(%arg11 : memref<!tpu.dma_semaphore, #tpu.memory_space<semaphore_mem>>) src(%dma_wait3A_828 : memref<128xi32, #tpu.memory_space<hbm>>) dst(%dma_wait3A_826 : memref<128xi32, #tpu.memory_space<vmem>>)
    %dma_wait3A_829 = arith.constant 42 : i32
    %dma_wait3A_830 = arith.constant 5376 : i32
    %dma_wait3A_831 = tpu.memref_slice %arg5[%dma_wait3A_830] : memref<6400xi32, #tpu.memory_space<vmem>> -> memref<128xi32, #tpu.memory_space<vmem>>
    %dma_wait3A_832 = tpu.memref_slice %arg2[%dma_wait3A_829, %mul3A_2] : memref<50x4096xi32, #tpu.memory_space<hbm>> -> memref<1x128xi32, #tpu.memory_space<hbm>>
    %dma_wait3A_833 = tpu.memref_squeeze %dma_wait3A_832 : memref<1x128xi32, #tpu.memory_space<hbm>> -> memref<128xi32, #tpu.memory_space<hbm>>
    %dma_wait3A_834 = arith.constant 5376 : i32
    %dma_wait3A_835 = tpu.memref_slice %arg5[%dma_wait3A_834] : memref<6400xi32, #tpu.memory_space<vmem>> -> memref<128xi32, #tpu.memory_space<vmem>>
    %dma_wait3A_836 = tpu.memref_slice %arg2[%dma_wait3A_829, %mul3A_2] : memref<50x4096xi32, #tpu.memory_space<hbm>> -> memref<1x128xi32, #tpu.memory_space<hbm>>
    %dma_wait3A_837 = tpu.memref_squeeze %dma_wait3A_836 : memref<1x128xi32, #tpu.memory_space<hbm>> -> memref<128xi32, #tpu.memory_space<hbm>>
    tpu.wait_dma2 semaphore(%arg11 : memref<!tpu.dma_semaphore, #tpu.memory_space<semaphore_mem>>) src(%dma_wait3A_837 : memref<128xi32, #tpu.memory_space<hbm>>) dst(%dma_wait3A_835 : memref<128xi32, #tpu.memory_space<vmem>>)
    %dma_wait3A_838 = arith.constant 43 : i32
    %dma_wait3A_839 = arith.constant 5504 : i32
    %dma_wait3A_840 = tpu.memref_slice %arg5[%dma_wait3A_839] : memref<6400xi32, #tpu.memory_space<vmem>> -> memref<128xi32, #tpu.memory_space<vmem>>
    %dma_wait3A_841 = tpu.memref_slice %arg2[%dma_wait3A_838, %mul3A_2] : memref<50x4096xi32, #tpu.memory_space<hbm>> -> memref<1x128xi32, #tpu.memory_space<hbm>>
    %dma_wait3A_842 = tpu.memref_squeeze %dma_wait3A_841 : memref<1x128xi32, #tpu.memory_space<hbm>> -> memref<128xi32, #tpu.memory_space<hbm>>
    %dma_wait3A_843 = arith.constant 5504 : i32
    %dma_wait3A_844 = tpu.memref_slice %arg5[%dma_wait3A_843] : memref<6400xi32, #tpu.memory_space<vmem>> -> memref<128xi32, #tpu.memory_space<vmem>>
    %dma_wait3A_845 = tpu.memref_slice %arg2[%dma_wait3A_838, %mul3A_2] : memref<50x4096xi32, #tpu.memory_space<hbm>> -> memref<1x128xi32, #tpu.memory_space<hbm>>
    %dma_wait3A_846 = tpu.memref_squeeze %dma_wait3A_845 : memref<1x128xi32, #tpu.memory_space<hbm>> -> memref<128xi32, #tpu.memory_space<hbm>>
    tpu.wait_dma2 semaphore(%arg11 : memref<!tpu.dma_semaphore, #tpu.memory_space<semaphore_mem>>) src(%dma_wait3A_846 : memref<128xi32, #tpu.memory_space<hbm>>) dst(%dma_wait3A_844 : memref<128xi32, #tpu.memory_space<vmem>>)
    %dma_wait3A_847 = arith.constant 44 : i32
    %dma_wait3A_848 = arith.constant 5632 : i32
    %dma_wait3A_849 = tpu.memref_slice %arg5[%dma_wait3A_848] : memref<6400xi32, #tpu.memory_space<vmem>> -> memref<128xi32, #tpu.memory_space<vmem>>
    %dma_wait3A_850 = tpu.memref_slice %arg2[%dma_wait3A_847, %mul3A_2] : memref<50x4096xi32, #tpu.memory_space<hbm>> -> memref<1x128xi32, #tpu.memory_space<hbm>>
    %dma_wait3A_851 = tpu.memref_squeeze %dma_wait3A_850 : memref<1x128xi32, #tpu.memory_space<hbm>> -> memref<128xi32, #tpu.memory_space<hbm>>
    %dma_wait3A_852 = arith.constant 5632 : i32
    %dma_wait3A_853 = tpu.memref_slice %arg5[%dma_wait3A_852] : memref<6400xi32, #tpu.memory_space<vmem>> -> memref<128xi32, #tpu.memory_space<vmem>>
    %dma_wait3A_854 = tpu.memref_slice %arg2[%dma_wait3A_847, %mul3A_2] : memref<50x4096xi32, #tpu.memory_space<hbm>> -> memref<1x128xi32, #tpu.memory_space<hbm>>
    %dma_wait3A_855 = tpu.memref_squeeze %dma_wait3A_854 : memref<1x128xi32, #tpu.memory_space<hbm>> -> memref<128xi32, #tpu.memory_space<hbm>>
    tpu.wait_dma2 semaphore(%arg11 : memref<!tpu.dma_semaphore, #tpu.memory_space<semaphore_mem>>) src(%dma_wait3A_855 : memref<128xi32, #tpu.memory_space<hbm>>) dst(%dma_wait3A_853 : memref<128xi32, #tpu.memory_space<vmem>>)
    %dma_wait3A_856 = arith.constant 45 : i32
    %dma_wait3A_857 = arith.constant 5760 : i32
    %dma_wait3A_858 = tpu.memref_slice %arg5[%dma_wait3A_857] : memref<6400xi32, #tpu.memory_space<vmem>> -> memref<128xi32, #tpu.memory_space<vmem>>
    %dma_wait3A_859 = tpu.memref_slice %arg2[%dma_wait3A_856, %mul3A_2] : memref<50x4096xi32, #tpu.memory_space<hbm>> -> memref<1x128xi32, #tpu.memory_space<hbm>>
    %dma_wait3A_860 = tpu.memref_squeeze %dma_wait3A_859 : memref<1x128xi32, #tpu.memory_space<hbm>> -> memref<128xi32, #tpu.memory_space<hbm>>
    %dma_wait3A_861 = arith.constant 5760 : i32
    %dma_wait3A_862 = tpu.memref_slice %arg5[%dma_wait3A_861] : memref<6400xi32, #tpu.memory_space<vmem>> -> memref<128xi32, #tpu.memory_space<vmem>>
    %dma_wait3A_863 = tpu.memref_slice %arg2[%dma_wait3A_856, %mul3A_2] : memref<50x4096xi32, #tpu.memory_space<hbm>> -> memref<1x128xi32, #tpu.memory_space<hbm>>
    %dma_wait3A_864 = tpu.memref_squeeze %dma_wait3A_863 : memref<1x128xi32, #tpu.memory_space<hbm>> -> memref<128xi32, #tpu.memory_space<hbm>>
    tpu.wait_dma2 semaphore(%arg11 : memref<!tpu.dma_semaphore, #tpu.memory_space<semaphore_mem>>) src(%dma_wait3A_864 : memref<128xi32, #tpu.memory_space<hbm>>) dst(%dma_wait3A_862 : memref<128xi32, #tpu.memory_space<vmem>>)
    %dma_wait3A_865 = arith.constant 46 : i32
    %dma_wait3A_866 = arith.constant 5888 : i32
    %dma_wait3A_867 = tpu.memref_slice %arg5[%dma_wait3A_866] : memref<6400xi32, #tpu.memory_space<vmem>> -> memref<128xi32, #tpu.memory_space<vmem>>
    %dma_wait3A_868 = tpu.memref_slice %arg2[%dma_wait3A_865, %mul3A_2] : memref<50x4096xi32, #tpu.memory_space<hbm>> -> memref<1x128xi32, #tpu.memory_space<hbm>>
    %dma_wait3A_869 = tpu.memref_squeeze %dma_wait3A_868 : memref<1x128xi32, #tpu.memory_space<hbm>> -> memref<128xi32, #tpu.memory_space<hbm>>
    %dma_wait3A_870 = arith.constant 5888 : i32
    %dma_wait3A_871 = tpu.memref_slice %arg5[%dma_wait3A_870] : memref<6400xi32, #tpu.memory_space<vmem>> -> memref<128xi32, #tpu.memory_space<vmem>>
    %dma_wait3A_872 = tpu.memref_slice %arg2[%dma_wait3A_865, %mul3A_2] : memref<50x4096xi32, #tpu.memory_space<hbm>> -> memref<1x128xi32, #tpu.memory_space<hbm>>
    %dma_wait3A_873 = tpu.memref_squeeze %dma_wait3A_872 : memref<1x128xi32, #tpu.memory_space<hbm>> -> memref<128xi32, #tpu.memory_space<hbm>>
    tpu.wait_dma2 semaphore(%arg11 : memref<!tpu.dma_semaphore, #tpu.memory_space<semaphore_mem>>) src(%dma_wait3A_873 : memref<128xi32, #tpu.memory_space<hbm>>) dst(%dma_wait3A_871 : memref<128xi32, #tpu.memory_space<vmem>>)
    %dma_wait3A_874 = arith.constant 47 : i32
    %dma_wait3A_875 = arith.constant 6016 : i32
    %dma_wait3A_876 = tpu.memref_slice %arg5[%dma_wait3A_875] : memref<6400xi32, #tpu.memory_space<vmem>> -> memref<128xi32, #tpu.memory_space<vmem>>
    %dma_wait3A_877 = tpu.memref_slice %arg2[%dma_wait3A_874, %mul3A_2] : memref<50x4096xi32, #tpu.memory_space<hbm>> -> memref<1x128xi32, #tpu.memory_space<hbm>>
    %dma_wait3A_878 = tpu.memref_squeeze %dma_wait3A_877 : memref<1x128xi32, #tpu.memory_space<hbm>> -> memref<128xi32, #tpu.memory_space<hbm>>
    %dma_wait3A_879 = arith.constant 6016 : i32
    %dma_wait3A_880 = tpu.memref_slice %arg5[%dma_wait3A_879] : memref<6400xi32, #tpu.memory_space<vmem>> -> memref<128xi32, #tpu.memory_space<vmem>>
    %dma_wait3A_881 = tpu.memref_slice %arg2[%dma_wait3A_874, %mul3A_2] : memref<50x4096xi32, #tpu.memory_space<hbm>> -> memref<1x128xi32, #tpu.memory_space<hbm>>
    %dma_wait3A_882 = tpu.memref_squeeze %dma_wait3A_881 : memref<1x128xi32, #tpu.memory_space<hbm>> -> memref<128xi32, #tpu.memory_space<hbm>>
    tpu.wait_dma2 semaphore(%arg11 : memref<!tpu.dma_semaphore, #tpu.memory_space<semaphore_mem>>) src(%dma_wait3A_882 : memref<128xi32, #tpu.memory_space<hbm>>) dst(%dma_wait3A_880 : memref<128xi32, #tpu.memory_space<vmem>>)
    %dma_wait3A_883 = arith.constant 48 : i32
    %dma_wait3A_884 = arith.constant 6144 : i32
    %dma_wait3A_885 = tpu.memref_slice %arg5[%dma_wait3A_884] : memref<6400xi32, #tpu.memory_space<vmem>> -> memref<128xi32, #tpu.memory_space<vmem>>
    %dma_wait3A_886 = tpu.memref_slice %arg2[%dma_wait3A_883, %mul3A_2] : memref<50x4096xi32, #tpu.memory_space<hbm>> -> memref<1x128xi32, #tpu.memory_space<hbm>>
    %dma_wait3A_887 = tpu.memref_squeeze %dma_wait3A_886 : memref<1x128xi32, #tpu.memory_space<hbm>> -> memref<128xi32, #tpu.memory_space<hbm>>
    %dma_wait3A_888 = arith.constant 6144 : i32
    %dma_wait3A_889 = tpu.memref_slice %arg5[%dma_wait3A_888] : memref<6400xi32, #tpu.memory_space<vmem>> -> memref<128xi32, #tpu.memory_space<vmem>>
    %dma_wait3A_890 = tpu.memref_slice %arg2[%dma_wait3A_883, %mul3A_2] : memref<50x4096xi32, #tpu.memory_space<hbm>> -> memref<1x128xi32, #tpu.memory_space<hbm>>
    %dma_wait3A_891 = tpu.memref_squeeze %dma_wait3A_890 : memref<1x128xi32, #tpu.memory_space<hbm>> -> memref<128xi32, #tpu.memory_space<hbm>>
    tpu.wait_dma2 semaphore(%arg11 : memref<!tpu.dma_semaphore, #tpu.memory_space<semaphore_mem>>) src(%dma_wait3A_891 : memref<128xi32, #tpu.memory_space<hbm>>) dst(%dma_wait3A_889 : memref<128xi32, #tpu.memory_space<vmem>>)
    %dma_wait3A_892 = arith.constant 49 : i32
    %dma_wait3A_893 = arith.constant 6272 : i32
    %dma_wait3A_894 = tpu.memref_slice %arg5[%dma_wait3A_893] : memref<6400xi32, #tpu.memory_space<vmem>> -> memref<128xi32, #tpu.memory_space<vmem>>
    %dma_wait3A_895 = tpu.memref_slice %arg2[%dma_wait3A_892, %mul3A_2] : memref<50x4096xi32, #tpu.memory_space<hbm>> -> memref<1x128xi32, #tpu.memory_space<hbm>>
    %dma_wait3A_896 = tpu.memref_squeeze %dma_wait3A_895 : memref<1x128xi32, #tpu.memory_space<hbm>> -> memref<128xi32, #tpu.memory_space<hbm>>
    %dma_wait3A_897 = arith.constant 6272 : i32
    %dma_wait3A_898 = tpu.memref_slice %arg5[%dma_wait3A_897] : memref<6400xi32, #tpu.memory_space<vmem>> -> memref<128xi32, #tpu.memory_space<vmem>>
    %dma_wait3A_899 = tpu.memref_slice %arg2[%dma_wait3A_892, %mul3A_2] : memref<50x4096xi32, #tpu.memory_space<hbm>> -> memref<1x128xi32, #tpu.memory_space<hbm>>
    %dma_wait3A_900 = tpu.memref_squeeze %dma_wait3A_899 : memref<1x128xi32, #tpu.memory_space<hbm>> -> memref<128xi32, #tpu.memory_space<hbm>>
    tpu.wait_dma2 semaphore(%arg11 : memref<!tpu.dma_semaphore, #tpu.memory_space<semaphore_mem>>) src(%dma_wait3A_900 : memref<128xi32, #tpu.memory_space<hbm>>) dst(%dma_wait3A_898 : memref<128xi32, #tpu.memory_space<vmem>>)
    %scan3A = arith.constant 0 : i32
    %scan3A_901 = arith.constant 0 : i32
    %scan3A_902 = arith.constant 400 : i32
    %scan3A_903 = arith.addi %scan3A_901, %scan3A_902 : i32
    %scan3A_904 = arith.constant 1 : i32
    scf.for %scan3A_993 = %scan3A_901 to %scan3A_903 step %scan3A_904  : i32 {
      %mul3A_994 = arith.constant 16 : i32
      %mul3A_995 = arith.muli %scan3A_993, %mul3A_994 : i32
      %get3A = arith.index_cast %mul3A_995 : i32 to index
      %get3A_996 = tpu.vector_load %arg5[%get3A] {strides = array<i32>} : memref<6400xi32, #tpu.memory_space<vmem>>, vector<16xi32>,
      %get3A_997 = vector.shape_cast %get3A_996 : vector<16xi32> to vector<16xi32>
      %and3A = arith.constant 16383 : i32
      %and3A_998 = vector.broadcast %and3A : i32 to vector<16xi32>
      %and3A_999 = arith.andi %get3A_997, %and3A_998 : vector<16xi32>
      %sub3A = arith.subi %get3A_997, %and3A_999 : vector<16xi32>
      %and3A_1000 = arith.constant 4095 : i32
      %and3A_1001 = vector.broadcast %and3A_1000 : i32 to vector<16xi32>
      %and3A_1002 = arith.andi %and3A_999, %and3A_1001 : vector<16xi32>
      %shift_left3A = arith.constant 2 : i32
      %shift_left3A_1003 = vector.broadcast %shift_left3A : i32 to vector<16xi32>
      %shift_left3A_1004 = arith.shli %and3A_1002, %shift_left3A_1003 : vector<16xi32>
      %add3A_1005 = arith.addi %sub3A, %shift_left3A_1004 : vector<16xi32>
      %shift_right_arithmetic3A = arith.constant 12 : i32
      %shift_right_arithmetic3A_1006 = vector.broadcast %shift_right_arithmetic3A : i32 to vector<16xi32>
      %shift_right_arithmetic3A_1007 = arith.shrsi %and3A_999, %shift_right_arithmetic3A_1006 : vector<16xi32>
      %add3A_1008 = arith.addi %add3A_1005, %shift_right_arithmetic3A_1007 : vector<16xi32>
      %swap3A = arith.index_cast %mul3A_995 : i32 to index
      %swap3A_1009 = tpu.vector_load %arg5[%swap3A] {strides = array<i32>} : memref<6400xi32, #tpu.memory_space<vmem>>, vector<16xi32>,
      %swap3A_1010 = vector.shape_cast %swap3A_1009 : vector<16xi32> to vector<16xi32>
      %swap3A_1011 = vector.shape_cast %add3A_1008 : vector<16xi32> to vector<16xi32>
      tpu.vector_store %arg5[%swap3A], %swap3A_1011 {strides = array<i32>} : memref<6400xi32, #tpu.memory_space<vmem>>, vector<16xi32>,
    }
    %scan3A_905 = arith.constant 400 : i32
    %dma_start3A_906 = arith.constant 0 : i32
    %dma_start3A_907 = tpu.memref_slice %arg5[%dma_start3A_906] : memref<6400xi32, #tpu.memory_space<vmem>> -> memref<1280xi32, #tpu.memory_space<vmem>>
    %dma_start3A_908 = arith.constant 0 : i32
    %dma_start3A_909 = arith.constant 0 : i32
    %dma_start3A_910 = tpu.memref_slice %arg3[%dma_start3A_908, %dma_start3A_909] : memref<1015808x32xf32, #tpu.memory_space<hbm>> -> memref<1015808x32xf32, #tpu.memory_space<hbm>>
    tpu.enqueue_indirect_dma source(%dma_start3A_910 : memref<1015808x32xf32, #tpu.memory_space<hbm>>) target(%arg6 : memref<1280x32xf32, #tpu.memory_space<vmem>>) offsets(%dma_start3A_907 : memref<1280xi32, #tpu.memory_space<vmem>>) semaphore(%arg9 : memref<!tpu.dma_semaphore, #tpu.memory_space<semaphore_mem>>)
    %dma_start3A_911 = arith.constant 1280 : i32
    %dma_start3A_912 = tpu.memref_slice %arg5[%dma_start3A_911] : memref<6400xi32, #tpu.memory_space<vmem>> -> memref<1280xi32, #tpu.memory_space<vmem>>
    %dma_start3A_913 = arith.constant 0 : i32
    %dma_start3A_914 = arith.constant 0 : i32
    %dma_start3A_915 = tpu.memref_slice %arg3[%dma_start3A_913, %dma_start3A_914] : memref<1015808x32xf32, #tpu.memory_space<hbm>> -> memref<1015808x32xf32, #tpu.memory_space<hbm>>
    tpu.enqueue_indirect_dma source(%dma_start3A_915 : memref<1015808x32xf32, #tpu.memory_space<hbm>>) target(%arg7 : memref<1280x32xf32, #tpu.memory_space<vmem>>) offsets(%dma_start3A_912 : memref<1280xi32, #tpu.memory_space<vmem>>) semaphore(%arg10 : memref<!tpu.dma_semaphore, #tpu.memory_space<semaphore_mem>>)
    %dma_wait3A_916 = arith.constant 0 : i32
    %dma_wait3A_917 = tpu.memref_slice %arg5[%dma_wait3A_916] : memref<6400xi32, #tpu.memory_space<vmem>> -> memref<1280xi32, #tpu.memory_space<vmem>>
    %dma_wait3A_918 = arith.constant 0 : i32
    %dma_wait3A_919 = arith.constant 0 : i32
    %dma_wait3A_920 = tpu.memref_slice %arg3[%dma_wait3A_918, %dma_wait3A_919] : memref<1015808x32xf32, #tpu.memory_space<hbm>> -> memref<1015808x32xf32, #tpu.memory_space<hbm>>
    tpu.wait_indirect_dma semaphore(%arg9 : memref<!tpu.dma_semaphore, #tpu.memory_space<semaphore_mem>>) src(%dma_wait3A_920 : memref<1015808x32xf32, #tpu.memory_space<hbm>>) dst(%arg6 : memref<1280x32xf32, #tpu.memory_space<vmem>>)
    %scan3A_921 = arith.constant 0 : i32
    %scan3A_922 = arith.constant 0 : i32
    %scan3A_923 = arith.constant 128 : i32
    %scan3A_924 = arith.addi %scan3A_922, %scan3A_923 : i32
    %scan3A_925 = arith.constant 1 : i32
    scf.for %scan3A_993 = %scan3A_922 to %scan3A_924 step %scan3A_925  : i32 {
      %add3A_994 = arith.constant 0 : i32
      %add3A_995 = arith.addi %add3A_994, %scan3A_993 : i32
      %get3A = arith.index_cast %add3A_995 : i32 to index
      %get3A_996 = arith.constant 0 : index
      %get3A_997 = tpu.vector_load %arg6[%get3A, %get3A_996] {strides = array<i32>} : memref<1280x32xf32, #tpu.memory_space<vmem>>, vector<1x16xf32>,
      %get3A_998 = vector.shape_cast %get3A_997 : vector<1x16xf32> to vector<16xf32>
      %add3A_999 = arith.constant 128 : i32
      %add3A_1000 = arith.addi %add3A_999, %scan3A_993 : i32
      %get3A_1001 = arith.index_cast %add3A_1000 : i32 to index
      %get3A_1002 = arith.constant 0 : index
      %get3A_1003 = tpu.vector_load %arg6[%get3A_1001, %get3A_1002] {strides = array<i32>} : memref<1280x32xf32, #tpu.memory_space<vmem>>, vector<1x16xf32>,
      %get3A_1004 = vector.shape_cast %get3A_1003 : vector<1x16xf32> to vector<16xf32>
      %add3A_1005 = arith.constant 256 : i32
      %add3A_1006 = arith.addi %add3A_1005, %scan3A_993 : i32
      %get3A_1007 = arith.index_cast %add3A_1006 : i32 to index
      %get3A_1008 = arith.constant 0 : index
      %get3A_1009 = tpu.vector_load %arg6[%get3A_1007, %get3A_1008] {strides = array<i32>} : memref<1280x32xf32, #tpu.memory_space<vmem>>, vector<1x16xf32>,
      %get3A_1010 = vector.shape_cast %get3A_1009 : vector<1x16xf32> to vector<16xf32>
      %add3A_1011 = arith.constant 384 : i32
      %add3A_1012 = arith.addi %add3A_1011, %scan3A_993 : i32
      %get3A_1013 = arith.index_cast %add3A_1012 : i32 to index
      %get3A_1014 = arith.constant 0 : index
      %get3A_1015 = tpu.vector_load %arg6[%get3A_1013, %get3A_1014] {strides = array<i32>} : memref<1280x32xf32, #tpu.memory_space<vmem>>, vector<1x16xf32>,
      %get3A_1016 = vector.shape_cast %get3A_1015 : vector<1x16xf32> to vector<16xf32>
      %add3A_1017 = arith.constant 512 : i32
      %add3A_1018 = arith.addi %add3A_1017, %scan3A_993 : i32
      %get3A_1019 = arith.index_cast %add3A_1018 : i32 to index
      %get3A_1020 = arith.constant 0 : index
      %get3A_1021 = tpu.vector_load %arg6[%get3A_1019, %get3A_1020] {strides = array<i32>} : memref<1280x32xf32, #tpu.memory_space<vmem>>, vector<1x16xf32>,
      %get3A_1022 = vector.shape_cast %get3A_1021 : vector<1x16xf32> to vector<16xf32>
      %add3A_1023 = arith.constant 640 : i32
      %add3A_1024 = arith.addi %add3A_1023, %scan3A_993 : i32
      %get3A_1025 = arith.index_cast %add3A_1024 : i32 to index
      %get3A_1026 = arith.constant 0 : index
      %get3A_1027 = tpu.vector_load %arg6[%get3A_1025, %get3A_1026] {strides = array<i32>} : memref<1280x32xf32, #tpu.memory_space<vmem>>, vector<1x16xf32>,
      %get3A_1028 = vector.shape_cast %get3A_1027 : vector<1x16xf32> to vector<16xf32>
      %add3A_1029 = arith.constant 768 : i32
      %add3A_1030 = arith.addi %add3A_1029, %scan3A_993 : i32
      %get3A_1031 = arith.index_cast %add3A_1030 : i32 to index
      %get3A_1032 = arith.constant 0 : index
      %get3A_1033 = tpu.vector_load %arg6[%get3A_1031, %get3A_1032] {strides = array<i32>} : memref<1280x32xf32, #tpu.memory_space<vmem>>, vector<1x16xf32>,
      %get3A_1034 = vector.shape_cast %get3A_1033 : vector<1x16xf32> to vector<16xf32>
      %add3A_1035 = arith.constant 896 : i32
      %add3A_1036 = arith.addi %add3A_1035, %scan3A_993 : i32
      %get3A_1037 = arith.index_cast %add3A_1036 : i32 to index
      %get3A_1038 = arith.constant 0 : index
      %get3A_1039 = tpu.vector_load %arg6[%get3A_1037, %get3A_1038] {strides = array<i32>} : memref<1280x32xf32, #tpu.memory_space<vmem>>, vector<1x16xf32>,
      %get3A_1040 = vector.shape_cast %get3A_1039 : vector<1x16xf32> to vector<16xf32>
      %add3A_1041 = arith.constant 1024 : i32
      %add3A_1042 = arith.addi %add3A_1041, %scan3A_993 : i32
      %get3A_1043 = arith.index_cast %add3A_1042 : i32 to index
      %get3A_1044 = arith.constant 0 : index
      %get3A_1045 = tpu.vector_load %arg6[%get3A_1043, %get3A_1044] {strides = array<i32>} : memref<1280x32xf32, #tpu.memory_space<vmem>>, vector<1x16xf32>,
      %get3A_1046 = vector.shape_cast %get3A_1045 : vector<1x16xf32> to vector<16xf32>
      %add3A_1047 = arith.constant 1152 : i32
      %add3A_1048 = arith.addi %add3A_1047, %scan3A_993 : i32
      %get3A_1049 = arith.index_cast %add3A_1048 : i32 to index
      %get3A_1050 = arith.constant 0 : index
      %get3A_1051 = tpu.vector_load %arg6[%get3A_1049, %get3A_1050] {strides = array<i32>} : memref<1280x32xf32, #tpu.memory_space<vmem>>, vector<1x16xf32>,
      %get3A_1052 = vector.shape_cast %get3A_1051 : vector<1x16xf32> to vector<16xf32>
      %add3A_1053 = arith.addf %get3A_998, %get3A_1004 : vector<16xf32>
      %add3A_1054 = arith.addf %get3A_1010, %get3A_1016 : vector<16xf32>
      %add3A_1055 = arith.addf %add3A_1053, %add3A_1054 : vector<16xf32>
      %add3A_1056 = arith.addf %get3A_1022, %get3A_1028 : vector<16xf32>
      %add3A_1057 = arith.addf %get3A_1034, %get3A_1040 : vector<16xf32>
      %add3A_1058 = arith.addf %add3A_1056, %add3A_1057 : vector<16xf32>
      %add3A_1059 = arith.addf %add3A_1055, %add3A_1058 : vector<16xf32>
      %add3A_1060 = arith.addf %get3A_1046, %get3A_1052 : vector<16xf32>
      %add3A_1061 = arith.addf %add3A_1059, %add3A_1060 : vector<16xf32>
      %swap3A = arith.index_cast %scan3A_993 : i32 to index
      %swap3A_1062 = arith.constant 0 : index
      %swap3A_1063 = tpu.vector_load %arg8[%swap3A, %swap3A_1062] {strides = array<i32>} : memref<128x32xf32, #tpu.memory_space<vmem>>, vector<1x16xf32>,
      %swap3A_1064 = vector.shape_cast %swap3A_1063 : vector<1x16xf32> to vector<16xf32>
      %swap3A_1065 = vector.shape_cast %add3A_1061 : vector<16xf32> to vector<1x16xf32>
      tpu.vector_store %arg8[%swap3A, %swap3A_1062], %swap3A_1065 {strides = array<i32>} : memref<128x32xf32, #tpu.memory_space<vmem>>, vector<1x16xf32>,
      %add3A_1066 = arith.constant 0 : i32
      %add3A_1067 = arith.addi %add3A_1066, %scan3A_993 : i32
      %get3A_1068 = arith.index_cast %add3A_1067 : i32 to index
      %get3A_1069 = arith.constant 16 : index
      %get3A_1070 = tpu.vector_load %arg6[%get3A_1068, %get3A_1069] {strides = array<i32>} : memref<1280x32xf32, #tpu.memory_space<vmem>>, vector<1x16xf32>,
      %get3A_1071 = vector.shape_cast %get3A_1070 : vector<1x16xf32> to vector<16xf32>
      %add3A_1072 = arith.constant 128 : i32
      %add3A_1073 = arith.addi %add3A_1072, %scan3A_993 : i32
      %get3A_1074 = arith.index_cast %add3A_1073 : i32 to index
      %get3A_1075 = arith.constant 16 : index
      %get3A_1076 = tpu.vector_load %arg6[%get3A_1074, %get3A_1075] {strides = array<i32>} : memref<1280x32xf32, #tpu.memory_space<vmem>>, vector<1x16xf32>,
      %get3A_1077 = vector.shape_cast %get3A_1076 : vector<1x16xf32> to vector<16xf32>
      %add3A_1078 = arith.constant 256 : i32
      %add3A_1079 = arith.addi %add3A_1078, %scan3A_993 : i32
      %get3A_1080 = arith.index_cast %add3A_1079 : i32 to index
      %get3A_1081 = arith.constant 16 : index
      %get3A_1082 = tpu.vector_load %arg6[%get3A_1080, %get3A_1081] {strides = array<i32>} : memref<1280x32xf32, #tpu.memory_space<vmem>>, vector<1x16xf32>,
      %get3A_1083 = vector.shape_cast %get3A_1082 : vector<1x16xf32> to vector<16xf32>
      %add3A_1084 = arith.constant 384 : i32
      %add3A_1085 = arith.addi %add3A_1084, %scan3A_993 : i32
      %get3A_1086 = arith.index_cast %add3A_1085 : i32 to index
      %get3A_1087 = arith.constant 16 : index
      %get3A_1088 = tpu.vector_load %arg6[%get3A_1086, %get3A_1087] {strides = array<i32>} : memref<1280x32xf32, #tpu.memory_space<vmem>>, vector<1x16xf32>,
      %get3A_1089 = vector.shape_cast %get3A_1088 : vector<1x16xf32> to vector<16xf32>
      %add3A_1090 = arith.constant 512 : i32
      %add3A_1091 = arith.addi %add3A_1090, %scan3A_993 : i32
      %get3A_1092 = arith.index_cast %add3A_1091 : i32 to index
      %get3A_1093 = arith.constant 16 : index
      %get3A_1094 = tpu.vector_load %arg6[%get3A_1092, %get3A_1093] {strides = array<i32>} : memref<1280x32xf32, #tpu.memory_space<vmem>>, vector<1x16xf32>,
      %get3A_1095 = vector.shape_cast %get3A_1094 : vector<1x16xf32> to vector<16xf32>
      %add3A_1096 = arith.constant 640 : i32
      %add3A_1097 = arith.addi %add3A_1096, %scan3A_993 : i32
      %get3A_1098 = arith.index_cast %add3A_1097 : i32 to index
      %get3A_1099 = arith.constant 16 : index
      %get3A_1100 = tpu.vector_load %arg6[%get3A_1098, %get3A_1099] {strides = array<i32>} : memref<1280x32xf32, #tpu.memory_space<vmem>>, vector<1x16xf32>,
      %get3A_1101 = vector.shape_cast %get3A_1100 : vector<1x16xf32> to vector<16xf32>
      %add3A_1102 = arith.constant 768 : i32
      %add3A_1103 = arith.addi %add3A_1102, %scan3A_993 : i32
      %get3A_1104 = arith.index_cast %add3A_1103 : i32 to index
      %get3A_1105 = arith.constant 16 : index
      %get3A_1106 = tpu.vector_load %arg6[%get3A_1104, %get3A_1105] {strides = array<i32>} : memref<1280x32xf32, #tpu.memory_space<vmem>>, vector<1x16xf32>,
      %get3A_1107 = vector.shape_cast %get3A_1106 : vector<1x16xf32> to vector<16xf32>
      %add3A_1108 = arith.constant 896 : i32
      %add3A_1109 = arith.addi %add3A_1108, %scan3A_993 : i32
      %get3A_1110 = arith.index_cast %add3A_1109 : i32 to index
      %get3A_1111 = arith.constant 16 : index
      %get3A_1112 = tpu.vector_load %arg6[%get3A_1110, %get3A_1111] {strides = array<i32>} : memref<1280x32xf32, #tpu.memory_space<vmem>>, vector<1x16xf32>,
      %get3A_1113 = vector.shape_cast %get3A_1112 : vector<1x16xf32> to vector<16xf32>
      %add3A_1114 = arith.constant 1024 : i32
      %add3A_1115 = arith.addi %add3A_1114, %scan3A_993 : i32
      %get3A_1116 = arith.index_cast %add3A_1115 : i32 to index
      %get3A_1117 = arith.constant 16 : index
      %get3A_1118 = tpu.vector_load %arg6[%get3A_1116, %get3A_1117] {strides = array<i32>} : memref<1280x32xf32, #tpu.memory_space<vmem>>, vector<1x16xf32>,
      %get3A_1119 = vector.shape_cast %get3A_1118 : vector<1x16xf32> to vector<16xf32>
      %add3A_1120 = arith.constant 1152 : i32
      %add3A_1121 = arith.addi %add3A_1120, %scan3A_993 : i32
      %get3A_1122 = arith.index_cast %add3A_1121 : i32 to index
      %get3A_1123 = arith.constant 16 : index
      %get3A_1124 = tpu.vector_load %arg6[%get3A_1122, %get3A_1123] {strides = array<i32>} : memref<1280x32xf32, #tpu.memory_space<vmem>>, vector<1x16xf32>,
      %get3A_1125 = vector.shape_cast %get3A_1124 : vector<1x16xf32> to vector<16xf32>
      %add3A_1126 = arith.addf %get3A_1071, %get3A_1077 : vector<16xf32>
      %add3A_1127 = arith.addf %get3A_1083, %get3A_1089 : vector<16xf32>
      %add3A_1128 = arith.addf %add3A_1126, %add3A_1127 : vector<16xf32>
      %add3A_1129 = arith.addf %get3A_1095, %get3A_1101 : vector<16xf32>
      %add3A_1130 = arith.addf %get3A_1107, %get3A_1113 : vector<16xf32>
      %add3A_1131 = arith.addf %add3A_1129, %add3A_1130 : vector<16xf32>
      %add3A_1132 = arith.addf %add3A_1128, %add3A_1131 : vector<16xf32>
      %add3A_1133 = arith.addf %get3A_1119, %get3A_1125 : vector<16xf32>
      %add3A_1134 = arith.addf %add3A_1132, %add3A_1133 : vector<16xf32>
      %swap3A_1135 = arith.index_cast %scan3A_993 : i32 to index
      %swap3A_1136 = arith.constant 16 : index
      %swap3A_1137 = tpu.vector_load %arg8[%swap3A_1135, %swap3A_1136] {strides = array<i32>} : memref<128x32xf32, #tpu.memory_space<vmem>>, vector<1x16xf32>,
      %swap3A_1138 = vector.shape_cast %swap3A_1137 : vector<1x16xf32> to vector<16xf32>
      %swap3A_1139 = vector.shape_cast %add3A_1134 : vector<16xf32> to vector<1x16xf32>
      tpu.vector_store %arg8[%swap3A_1135, %swap3A_1136], %swap3A_1139 {strides = array<i32>} : memref<128x32xf32, #tpu.memory_space<vmem>>, vector<1x16xf32>,
    }
    %scan3A_926 = arith.constant 128 : i32
    %dma_start3A_927 = arith.constant 2560 : i32
    %dma_start3A_928 = tpu.memref_slice %arg5[%dma_start3A_927] : memref<6400xi32, #tpu.memory_space<vmem>> -> memref<1280xi32, #tpu.memory_space<vmem>>
    %dma_start3A_929 = arith.constant 0 : i32
    %dma_start3A_930 = arith.constant 0 : i32
    %dma_start3A_931 = tpu.memref_slice %arg3[%dma_start3A_929, %dma_start3A_930] : memref<1015808x32xf32, #tpu.memory_space<hbm>> -> memref<1015808x32xf32, #tpu.memory_space<hbm>>
    tpu.enqueue_indirect_dma source(%dma_start3A_931 : memref<1015808x32xf32, #tpu.memory_space<hbm>>) target(%arg6 : memref<1280x32xf32, #tpu.memory_space<vmem>>) offsets(%dma_start3A_928 : memref<1280xi32, #tpu.memory_space<vmem>>) semaphore(%arg9 : memref<!tpu.dma_semaphore, #tpu.memory_space<semaphore_mem>>)
    %dma_wait3A_932 = arith.constant 1280 : i32
    %dma_wait3A_933 = tpu.memref_slice %arg5[%dma_wait3A_932] : memref<6400xi32, #tpu.memory_space<vmem>> -> memref<1280xi32, #tpu.memory_space<vmem>>
    %dma_wait3A_934 = arith.constant 0 : i32
    %dma_wait3A_935 = arith.constant 0 : i32
    %dma_wait3A_936 = tpu.memref_slice %arg3[%dma_wait3A_934, %dma_wait3A_935] : memref<1015808x32xf32, #tpu.memory_space<hbm>> -> memref<1015808x32xf32, #tpu.memory_space<hbm>>
    tpu.wait_indirect_dma semaphore(%arg10 : memref<!tpu.dma_semaphore, #tpu.memory_space<semaphore_mem>>) src(%dma_wait3A_936 : memref<1015808x32xf32, #tpu.memory_space<hbm>>) dst(%arg7 : memref<1280x32xf32, #tpu.memory_space<vmem>>)
    %scan3A_937 = arith.constant 0 : i32
    %scan3A_938 = arith.constant 0 : i32
    %scan3A_939 = arith.constant 128 : i32
    %scan3A_940 = arith.addi %scan3A_938, %scan3A_939 : i32
    %scan3A_941 = arith.constant 1 : i32
    scf.for %scan3A_993 = %scan3A_938 to %scan3A_940 step %scan3A_941  : i32 {
      %add3A_994 = arith.constant 0 : i32
      %add3A_995 = arith.addi %add3A_994, %scan3A_993 : i32
      %get3A = arith.index_cast %add3A_995 : i32 to index
      %get3A_996 = arith.constant 0 : index
      %get3A_997 = tpu.vector_load %arg7[%get3A, %get3A_996] {strides = array<i32>} : memref<1280x32xf32, #tpu.memory_space<vmem>>, vector<1x16xf32>,
      %get3A_998 = vector.shape_cast %get3A_997 : vector<1x16xf32> to vector<16xf32>
      %add3A_999 = arith.constant 128 : i32
      %add3A_1000 = arith.addi %add3A_999, %scan3A_993 : i32
      %get3A_1001 = arith.index_cast %add3A_1000 : i32 to index
      %get3A_1002 = arith.constant 0 : index
      %get3A_1003 = tpu.vector_load %arg7[%get3A_1001, %get3A_1002] {strides = array<i32>} : memref<1280x32xf32, #tpu.memory_space<vmem>>, vector<1x16xf32>,
      %get3A_1004 = vector.shape_cast %get3A_1003 : vector<1x16xf32> to vector<16xf32>
      %add3A_1005 = arith.constant 256 : i32
      %add3A_1006 = arith.addi %add3A_1005, %scan3A_993 : i32
      %get3A_1007 = arith.index_cast %add3A_1006 : i32 to index
      %get3A_1008 = arith.constant 0 : index
      %get3A_1009 = tpu.vector_load %arg7[%get3A_1007, %get3A_1008] {strides = array<i32>} : memref<1280x32xf32, #tpu.memory_space<vmem>>, vector<1x16xf32>,
      %get3A_1010 = vector.shape_cast %get3A_1009 : vector<1x16xf32> to vector<16xf32>
      %add3A_1011 = arith.constant 384 : i32
      %add3A_1012 = arith.addi %add3A_1011, %scan3A_993 : i32
      %get3A_1013 = arith.index_cast %add3A_1012 : i32 to index
      %get3A_1014 = arith.constant 0 : index
      %get3A_1015 = tpu.vector_load %arg7[%get3A_1013, %get3A_1014] {strides = array<i32>} : memref<1280x32xf32, #tpu.memory_space<vmem>>, vector<1x16xf32>,
      %get3A_1016 = vector.shape_cast %get3A_1015 : vector<1x16xf32> to vector<16xf32>
      %add3A_1017 = arith.constant 512 : i32
      %add3A_1018 = arith.addi %add3A_1017, %scan3A_993 : i32
      %get3A_1019 = arith.index_cast %add3A_1018 : i32 to index
      %get3A_1020 = arith.constant 0 : index
      %get3A_1021 = tpu.vector_load %arg7[%get3A_1019, %get3A_1020] {strides = array<i32>} : memref<1280x32xf32, #tpu.memory_space<vmem>>, vector<1x16xf32>,
      %get3A_1022 = vector.shape_cast %get3A_1021 : vector<1x16xf32> to vector<16xf32>
      %add3A_1023 = arith.constant 640 : i32
      %add3A_1024 = arith.addi %add3A_1023, %scan3A_993 : i32
      %get3A_1025 = arith.index_cast %add3A_1024 : i32 to index
      %get3A_1026 = arith.constant 0 : index
      %get3A_1027 = tpu.vector_load %arg7[%get3A_1025, %get3A_1026] {strides = array<i32>} : memref<1280x32xf32, #tpu.memory_space<vmem>>, vector<1x16xf32>,
      %get3A_1028 = vector.shape_cast %get3A_1027 : vector<1x16xf32> to vector<16xf32>
      %add3A_1029 = arith.constant 768 : i32
      %add3A_1030 = arith.addi %add3A_1029, %scan3A_993 : i32
      %get3A_1031 = arith.index_cast %add3A_1030 : i32 to index
      %get3A_1032 = arith.constant 0 : index
      %get3A_1033 = tpu.vector_load %arg7[%get3A_1031, %get3A_1032] {strides = array<i32>} : memref<1280x32xf32, #tpu.memory_space<vmem>>, vector<1x16xf32>,
      %get3A_1034 = vector.shape_cast %get3A_1033 : vector<1x16xf32> to vector<16xf32>
      %add3A_1035 = arith.constant 896 : i32
      %add3A_1036 = arith.addi %add3A_1035, %scan3A_993 : i32
      %get3A_1037 = arith.index_cast %add3A_1036 : i32 to index
      %get3A_1038 = arith.constant 0 : index
      %get3A_1039 = tpu.vector_load %arg7[%get3A_1037, %get3A_1038] {strides = array<i32>} : memref<1280x32xf32, #tpu.memory_space<vmem>>, vector<1x16xf32>,
      %get3A_1040 = vector.shape_cast %get3A_1039 : vector<1x16xf32> to vector<16xf32>
      %add3A_1041 = arith.constant 1024 : i32
      %add3A_1042 = arith.addi %add3A_1041, %scan3A_993 : i32
      %get3A_1043 = arith.index_cast %add3A_1042 : i32 to index
      %get3A_1044 = arith.constant 0 : index
      %get3A_1045 = tpu.vector_load %arg7[%get3A_1043, %get3A_1044] {strides = array<i32>} : memref<1280x32xf32, #tpu.memory_space<vmem>>, vector<1x16xf32>,
      %get3A_1046 = vector.shape_cast %get3A_1045 : vector<1x16xf32> to vector<16xf32>
      %add3A_1047 = arith.constant 1152 : i32
      %add3A_1048 = arith.addi %add3A_1047, %scan3A_993 : i32
      %get3A_1049 = arith.index_cast %add3A_1048 : i32 to index
      %get3A_1050 = arith.constant 0 : index
      %get3A_1051 = tpu.vector_load %arg7[%get3A_1049, %get3A_1050] {strides = array<i32>} : memref<1280x32xf32, #tpu.memory_space<vmem>>, vector<1x16xf32>,
      %get3A_1052 = vector.shape_cast %get3A_1051 : vector<1x16xf32> to vector<16xf32>
      %add3A_1053 = arith.addf %get3A_998, %get3A_1004 : vector<16xf32>
      %add3A_1054 = arith.addf %get3A_1010, %get3A_1016 : vector<16xf32>
      %add3A_1055 = arith.addf %add3A_1053, %add3A_1054 : vector<16xf32>
      %add3A_1056 = arith.addf %get3A_1022, %get3A_1028 : vector<16xf32>
      %add3A_1057 = arith.addf %get3A_1034, %get3A_1040 : vector<16xf32>
      %add3A_1058 = arith.addf %add3A_1056, %add3A_1057 : vector<16xf32>
      %add3A_1059 = arith.addf %add3A_1055, %add3A_1058 : vector<16xf32>
      %add3A_1060 = arith.addf %get3A_1046, %get3A_1052 : vector<16xf32>
      %add3A_1061 = arith.addf %add3A_1059, %add3A_1060 : vector<16xf32>
      %get3A_1062 = arith.index_cast %scan3A_993 : i32 to index
      %get3A_1063 = arith.constant 0 : index
      %get3A_1064 = tpu.vector_load %arg8[%get3A_1062, %get3A_1063] {strides = array<i32>} : memref<128x32xf32, #tpu.memory_space<vmem>>, vector<1x16xf32>,
      %get3A_1065 = vector.shape_cast %get3A_1064 : vector<1x16xf32> to vector<16xf32>
      %add3A_1066 = arith.addf %get3A_1065, %add3A_1061 : vector<16xf32>
      %swap3A = arith.index_cast %scan3A_993 : i32 to index
      %swap3A_1067 = arith.constant 0 : index
      %swap3A_1068 = tpu.vector_load %arg8[%swap3A, %swap3A_1067] {strides = array<i32>} : memref<128x32xf32, #tpu.memory_space<vmem>>, vector<1x16xf32>,
      %swap3A_1069 = vector.shape_cast %swap3A_1068 : vector<1x16xf32> to vector<16xf32>
      %swap3A_1070 = vector.shape_cast %add3A_1066 : vector<16xf32> to vector<1x16xf32>
      tpu.vector_store %arg8[%swap3A, %swap3A_1067], %swap3A_1070 {strides = array<i32>} : memref<128x32xf32, #tpu.memory_space<vmem>>, vector<1x16xf32>,
      %add3A_1071 = arith.constant 0 : i32
      %add3A_1072 = arith.addi %add3A_1071, %scan3A_993 : i32
      %get3A_1073 = arith.index_cast %add3A_1072 : i32 to index
      %get3A_1074 = arith.constant 16 : index
      %get3A_1075 = tpu.vector_load %arg7[%get3A_1073, %get3A_1074] {strides = array<i32>} : memref<1280x32xf32, #tpu.memory_space<vmem>>, vector<1x16xf32>,
      %get3A_1076 = vector.shape_cast %get3A_1075 : vector<1x16xf32> to vector<16xf32>
      %add3A_1077 = arith.constant 128 : i32
      %add3A_1078 = arith.addi %add3A_1077, %scan3A_993 : i32
      %get3A_1079 = arith.index_cast %add3A_1078 : i32 to index
      %get3A_1080 = arith.constant 16 : index
      %get3A_1081 = tpu.vector_load %arg7[%get3A_1079, %get3A_1080] {strides = array<i32>} : memref<1280x32xf32, #tpu.memory_space<vmem>>, vector<1x16xf32>,
      %get3A_1082 = vector.shape_cast %get3A_1081 : vector<1x16xf32> to vector<16xf32>
      %add3A_1083 = arith.constant 256 : i32
      %add3A_1084 = arith.addi %add3A_1083, %scan3A_993 : i32
      %get3A_1085 = arith.index_cast %add3A_1084 : i32 to index
      %get3A_1086 = arith.constant 16 : index
      %get3A_1087 = tpu.vector_load %arg7[%get3A_1085, %get3A_1086] {strides = array<i32>} : memref<1280x32xf32, #tpu.memory_space<vmem>>, vector<1x16xf32>,
      %get3A_1088 = vector.shape_cast %get3A_1087 : vector<1x16xf32> to vector<16xf32>
      %add3A_1089 = arith.constant 384 : i32
      %add3A_1090 = arith.addi %add3A_1089, %scan3A_993 : i32
      %get3A_1091 = arith.index_cast %add3A_1090 : i32 to index
      %get3A_1092 = arith.constant 16 : index
      %get3A_1093 = tpu.vector_load %arg7[%get3A_1091, %get3A_1092] {strides = array<i32>} : memref<1280x32xf32, #tpu.memory_space<vmem>>, vector<1x16xf32>,
      %get3A_1094 = vector.shape_cast %get3A_1093 : vector<1x16xf32> to vector<16xf32>
      %add3A_1095 = arith.constant 512 : i32
      %add3A_1096 = arith.addi %add3A_1095, %scan3A_993 : i32
      %get3A_1097 = arith.index_cast %add3A_1096 : i32 to index
      %get3A_1098 = arith.constant 16 : index
      %get3A_1099 = tpu.vector_load %arg7[%get3A_1097, %get3A_1098] {strides = array<i32>} : memref<1280x32xf32, #tpu.memory_space<vmem>>, vector<1x16xf32>,
      %get3A_1100 = vector.shape_cast %get3A_1099 : vector<1x16xf32> to vector<16xf32>
      %add3A_1101 = arith.constant 640 : i32
      %add3A_1102 = arith.addi %add3A_1101, %scan3A_993 : i32
      %get3A_1103 = arith.index_cast %add3A_1102 : i32 to index
      %get3A_1104 = arith.constant 16 : index
      %get3A_1105 = tpu.vector_load %arg7[%get3A_1103, %get3A_1104] {strides = array<i32>} : memref<1280x32xf32, #tpu.memory_space<vmem>>, vector<1x16xf32>,
      %get3A_1106 = vector.shape_cast %get3A_1105 : vector<1x16xf32> to vector<16xf32>
      %add3A_1107 = arith.constant 768 : i32
      %add3A_1108 = arith.addi %add3A_1107, %scan3A_993 : i32
      %get3A_1109 = arith.index_cast %add3A_1108 : i32 to index
      %get3A_1110 = arith.constant 16 : index
      %get3A_1111 = tpu.vector_load %arg7[%get3A_1109, %get3A_1110] {strides = array<i32>} : memref<1280x32xf32, #tpu.memory_space<vmem>>, vector<1x16xf32>,
      %get3A_1112 = vector.shape_cast %get3A_1111 : vector<1x16xf32> to vector<16xf32>
      %add3A_1113 = arith.constant 896 : i32
      %add3A_1114 = arith.addi %add3A_1113, %scan3A_993 : i32
      %get3A_1115 = arith.index_cast %add3A_1114 : i32 to index
      %get3A_1116 = arith.constant 16 : index
      %get3A_1117 = tpu.vector_load %arg7[%get3A_1115, %get3A_1116] {strides = array<i32>} : memref<1280x32xf32, #tpu.memory_space<vmem>>, vector<1x16xf32>,
      %get3A_1118 = vector.shape_cast %get3A_1117 : vector<1x16xf32> to vector<16xf32>
      %add3A_1119 = arith.constant 1024 : i32
      %add3A_1120 = arith.addi %add3A_1119, %scan3A_993 : i32
      %get3A_1121 = arith.index_cast %add3A_1120 : i32 to index
      %get3A_1122 = arith.constant 16 : index
      %get3A_1123 = tpu.vector_load %arg7[%get3A_1121, %get3A_1122] {strides = array<i32>} : memref<1280x32xf32, #tpu.memory_space<vmem>>, vector<1x16xf32>,
      %get3A_1124 = vector.shape_cast %get3A_1123 : vector<1x16xf32> to vector<16xf32>
      %add3A_1125 = arith.constant 1152 : i32
      %add3A_1126 = arith.addi %add3A_1125, %scan3A_993 : i32
      %get3A_1127 = arith.index_cast %add3A_1126 : i32 to index
      %get3A_1128 = arith.constant 16 : index
      %get3A_1129 = tpu.vector_load %arg7[%get3A_1127, %get3A_1128] {strides = array<i32>} : memref<1280x32xf32, #tpu.memory_space<vmem>>, vector<1x16xf32>,
      %get3A_1130 = vector.shape_cast %get3A_1129 : vector<1x16xf32> to vector<16xf32>
      %add3A_1131 = arith.addf %get3A_1076, %get3A_1082 : vector<16xf32>
      %add3A_1132 = arith.addf %get3A_1088, %get3A_1094 : vector<16xf32>
      %add3A_1133 = arith.addf %add3A_1131, %add3A_1132 : vector<16xf32>
      %add3A_1134 = arith.addf %get3A_1100, %get3A_1106 : vector<16xf32>
      %add3A_1135 = arith.addf %get3A_1112, %get3A_1118 : vector<16xf32>
      %add3A_1136 = arith.addf %add3A_1134, %add3A_1135 : vector<16xf32>
      %add3A_1137 = arith.addf %add3A_1133, %add3A_1136 : vector<16xf32>
      %add3A_1138 = arith.addf %get3A_1124, %get3A_1130 : vector<16xf32>
      %add3A_1139 = arith.addf %add3A_1137, %add3A_1138 : vector<16xf32>
      %get3A_1140 = arith.index_cast %scan3A_993 : i32 to index
      %get3A_1141 = arith.constant 16 : index
      %get3A_1142 = tpu.vector_load %arg8[%get3A_1140, %get3A_1141] {strides = array<i32>} : memref<128x32xf32, #tpu.memory_space<vmem>>, vector<1x16xf32>,
      %get3A_1143 = vector.shape_cast %get3A_1142 : vector<1x16xf32> to vector<16xf32>
      %add3A_1144 = arith.addf %get3A_1143, %add3A_1139 : vector<16xf32>
      %swap3A_1145 = arith.index_cast %scan3A_993 : i32 to index
      %swap3A_1146 = arith.constant 16 : index
      %swap3A_1147 = tpu.vector_load %arg8[%swap3A_1145, %swap3A_1146] {strides = array<i32>} : memref<128x32xf32, #tpu.memory_space<vmem>>, vector<1x16xf32>,
      %swap3A_1148 = vector.shape_cast %swap3A_1147 : vector<1x16xf32> to vector<16xf32>
      %swap3A_1149 = vector.shape_cast %add3A_1144 : vector<16xf32> to vector<1x16xf32>
      tpu.vector_store %arg8[%swap3A_1145, %swap3A_1146], %swap3A_1149 {strides = array<i32>} : memref<128x32xf32, #tpu.memory_space<vmem>>, vector<1x16xf32>,
    }
    %scan3A_942 = arith.constant 128 : i32
    %dma_start3A_943 = arith.constant 3840 : i32
    %dma_start3A_944 = tpu.memref_slice %arg5[%dma_start3A_943] : memref<6400xi32, #tpu.memory_space<vmem>> -> memref<1280xi32, #tpu.memory_space<vmem>>
    %dma_start3A_945 = arith.constant 0 : i32
    %dma_start3A_946 = arith.constant 0 : i32
    %dma_start3A_947 = tpu.memref_slice %arg3[%dma_start3A_945, %dma_start3A_946] : memref<1015808x32xf32, #tpu.memory_space<hbm>> -> memref<1015808x32xf32, #tpu.memory_space<hbm>>
    tpu.enqueue_indirect_dma source(%dma_start3A_947 : memref<1015808x32xf32, #tpu.memory_space<hbm>>) target(%arg7 : memref<1280x32xf32, #tpu.memory_space<vmem>>) offsets(%dma_start3A_944 : memref<1280xi32, #tpu.memory_space<vmem>>) semaphore(%arg10 : memref<!tpu.dma_semaphore, #tpu.memory_space<semaphore_mem>>)
    %dma_wait3A_948 = arith.constant 2560 : i32
    %dma_wait3A_949 = tpu.memref_slice %arg5[%dma_wait3A_948] : memref<6400xi32, #tpu.memory_space<vmem>> -> memref<1280xi32, #tpu.memory_space<vmem>>
    %dma_wait3A_950 = arith.constant 0 : i32
    %dma_wait3A_951 = arith.constant 0 : i32
    %dma_wait3A_952 = tpu.memref_slice %arg3[%dma_wait3A_950, %dma_wait3A_951] : memref<1015808x32xf32, #tpu.memory_space<hbm>> -> memref<1015808x32xf32, #tpu.memory_space<hbm>>
    tpu.wait_indirect_dma semaphore(%arg9 : memref<!tpu.dma_semaphore, #tpu.memory_space<semaphore_mem>>) src(%dma_wait3A_952 : memref<1015808x32xf32, #tpu.memory_space<hbm>>) dst(%arg6 : memref<1280x32xf32, #tpu.memory_space<vmem>>)
    %scan3A_953 = arith.constant 0 : i32
    %scan3A_954 = arith.constant 0 : i32
    %scan3A_955 = arith.constant 128 : i32
    %scan3A_956 = arith.addi %scan3A_954, %scan3A_955 : i32
    %scan3A_957 = arith.constant 1 : i32
    scf.for %scan3A_993 = %scan3A_954 to %scan3A_956 step %scan3A_957  : i32 {
      %add3A_994 = arith.constant 0 : i32
      %add3A_995 = arith.addi %add3A_994, %scan3A_993 : i32
      %get3A = arith.index_cast %add3A_995 : i32 to index
      %get3A_996 = arith.constant 0 : index
      %get3A_997 = tpu.vector_load %arg6[%get3A, %get3A_996] {strides = array<i32>} : memref<1280x32xf32, #tpu.memory_space<vmem>>, vector<1x16xf32>,
      %get3A_998 = vector.shape_cast %get3A_997 : vector<1x16xf32> to vector<16xf32>
      %add3A_999 = arith.constant 128 : i32
      %add3A_1000 = arith.addi %add3A_999, %scan3A_993 : i32
      %get3A_1001 = arith.index_cast %add3A_1000 : i32 to index
      %get3A_1002 = arith.constant 0 : index
      %get3A_1003 = tpu.vector_load %arg6[%get3A_1001, %get3A_1002] {strides = array<i32>} : memref<1280x32xf32, #tpu.memory_space<vmem>>, vector<1x16xf32>,
      %get3A_1004 = vector.shape_cast %get3A_1003 : vector<1x16xf32> to vector<16xf32>
      %add3A_1005 = arith.constant 256 : i32
      %add3A_1006 = arith.addi %add3A_1005, %scan3A_993 : i32
      %get3A_1007 = arith.index_cast %add3A_1006 : i32 to index
      %get3A_1008 = arith.constant 0 : index
      %get3A_1009 = tpu.vector_load %arg6[%get3A_1007, %get3A_1008] {strides = array<i32>} : memref<1280x32xf32, #tpu.memory_space<vmem>>, vector<1x16xf32>,
      %get3A_1010 = vector.shape_cast %get3A_1009 : vector<1x16xf32> to vector<16xf32>
      %add3A_1011 = arith.constant 384 : i32
      %add3A_1012 = arith.addi %add3A_1011, %scan3A_993 : i32
      %get3A_1013 = arith.index_cast %add3A_1012 : i32 to index
      %get3A_1014 = arith.constant 0 : index
      %get3A_1015 = tpu.vector_load %arg6[%get3A_1013, %get3A_1014] {strides = array<i32>} : memref<1280x32xf32, #tpu.memory_space<vmem>>, vector<1x16xf32>,
      %get3A_1016 = vector.shape_cast %get3A_1015 : vector<1x16xf32> to vector<16xf32>
      %add3A_1017 = arith.constant 512 : i32
      %add3A_1018 = arith.addi %add3A_1017, %scan3A_993 : i32
      %get3A_1019 = arith.index_cast %add3A_1018 : i32 to index
      %get3A_1020 = arith.constant 0 : index
      %get3A_1021 = tpu.vector_load %arg6[%get3A_1019, %get3A_1020] {strides = array<i32>} : memref<1280x32xf32, #tpu.memory_space<vmem>>, vector<1x16xf32>,
      %get3A_1022 = vector.shape_cast %get3A_1021 : vector<1x16xf32> to vector<16xf32>
      %add3A_1023 = arith.constant 640 : i32
      %add3A_1024 = arith.addi %add3A_1023, %scan3A_993 : i32
      %get3A_1025 = arith.index_cast %add3A_1024 : i32 to index
      %get3A_1026 = arith.constant 0 : index
      %get3A_1027 = tpu.vector_load %arg6[%get3A_1025, %get3A_1026] {strides = array<i32>} : memref<1280x32xf32, #tpu.memory_space<vmem>>, vector<1x16xf32>,
      %get3A_1028 = vector.shape_cast %get3A_1027 : vector<1x16xf32> to vector<16xf32>
      %add3A_1029 = arith.constant 768 : i32
      %add3A_1030 = arith.addi %add3A_1029, %scan3A_993 : i32
      %get3A_1031 = arith.index_cast %add3A_1030 : i32 to index
      %get3A_1032 = arith.constant 0 : index
      %get3A_1033 = tpu.vector_load %arg6[%get3A_1031, %get3A_1032] {strides = array<i32>} : memref<1280x32xf32, #tpu.memory_space<vmem>>, vector<1x16xf32>,
      %get3A_1034 = vector.shape_cast %get3A_1033 : vector<1x16xf32> to vector<16xf32>
      %add3A_1035 = arith.constant 896 : i32
      %add3A_1036 = arith.addi %add3A_1035, %scan3A_993 : i32
      %get3A_1037 = arith.index_cast %add3A_1036 : i32 to index
      %get3A_1038 = arith.constant 0 : index
      %get3A_1039 = tpu.vector_load %arg6[%get3A_1037, %get3A_1038] {strides = array<i32>} : memref<1280x32xf32, #tpu.memory_space<vmem>>, vector<1x16xf32>,
      %get3A_1040 = vector.shape_cast %get3A_1039 : vector<1x16xf32> to vector<16xf32>
      %add3A_1041 = arith.constant 1024 : i32
      %add3A_1042 = arith.addi %add3A_1041, %scan3A_993 : i32
      %get3A_1043 = arith.index_cast %add3A_1042 : i32 to index
      %get3A_1044 = arith.constant 0 : index
      %get3A_1045 = tpu.vector_load %arg6[%get3A_1043, %get3A_1044] {strides = array<i32>} : memref<1280x32xf32, #tpu.memory_space<vmem>>, vector<1x16xf32>,
      %get3A_1046 = vector.shape_cast %get3A_1045 : vector<1x16xf32> to vector<16xf32>
      %add3A_1047 = arith.constant 1152 : i32
      %add3A_1048 = arith.addi %add3A_1047, %scan3A_993 : i32
      %get3A_1049 = arith.index_cast %add3A_1048 : i32 to index
      %get3A_1050 = arith.constant 0 : index
      %get3A_1051 = tpu.vector_load %arg6[%get3A_1049, %get3A_1050] {strides = array<i32>} : memref<1280x32xf32, #tpu.memory_space<vmem>>, vector<1x16xf32>,
      %get3A_1052 = vector.shape_cast %get3A_1051 : vector<1x16xf32> to vector<16xf32>
      %add3A_1053 = arith.addf %get3A_998, %get3A_1004 : vector<16xf32>
      %add3A_1054 = arith.addf %get3A_1010, %get3A_1016 : vector<16xf32>
      %add3A_1055 = arith.addf %add3A_1053, %add3A_1054 : vector<16xf32>
      %add3A_1056 = arith.addf %get3A_1022, %get3A_1028 : vector<16xf32>
      %add3A_1057 = arith.addf %get3A_1034, %get3A_1040 : vector<16xf32>
      %add3A_1058 = arith.addf %add3A_1056, %add3A_1057 : vector<16xf32>
      %add3A_1059 = arith.addf %add3A_1055, %add3A_1058 : vector<16xf32>
      %add3A_1060 = arith.addf %get3A_1046, %get3A_1052 : vector<16xf32>
      %add3A_1061 = arith.addf %add3A_1059, %add3A_1060 : vector<16xf32>
      %get3A_1062 = arith.index_cast %scan3A_993 : i32 to index
      %get3A_1063 = arith.constant 0 : index
      %get3A_1064 = tpu.vector_load %arg8[%get3A_1062, %get3A_1063] {strides = array<i32>} : memref<128x32xf32, #tpu.memory_space<vmem>>, vector<1x16xf32>,
      %get3A_1065 = vector.shape_cast %get3A_1064 : vector<1x16xf32> to vector<16xf32>
      %add3A_1066 = arith.addf %get3A_1065, %add3A_1061 : vector<16xf32>
      %swap3A = arith.index_cast %scan3A_993 : i32 to index
      %swap3A_1067 = arith.constant 0 : index
      %swap3A_1068 = tpu.vector_load %arg8[%swap3A, %swap3A_1067] {strides = array<i32>} : memref<128x32xf32, #tpu.memory_space<vmem>>, vector<1x16xf32>,
      %swap3A_1069 = vector.shape_cast %swap3A_1068 : vector<1x16xf32> to vector<16xf32>
      %swap3A_1070 = vector.shape_cast %add3A_1066 : vector<16xf32> to vector<1x16xf32>
      tpu.vector_store %arg8[%swap3A, %swap3A_1067], %swap3A_1070 {strides = array<i32>} : memref<128x32xf32, #tpu.memory_space<vmem>>, vector<1x16xf32>,
      %add3A_1071 = arith.constant 0 : i32
      %add3A_1072 = arith.addi %add3A_1071, %scan3A_993 : i32
      %get3A_1073 = arith.index_cast %add3A_1072 : i32 to index
      %get3A_1074 = arith.constant 16 : index
      %get3A_1075 = tpu.vector_load %arg6[%get3A_1073, %get3A_1074] {strides = array<i32>} : memref<1280x32xf32, #tpu.memory_space<vmem>>, vector<1x16xf32>,
      %get3A_1076 = vector.shape_cast %get3A_1075 : vector<1x16xf32> to vector<16xf32>
      %add3A_1077 = arith.constant 128 : i32
      %add3A_1078 = arith.addi %add3A_1077, %scan3A_993 : i32
      %get3A_1079 = arith.index_cast %add3A_1078 : i32 to index
      %get3A_1080 = arith.constant 16 : index
      %get3A_1081 = tpu.vector_load %arg6[%get3A_1079, %get3A_1080] {strides = array<i32>} : memref<1280x32xf32, #tpu.memory_space<vmem>>, vector<1x16xf32>,
      %get3A_1082 = vector.shape_cast %get3A_1081 : vector<1x16xf32> to vector<16xf32>
      %add3A_1083 = arith.constant 256 : i32
      %add3A_1084 = arith.addi %add3A_1083, %scan3A_993 : i32
      %get3A_1085 = arith.index_cast %add3A_1084 : i32 to index
      %get3A_1086 = arith.constant 16 : index
      %get3A_1087 = tpu.vector_load %arg6[%get3A_1085, %get3A_1086] {strides = array<i32>} : memref<1280x32xf32, #tpu.memory_space<vmem>>, vector<1x16xf32>,
      %get3A_1088 = vector.shape_cast %get3A_1087 : vector<1x16xf32> to vector<16xf32>
      %add3A_1089 = arith.constant 384 : i32
      %add3A_1090 = arith.addi %add3A_1089, %scan3A_993 : i32
      %get3A_1091 = arith.index_cast %add3A_1090 : i32 to index
      %get3A_1092 = arith.constant 16 : index
      %get3A_1093 = tpu.vector_load %arg6[%get3A_1091, %get3A_1092] {strides = array<i32>} : memref<1280x32xf32, #tpu.memory_space<vmem>>, vector<1x16xf32>,
      %get3A_1094 = vector.shape_cast %get3A_1093 : vector<1x16xf32> to vector<16xf32>
      %add3A_1095 = arith.constant 512 : i32
      %add3A_1096 = arith.addi %add3A_1095, %scan3A_993 : i32
      %get3A_1097 = arith.index_cast %add3A_1096 : i32 to index
      %get3A_1098 = arith.constant 16 : index
      %get3A_1099 = tpu.vector_load %arg6[%get3A_1097, %get3A_1098] {strides = array<i32>} : memref<1280x32xf32, #tpu.memory_space<vmem>>, vector<1x16xf32>,
      %get3A_1100 = vector.shape_cast %get3A_1099 : vector<1x16xf32> to vector<16xf32>
      %add3A_1101 = arith.constant 640 : i32
      %add3A_1102 = arith.addi %add3A_1101, %scan3A_993 : i32
      %get3A_1103 = arith.index_cast %add3A_1102 : i32 to index
      %get3A_1104 = arith.constant 16 : index
      %get3A_1105 = tpu.vector_load %arg6[%get3A_1103, %get3A_1104] {strides = array<i32>} : memref<1280x32xf32, #tpu.memory_space<vmem>>, vector<1x16xf32>,
      %get3A_1106 = vector.shape_cast %get3A_1105 : vector<1x16xf32> to vector<16xf32>
      %add3A_1107 = arith.constant 768 : i32
      %add3A_1108 = arith.addi %add3A_1107, %scan3A_993 : i32
      %get3A_1109 = arith.index_cast %add3A_1108 : i32 to index
      %get3A_1110 = arith.constant 16 : index
      %get3A_1111 = tpu.vector_load %arg6[%get3A_1109, %get3A_1110] {strides = array<i32>} : memref<1280x32xf32, #tpu.memory_space<vmem>>, vector<1x16xf32>,
      %get3A_1112 = vector.shape_cast %get3A_1111 : vector<1x16xf32> to vector<16xf32>
      %add3A_1113 = arith.constant 896 : i32
      %add3A_1114 = arith.addi %add3A_1113, %scan3A_993 : i32
      %get3A_1115 = arith.index_cast %add3A_1114 : i32 to index
      %get3A_1116 = arith.constant 16 : index
      %get3A_1117 = tpu.vector_load %arg6[%get3A_1115, %get3A_1116] {strides = array<i32>} : memref<1280x32xf32, #tpu.memory_space<vmem>>, vector<1x16xf32>,
      %get3A_1118 = vector.shape_cast %get3A_1117 : vector<1x16xf32> to vector<16xf32>
      %add3A_1119 = arith.constant 1024 : i32
      %add3A_1120 = arith.addi %add3A_1119, %scan3A_993 : i32
      %get3A_1121 = arith.index_cast %add3A_1120 : i32 to index
      %get3A_1122 = arith.constant 16 : index
      %get3A_1123 = tpu.vector_load %arg6[%get3A_1121, %get3A_1122] {strides = array<i32>} : memref<1280x32xf32, #tpu.memory_space<vmem>>, vector<1x16xf32>,
      %get3A_1124 = vector.shape_cast %get3A_1123 : vector<1x16xf32> to vector<16xf32>
      %add3A_1125 = arith.constant 1152 : i32
      %add3A_1126 = arith.addi %add3A_1125, %scan3A_993 : i32
      %get3A_1127 = arith.index_cast %add3A_1126 : i32 to index
      %get3A_1128 = arith.constant 16 : index
      %get3A_1129 = tpu.vector_load %arg6[%get3A_1127, %get3A_1128] {strides = array<i32>} : memref<1280x32xf32, #tpu.memory_space<vmem>>, vector<1x16xf32>,
      %get3A_1130 = vector.shape_cast %get3A_1129 : vector<1x16xf32> to vector<16xf32>
      %add3A_1131 = arith.addf %get3A_1076, %get3A_1082 : vector<16xf32>
      %add3A_1132 = arith.addf %get3A_1088, %get3A_1094 : vector<16xf32>
      %add3A_1133 = arith.addf %add3A_1131, %add3A_1132 : vector<16xf32>
      %add3A_1134 = arith.addf %get3A_1100, %get3A_1106 : vector<16xf32>
      %add3A_1135 = arith.addf %get3A_1112, %get3A_1118 : vector<16xf32>
      %add3A_1136 = arith.addf %add3A_1134, %add3A_1135 : vector<16xf32>
      %add3A_1137 = arith.addf %add3A_1133, %add3A_1136 : vector<16xf32>
      %add3A_1138 = arith.addf %get3A_1124, %get3A_1130 : vector<16xf32>
      %add3A_1139 = arith.addf %add3A_1137, %add3A_1138 : vector<16xf32>
      %get3A_1140 = arith.index_cast %scan3A_993 : i32 to index
      %get3A_1141 = arith.constant 16 : index
      %get3A_1142 = tpu.vector_load %arg8[%get3A_1140, %get3A_1141] {strides = array<i32>} : memref<128x32xf32, #tpu.memory_space<vmem>>, vector<1x16xf32>,
      %get3A_1143 = vector.shape_cast %get3A_1142 : vector<1x16xf32> to vector<16xf32>
      %add3A_1144 = arith.addf %get3A_1143, %add3A_1139 : vector<16xf32>
      %swap3A_1145 = arith.index_cast %scan3A_993 : i32 to index
      %swap3A_1146 = arith.constant 16 : index
      %swap3A_1147 = tpu.vector_load %arg8[%swap3A_1145, %swap3A_1146] {strides = array<i32>} : memref<128x32xf32, #tpu.memory_space<vmem>>, vector<1x16xf32>,
      %swap3A_1148 = vector.shape_cast %swap3A_1147 : vector<1x16xf32> to vector<16xf32>
      %swap3A_1149 = vector.shape_cast %add3A_1144 : vector<16xf32> to vector<1x16xf32>
      tpu.vector_store %arg8[%swap3A_1145, %swap3A_1146], %swap3A_1149 {strides = array<i32>} : memref<128x32xf32, #tpu.memory_space<vmem>>, vector<1x16xf32>,
    }
    %scan3A_958 = arith.constant 128 : i32
    %dma_start3A_959 = arith.constant 5120 : i32
    %dma_start3A_960 = tpu.memref_slice %arg5[%dma_start3A_959] : memref<6400xi32, #tpu.memory_space<vmem>> -> memref<1280xi32, #tpu.memory_space<vmem>>
    %dma_start3A_961 = arith.constant 0 : i32
    %dma_start3A_962 = arith.constant 0 : i32
    %dma_start3A_963 = tpu.memref_slice %arg3[%dma_start3A_961, %dma_start3A_962] : memref<1015808x32xf32, #tpu.memory_space<hbm>> -> memref<1015808x32xf32, #tpu.memory_space<hbm>>
    tpu.enqueue_indirect_dma source(%dma_start3A_963 : memref<1015808x32xf32, #tpu.memory_space<hbm>>) target(%arg6 : memref<1280x32xf32, #tpu.memory_space<vmem>>) offsets(%dma_start3A_960 : memref<1280xi32, #tpu.memory_space<vmem>>) semaphore(%arg9 : memref<!tpu.dma_semaphore, #tpu.memory_space<semaphore_mem>>)
    %dma_wait3A_964 = arith.constant 3840 : i32
    %dma_wait3A_965 = tpu.memref_slice %arg5[%dma_wait3A_964] : memref<6400xi32, #tpu.memory_space<vmem>> -> memref<1280xi32, #tpu.memory_space<vmem>>
    %dma_wait3A_966 = arith.constant 0 : i32
    %dma_wait3A_967 = arith.constant 0 : i32
    %dma_wait3A_968 = tpu.memref_slice %arg3[%dma_wait3A_966, %dma_wait3A_967] : memref<1015808x32xf32, #tpu.memory_space<hbm>> -> memref<1015808x32xf32, #tpu.memory_space<hbm>>
    tpu.wait_indirect_dma semaphore(%arg10 : memref<!tpu.dma_semaphore, #tpu.memory_space<semaphore_mem>>) src(%dma_wait3A_968 : memref<1015808x32xf32, #tpu.memory_space<hbm>>) dst(%arg7 : memref<1280x32xf32, #tpu.memory_space<vmem>>)
    %scan3A_969 = arith.constant 0 : i32
    %scan3A_970 = arith.constant 0 : i32
    %scan3A_971 = arith.constant 128 : i32
    %scan3A_972 = arith.addi %scan3A_970, %scan3A_971 : i32
    %scan3A_973 = arith.constant 1 : i32
    scf.for %scan3A_993 = %scan3A_970 to %scan3A_972 step %scan3A_973  : i32 {
      %add3A_994 = arith.constant 0 : i32
      %add3A_995 = arith.addi %add3A_994, %scan3A_993 : i32
      %get3A = arith.index_cast %add3A_995 : i32 to index
      %get3A_996 = arith.constant 0 : index
      %get3A_997 = tpu.vector_load %arg7[%get3A, %get3A_996] {strides = array<i32>} : memref<1280x32xf32, #tpu.memory_space<vmem>>, vector<1x16xf32>,
      %get3A_998 = vector.shape_cast %get3A_997 : vector<1x16xf32> to vector<16xf32>
      %add3A_999 = arith.constant 128 : i32
      %add3A_1000 = arith.addi %add3A_999, %scan3A_993 : i32
      %get3A_1001 = arith.index_cast %add3A_1000 : i32 to index
      %get3A_1002 = arith.constant 0 : index
      %get3A_1003 = tpu.vector_load %arg7[%get3A_1001, %get3A_1002] {strides = array<i32>} : memref<1280x32xf32, #tpu.memory_space<vmem>>, vector<1x16xf32>,
      %get3A_1004 = vector.shape_cast %get3A_1003 : vector<1x16xf32> to vector<16xf32>
      %add3A_1005 = arith.constant 256 : i32
      %add3A_1006 = arith.addi %add3A_1005, %scan3A_993 : i32
      %get3A_1007 = arith.index_cast %add3A_1006 : i32 to index
      %get3A_1008 = arith.constant 0 : index
      %get3A_1009 = tpu.vector_load %arg7[%get3A_1007, %get3A_1008] {strides = array<i32>} : memref<1280x32xf32, #tpu.memory_space<vmem>>, vector<1x16xf32>,
      %get3A_1010 = vector.shape_cast %get3A_1009 : vector<1x16xf32> to vector<16xf32>
      %add3A_1011 = arith.constant 384 : i32
      %add3A_1012 = arith.addi %add3A_1011, %scan3A_993 : i32
      %get3A_1013 = arith.index_cast %add3A_1012 : i32 to index
      %get3A_1014 = arith.constant 0 : index
      %get3A_1015 = tpu.vector_load %arg7[%get3A_1013, %get3A_1014] {strides = array<i32>} : memref<1280x32xf32, #tpu.memory_space<vmem>>, vector<1x16xf32>,
      %get3A_1016 = vector.shape_cast %get3A_1015 : vector<1x16xf32> to vector<16xf32>
      %add3A_1017 = arith.constant 512 : i32
      %add3A_1018 = arith.addi %add3A_1017, %scan3A_993 : i32
      %get3A_1019 = arith.index_cast %add3A_1018 : i32 to index
      %get3A_1020 = arith.constant 0 : index
      %get3A_1021 = tpu.vector_load %arg7[%get3A_1019, %get3A_1020] {strides = array<i32>} : memref<1280x32xf32, #tpu.memory_space<vmem>>, vector<1x16xf32>,
      %get3A_1022 = vector.shape_cast %get3A_1021 : vector<1x16xf32> to vector<16xf32>
      %add3A_1023 = arith.constant 640 : i32
      %add3A_1024 = arith.addi %add3A_1023, %scan3A_993 : i32
      %get3A_1025 = arith.index_cast %add3A_1024 : i32 to index
      %get3A_1026 = arith.constant 0 : index
      %get3A_1027 = tpu.vector_load %arg7[%get3A_1025, %get3A_1026] {strides = array<i32>} : memref<1280x32xf32, #tpu.memory_space<vmem>>, vector<1x16xf32>,
      %get3A_1028 = vector.shape_cast %get3A_1027 : vector<1x16xf32> to vector<16xf32>
      %add3A_1029 = arith.constant 768 : i32
      %add3A_1030 = arith.addi %add3A_1029, %scan3A_993 : i32
      %get3A_1031 = arith.index_cast %add3A_1030 : i32 to index
      %get3A_1032 = arith.constant 0 : index
      %get3A_1033 = tpu.vector_load %arg7[%get3A_1031, %get3A_1032] {strides = array<i32>} : memref<1280x32xf32, #tpu.memory_space<vmem>>, vector<1x16xf32>,
      %get3A_1034 = vector.shape_cast %get3A_1033 : vector<1x16xf32> to vector<16xf32>
      %add3A_1035 = arith.constant 896 : i32
      %add3A_1036 = arith.addi %add3A_1035, %scan3A_993 : i32
      %get3A_1037 = arith.index_cast %add3A_1036 : i32 to index
      %get3A_1038 = arith.constant 0 : index
      %get3A_1039 = tpu.vector_load %arg7[%get3A_1037, %get3A_1038] {strides = array<i32>} : memref<1280x32xf32, #tpu.memory_space<vmem>>, vector<1x16xf32>,
      %get3A_1040 = vector.shape_cast %get3A_1039 : vector<1x16xf32> to vector<16xf32>
      %add3A_1041 = arith.constant 1024 : i32
      %add3A_1042 = arith.addi %add3A_1041, %scan3A_993 : i32
      %get3A_1043 = arith.index_cast %add3A_1042 : i32 to index
      %get3A_1044 = arith.constant 0 : index
      %get3A_1045 = tpu.vector_load %arg7[%get3A_1043, %get3A_1044] {strides = array<i32>} : memref<1280x32xf32, #tpu.memory_space<vmem>>, vector<1x16xf32>,
      %get3A_1046 = vector.shape_cast %get3A_1045 : vector<1x16xf32> to vector<16xf32>
      %add3A_1047 = arith.constant 1152 : i32
      %add3A_1048 = arith.addi %add3A_1047, %scan3A_993 : i32
      %get3A_1049 = arith.index_cast %add3A_1048 : i32 to index
      %get3A_1050 = arith.constant 0 : index
      %get3A_1051 = tpu.vector_load %arg7[%get3A_1049, %get3A_1050] {strides = array<i32>} : memref<1280x32xf32, #tpu.memory_space<vmem>>, vector<1x16xf32>,
      %get3A_1052 = vector.shape_cast %get3A_1051 : vector<1x16xf32> to vector<16xf32>
      %add3A_1053 = arith.addf %get3A_998, %get3A_1004 : vector<16xf32>
      %add3A_1054 = arith.addf %get3A_1010, %get3A_1016 : vector<16xf32>
      %add3A_1055 = arith.addf %add3A_1053, %add3A_1054 : vector<16xf32>
      %add3A_1056 = arith.addf %get3A_1022, %get3A_1028 : vector<16xf32>
      %add3A_1057 = arith.addf %get3A_1034, %get3A_1040 : vector<16xf32>
      %add3A_1058 = arith.addf %add3A_1056, %add3A_1057 : vector<16xf32>
      %add3A_1059 = arith.addf %add3A_1055, %add3A_1058 : vector<16xf32>
      %add3A_1060 = arith.addf %get3A_1046, %get3A_1052 : vector<16xf32>
      %add3A_1061 = arith.addf %add3A_1059, %add3A_1060 : vector<16xf32>
      %get3A_1062 = arith.index_cast %scan3A_993 : i32 to index
      %get3A_1063 = arith.constant 0 : index
      %get3A_1064 = tpu.vector_load %arg8[%get3A_1062, %get3A_1063] {strides = array<i32>} : memref<128x32xf32, #tpu.memory_space<vmem>>, vector<1x16xf32>,
      %get3A_1065 = vector.shape_cast %get3A_1064 : vector<1x16xf32> to vector<16xf32>
      %add3A_1066 = arith.addf %get3A_1065, %add3A_1061 : vector<16xf32>
      %swap3A = arith.index_cast %scan3A_993 : i32 to index
      %swap3A_1067 = arith.constant 0 : index
      %swap3A_1068 = tpu.vector_load %arg8[%swap3A, %swap3A_1067] {strides = array<i32>} : memref<128x32xf32, #tpu.memory_space<vmem>>, vector<1x16xf32>,
      %swap3A_1069 = vector.shape_cast %swap3A_1068 : vector<1x16xf32> to vector<16xf32>
      %swap3A_1070 = vector.shape_cast %add3A_1066 : vector<16xf32> to vector<1x16xf32>
      tpu.vector_store %arg8[%swap3A, %swap3A_1067], %swap3A_1070 {strides = array<i32>} : memref<128x32xf32, #tpu.memory_space<vmem>>, vector<1x16xf32>,
      %add3A_1071 = arith.constant 0 : i32
      %add3A_1072 = arith.addi %add3A_1071, %scan3A_993 : i32
      %get3A_1073 = arith.index_cast %add3A_1072 : i32 to index
      %get3A_1074 = arith.constant 16 : index
      %get3A_1075 = tpu.vector_load %arg7[%get3A_1073, %get3A_1074] {strides = array<i32>} : memref<1280x32xf32, #tpu.memory_space<vmem>>, vector<1x16xf32>,
      %get3A_1076 = vector.shape_cast %get3A_1075 : vector<1x16xf32> to vector<16xf32>
      %add3A_1077 = arith.constant 128 : i32
      %add3A_1078 = arith.addi %add3A_1077, %scan3A_993 : i32
      %get3A_1079 = arith.index_cast %add3A_1078 : i32 to index
      %get3A_1080 = arith.constant 16 : index
      %get3A_1081 = tpu.vector_load %arg7[%get3A_1079, %get3A_1080] {strides = array<i32>} : memref<1280x32xf32, #tpu.memory_space<vmem>>, vector<1x16xf32>,
      %get3A_1082 = vector.shape_cast %get3A_1081 : vector<1x16xf32> to vector<16xf32>
      %add3A_1083 = arith.constant 256 : i32
      %add3A_1084 = arith.addi %add3A_1083, %scan3A_993 : i32
      %get3A_1085 = arith.index_cast %add3A_1084 : i32 to index
      %get3A_1086 = arith.constant 16 : index
      %get3A_1087 = tpu.vector_load %arg7[%get3A_1085, %get3A_1086] {strides = array<i32>} : memref<1280x32xf32, #tpu.memory_space<vmem>>, vector<1x16xf32>,
      %get3A_1088 = vector.shape_cast %get3A_1087 : vector<1x16xf32> to vector<16xf32>
      %add3A_1089 = arith.constant 384 : i32
      %add3A_1090 = arith.addi %add3A_1089, %scan3A_993 : i32
      %get3A_1091 = arith.index_cast %add3A_1090 : i32 to index
      %get3A_1092 = arith.constant 16 : index
      %get3A_1093 = tpu.vector_load %arg7[%get3A_1091, %get3A_1092] {strides = array<i32>} : memref<1280x32xf32, #tpu.memory_space<vmem>>, vector<1x16xf32>,
      %get3A_1094 = vector.shape_cast %get3A_1093 : vector<1x16xf32> to vector<16xf32>
      %add3A_1095 = arith.constant 512 : i32
      %add3A_1096 = arith.addi %add3A_1095, %scan3A_993 : i32
      %get3A_1097 = arith.index_cast %add3A_1096 : i32 to index
      %get3A_1098 = arith.constant 16 : index
      %get3A_1099 = tpu.vector_load %arg7[%get3A_1097, %get3A_1098] {strides = array<i32>} : memref<1280x32xf32, #tpu.memory_space<vmem>>, vector<1x16xf32>,
      %get3A_1100 = vector.shape_cast %get3A_1099 : vector<1x16xf32> to vector<16xf32>
      %add3A_1101 = arith.constant 640 : i32
      %add3A_1102 = arith.addi %add3A_1101, %scan3A_993 : i32
      %get3A_1103 = arith.index_cast %add3A_1102 : i32 to index
      %get3A_1104 = arith.constant 16 : index
      %get3A_1105 = tpu.vector_load %arg7[%get3A_1103, %get3A_1104] {strides = array<i32>} : memref<1280x32xf32, #tpu.memory_space<vmem>>, vector<1x16xf32>,
      %get3A_1106 = vector.shape_cast %get3A_1105 : vector<1x16xf32> to vector<16xf32>
      %add3A_1107 = arith.constant 768 : i32
      %add3A_1108 = arith.addi %add3A_1107, %scan3A_993 : i32
      %get3A_1109 = arith.index_cast %add3A_1108 : i32 to index
      %get3A_1110 = arith.constant 16 : index
      %get3A_1111 = tpu.vector_load %arg7[%get3A_1109, %get3A_1110] {strides = array<i32>} : memref<1280x32xf32, #tpu.memory_space<vmem>>, vector<1x16xf32>,
      %get3A_1112 = vector.shape_cast %get3A_1111 : vector<1x16xf32> to vector<16xf32>
      %add3A_1113 = arith.constant 896 : i32
      %add3A_1114 = arith.addi %add3A_1113, %scan3A_993 : i32
      %get3A_1115 = arith.index_cast %add3A_1114 : i32 to index
      %get3A_1116 = arith.constant 16 : index
      %get3A_1117 = tpu.vector_load %arg7[%get3A_1115, %get3A_1116] {strides = array<i32>} : memref<1280x32xf32, #tpu.memory_space<vmem>>, vector<1x16xf32>,
      %get3A_1118 = vector.shape_cast %get3A_1117 : vector<1x16xf32> to vector<16xf32>
      %add3A_1119 = arith.constant 1024 : i32
      %add3A_1120 = arith.addi %add3A_1119, %scan3A_993 : i32
      %get3A_1121 = arith.index_cast %add3A_1120 : i32 to index
      %get3A_1122 = arith.constant 16 : index
      %get3A_1123 = tpu.vector_load %arg7[%get3A_1121, %get3A_1122] {strides = array<i32>} : memref<1280x32xf32, #tpu.memory_space<vmem>>, vector<1x16xf32>,
      %get3A_1124 = vector.shape_cast %get3A_1123 : vector<1x16xf32> to vector<16xf32>
      %add3A_1125 = arith.constant 1152 : i32
      %add3A_1126 = arith.addi %add3A_1125, %scan3A_993 : i32
      %get3A_1127 = arith.index_cast %add3A_1126 : i32 to index
      %get3A_1128 = arith.constant 16 : index
      %get3A_1129 = tpu.vector_load %arg7[%get3A_1127, %get3A_1128] {strides = array<i32>} : memref<1280x32xf32, #tpu.memory_space<vmem>>, vector<1x16xf32>,
      %get3A_1130 = vector.shape_cast %get3A_1129 : vector<1x16xf32> to vector<16xf32>
      %add3A_1131 = arith.addf %get3A_1076, %get3A_1082 : vector<16xf32>
      %add3A_1132 = arith.addf %get3A_1088, %get3A_1094 : vector<16xf32>
      %add3A_1133 = arith.addf %add3A_1131, %add3A_1132 : vector<16xf32>
      %add3A_1134 = arith.addf %get3A_1100, %get3A_1106 : vector<16xf32>
      %add3A_1135 = arith.addf %get3A_1112, %get3A_1118 : vector<16xf32>
      %add3A_1136 = arith.addf %add3A_1134, %add3A_1135 : vector<16xf32>
      %add3A_1137 = arith.addf %add3A_1133, %add3A_1136 : vector<16xf32>
      %add3A_1138 = arith.addf %get3A_1124, %get3A_1130 : vector<16xf32>
      %add3A_1139 = arith.addf %add3A_1137, %add3A_1138 : vector<16xf32>
      %get3A_1140 = arith.index_cast %scan3A_993 : i32 to index
      %get3A_1141 = arith.constant 16 : index
      %get3A_1142 = tpu.vector_load %arg8[%get3A_1140, %get3A_1141] {strides = array<i32>} : memref<128x32xf32, #tpu.memory_space<vmem>>, vector<1x16xf32>,
      %get3A_1143 = vector.shape_cast %get3A_1142 : vector<1x16xf32> to vector<16xf32>
      %add3A_1144 = arith.addf %get3A_1143, %add3A_1139 : vector<16xf32>
      %swap3A_1145 = arith.index_cast %scan3A_993 : i32 to index
      %swap3A_1146 = arith.constant 16 : index
      %swap3A_1147 = tpu.vector_load %arg8[%swap3A_1145, %swap3A_1146] {strides = array<i32>} : memref<128x32xf32, #tpu.memory_space<vmem>>, vector<1x16xf32>,
      %swap3A_1148 = vector.shape_cast %swap3A_1147 : vector<1x16xf32> to vector<16xf32>
      %swap3A_1149 = vector.shape_cast %add3A_1144 : vector<16xf32> to vector<1x16xf32>
      tpu.vector_store %arg8[%swap3A_1145, %swap3A_1146], %swap3A_1149 {strides = array<i32>} : memref<128x32xf32, #tpu.memory_space<vmem>>, vector<1x16xf32>,
    }
    %scan3A_974 = arith.constant 128 : i32
    %dma_wait3A_975 = arith.constant 5120 : i32
    %dma_wait3A_976 = tpu.memref_slice %arg5[%dma_wait3A_975] : memref<6400xi32, #tpu.memory_space<vmem>> -> memref<1280xi32, #tpu.memory_space<vmem>>
    %dma_wait3A_977 = arith.constant 0 : i32
    %dma_wait3A_978 = arith.constant 0 : i32
    %dma_wait3A_979 = tpu.memref_slice %arg3[%dma_wait3A_977, %dma_wait3A_978] : memref<1015808x32xf32, #tpu.memory_space<hbm>> -> memref<1015808x32xf32, #tpu.memory_space<hbm>>
    tpu.wait_indirect_dma semaphore(%arg9 : memref<!tpu.dma_semaphore, #tpu.memory_space<semaphore_mem>>) src(%dma_wait3A_979 : memref<1015808x32xf32, #tpu.memory_space<hbm>>) dst(%arg6 : memref<1280x32xf32, #tpu.memory_space<vmem>>)
    %scan3A_980 = arith.constant 0 : i32
    %scan3A_981 = arith.constant 0 : i32
    %scan3A_982 = arith.constant 128 : i32
    %scan3A_983 = arith.addi %scan3A_981, %scan3A_982 : i32
    %scan3A_984 = arith.constant 1 : i32
    scf.for %scan3A_993 = %scan3A_981 to %scan3A_983 step %scan3A_984  : i32 {
      %add3A_994 = arith.constant 0 : i32
      %add3A_995 = arith.addi %add3A_994, %scan3A_993 : i32
      %get3A = arith.index_cast %add3A_995 : i32 to index
      %get3A_996 = arith.constant 0 : index
      %get3A_997 = tpu.vector_load %arg6[%get3A, %get3A_996] {strides = array<i32>} : memref<1280x32xf32, #tpu.memory_space<vmem>>, vector<1x16xf32>,
      %get3A_998 = vector.shape_cast %get3A_997 : vector<1x16xf32> to vector<16xf32>
      %add3A_999 = arith.constant 128 : i32
      %add3A_1000 = arith.addi %add3A_999, %scan3A_993 : i32
      %get3A_1001 = arith.index_cast %add3A_1000 : i32 to index
      %get3A_1002 = arith.constant 0 : index
      %get3A_1003 = tpu.vector_load %arg6[%get3A_1001, %get3A_1002] {strides = array<i32>} : memref<1280x32xf32, #tpu.memory_space<vmem>>, vector<1x16xf32>,
      %get3A_1004 = vector.shape_cast %get3A_1003 : vector<1x16xf32> to vector<16xf32>
      %add3A_1005 = arith.constant 256 : i32
      %add3A_1006 = arith.addi %add3A_1005, %scan3A_993 : i32
      %get3A_1007 = arith.index_cast %add3A_1006 : i32 to index
      %get3A_1008 = arith.constant 0 : index
      %get3A_1009 = tpu.vector_load %arg6[%get3A_1007, %get3A_1008] {strides = array<i32>} : memref<1280x32xf32, #tpu.memory_space<vmem>>, vector<1x16xf32>,
      %get3A_1010 = vector.shape_cast %get3A_1009 : vector<1x16xf32> to vector<16xf32>
      %add3A_1011 = arith.constant 384 : i32
      %add3A_1012 = arith.addi %add3A_1011, %scan3A_993 : i32
      %get3A_1013 = arith.index_cast %add3A_1012 : i32 to index
      %get3A_1014 = arith.constant 0 : index
      %get3A_1015 = tpu.vector_load %arg6[%get3A_1013, %get3A_1014] {strides = array<i32>} : memref<1280x32xf32, #tpu.memory_space<vmem>>, vector<1x16xf32>,
      %get3A_1016 = vector.shape_cast %get3A_1015 : vector<1x16xf32> to vector<16xf32>
      %add3A_1017 = arith.constant 512 : i32
      %add3A_1018 = arith.addi %add3A_1017, %scan3A_993 : i32
      %get3A_1019 = arith.index_cast %add3A_1018 : i32 to index
      %get3A_1020 = arith.constant 0 : index
      %get3A_1021 = tpu.vector_load %arg6[%get3A_1019, %get3A_1020] {strides = array<i32>} : memref<1280x32xf32, #tpu.memory_space<vmem>>, vector<1x16xf32>,
      %get3A_1022 = vector.shape_cast %get3A_1021 : vector<1x16xf32> to vector<16xf32>
      %add3A_1023 = arith.constant 640 : i32
      %add3A_1024 = arith.addi %add3A_1023, %scan3A_993 : i32
      %get3A_1025 = arith.index_cast %add3A_1024 : i32 to index
      %get3A_1026 = arith.constant 0 : index
      %get3A_1027 = tpu.vector_load %arg6[%get3A_1025, %get3A_1026] {strides = array<i32>} : memref<1280x32xf32, #tpu.memory_space<vmem>>, vector<1x16xf32>,
      %get3A_1028 = vector.shape_cast %get3A_1027 : vector<1x16xf32> to vector<16xf32>
      %add3A_1029 = arith.constant 768 : i32
      %add3A_1030 = arith.addi %add3A_1029, %scan3A_993 : i32
      %get3A_1031 = arith.index_cast %add3A_1030 : i32 to index
      %get3A_1032 = arith.constant 0 : index
      %get3A_1033 = tpu.vector_load %arg6[%get3A_1031, %get3A_1032] {strides = array<i32>} : memref<1280x32xf32, #tpu.memory_space<vmem>>, vector<1x16xf32>,
      %get3A_1034 = vector.shape_cast %get3A_1033 : vector<1x16xf32> to vector<16xf32>
      %add3A_1035 = arith.constant 896 : i32
      %add3A_1036 = arith.addi %add3A_1035, %scan3A_993 : i32
      %get3A_1037 = arith.index_cast %add3A_1036 : i32 to index
      %get3A_1038 = arith.constant 0 : index
      %get3A_1039 = tpu.vector_load %arg6[%get3A_1037, %get3A_1038] {strides = array<i32>} : memref<1280x32xf32, #tpu.memory_space<vmem>>, vector<1x16xf32>,
      %get3A_1040 = vector.shape_cast %get3A_1039 : vector<1x16xf32> to vector<16xf32>
      %add3A_1041 = arith.constant 1024 : i32
      %add3A_1042 = arith.addi %add3A_1041, %scan3A_993 : i32
      %get3A_1043 = arith.index_cast %add3A_1042 : i32 to index
      %get3A_1044 = arith.constant 0 : index
      %get3A_1045 = tpu.vector_load %arg6[%get3A_1043, %get3A_1044] {strides = array<i32>} : memref<1280x32xf32, #tpu.memory_space<vmem>>, vector<1x16xf32>,
      %get3A_1046 = vector.shape_cast %get3A_1045 : vector<1x16xf32> to vector<16xf32>
      %add3A_1047 = arith.constant 1152 : i32
      %add3A_1048 = arith.addi %add3A_1047, %scan3A_993 : i32
      %get3A_1049 = arith.index_cast %add3A_1048 : i32 to index
      %get3A_1050 = arith.constant 0 : index
      %get3A_1051 = tpu.vector_load %arg6[%get3A_1049, %get3A_1050] {strides = array<i32>} : memref<1280x32xf32, #tpu.memory_space<vmem>>, vector<1x16xf32>,
      %get3A_1052 = vector.shape_cast %get3A_1051 : vector<1x16xf32> to vector<16xf32>
      %add3A_1053 = arith.addf %get3A_998, %get3A_1004 : vector<16xf32>
      %add3A_1054 = arith.addf %get3A_1010, %get3A_1016 : vector<16xf32>
      %add3A_1055 = arith.addf %add3A_1053, %add3A_1054 : vector<16xf32>
      %add3A_1056 = arith.addf %get3A_1022, %get3A_1028 : vector<16xf32>
      %add3A_1057 = arith.addf %get3A_1034, %get3A_1040 : vector<16xf32>
      %add3A_1058 = arith.addf %add3A_1056, %add3A_1057 : vector<16xf32>
      %add3A_1059 = arith.addf %add3A_1055, %add3A_1058 : vector<16xf32>
      %add3A_1060 = arith.addf %get3A_1046, %get3A_1052 : vector<16xf32>
      %add3A_1061 = arith.addf %add3A_1059, %add3A_1060 : vector<16xf32>
      %get3A_1062 = arith.index_cast %scan3A_993 : i32 to index
      %get3A_1063 = arith.constant 0 : index
      %get3A_1064 = tpu.vector_load %arg8[%get3A_1062, %get3A_1063] {strides = array<i32>} : memref<128x32xf32, #tpu.memory_space<vmem>>, vector<1x16xf32>,
      %get3A_1065 = vector.shape_cast %get3A_1064 : vector<1x16xf32> to vector<16xf32>
      %add3A_1066 = arith.addf %get3A_1065, %add3A_1061 : vector<16xf32>
      %swap3A = arith.index_cast %scan3A_993 : i32 to index
      %swap3A_1067 = arith.constant 0 : index
      %swap3A_1068 = tpu.vector_load %arg8[%swap3A, %swap3A_1067] {strides = array<i32>} : memref<128x32xf32, #tpu.memory_space<vmem>>, vector<1x16xf32>,
      %swap3A_1069 = vector.shape_cast %swap3A_1068 : vector<1x16xf32> to vector<16xf32>
      %swap3A_1070 = vector.shape_cast %add3A_1066 : vector<16xf32> to vector<1x16xf32>
      tpu.vector_store %arg8[%swap3A, %swap3A_1067], %swap3A_1070 {strides = array<i32>} : memref<128x32xf32, #tpu.memory_space<vmem>>, vector<1x16xf32>,
      %add3A_1071 = arith.constant 0 : i32
      %add3A_1072 = arith.addi %add3A_1071, %scan3A_993 : i32
      %get3A_1073 = arith.index_cast %add3A_1072 : i32 to index
      %get3A_1074 = arith.constant 16 : index
      %get3A_1075 = tpu.vector_load %arg6[%get3A_1073, %get3A_1074] {strides = array<i32>} : memref<1280x32xf32, #tpu.memory_space<vmem>>, vector<1x16xf32>,
      %get3A_1076 = vector.shape_cast %get3A_1075 : vector<1x16xf32> to vector<16xf32>
      %add3A_1077 = arith.constant 128 : i32
      %add3A_1078 = arith.addi %add3A_1077, %scan3A_993 : i32
      %get3A_1079 = arith.index_cast %add3A_1078 : i32 to index
      %get3A_1080 = arith.constant 16 : index
      %get3A_1081 = tpu.vector_load %arg6[%get3A_1079, %get3A_1080] {strides = array<i32>} : memref<1280x32xf32, #tpu.memory_space<vmem>>, vector<1x16xf32>,
      %get3A_1082 = vector.shape_cast %get3A_1081 : vector<1x16xf32> to vector<16xf32>
      %add3A_1083 = arith.constant 256 : i32
      %add3A_1084 = arith.addi %add3A_1083, %scan3A_993 : i32
      %get3A_1085 = arith.index_cast %add3A_1084 : i32 to index
      %get3A_1086 = arith.constant 16 : index
      %get3A_1087 = tpu.vector_load %arg6[%get3A_1085, %get3A_1086] {strides = array<i32>} : memref<1280x32xf32, #tpu.memory_space<vmem>>, vector<1x16xf32>,
      %get3A_1088 = vector.shape_cast %get3A_1087 : vector<1x16xf32> to vector<16xf32>
      %add3A_1089 = arith.constant 384 : i32
      %add3A_1090 = arith.addi %add3A_1089, %scan3A_993 : i32
      %get3A_1091 = arith.index_cast %add3A_1090 : i32 to index
      %get3A_1092 = arith.constant 16 : index
      %get3A_1093 = tpu.vector_load %arg6[%get3A_1091, %get3A_1092] {strides = array<i32>} : memref<1280x32xf32, #tpu.memory_space<vmem>>, vector<1x16xf32>,
      %get3A_1094 = vector.shape_cast %get3A_1093 : vector<1x16xf32> to vector<16xf32>
      %add3A_1095 = arith.constant 512 : i32
      %add3A_1096 = arith.addi %add3A_1095, %scan3A_993 : i32
      %get3A_1097 = arith.index_cast %add3A_1096 : i32 to index
      %get3A_1098 = arith.constant 16 : index
      %get3A_1099 = tpu.vector_load %arg6[%get3A_1097, %get3A_1098] {strides = array<i32>} : memref<1280x32xf32, #tpu.memory_space<vmem>>, vector<1x16xf32>,
      %get3A_1100 = vector.shape_cast %get3A_1099 : vector<1x16xf32> to vector<16xf32>
      %add3A_1101 = arith.constant 640 : i32
      %add3A_1102 = arith.addi %add3A_1101, %scan3A_993 : i32
      %get3A_1103 = arith.index_cast %add3A_1102 : i32 to index
      %get3A_1104 = arith.constant 16 : index
      %get3A_1105 = tpu.vector_load %arg6[%get3A_1103, %get3A_1104] {strides = array<i32>} : memref<1280x32xf32, #tpu.memory_space<vmem>>, vector<1x16xf32>,
      %get3A_1106 = vector.shape_cast %get3A_1105 : vector<1x16xf32> to vector<16xf32>
      %add3A_1107 = arith.constant 768 : i32
      %add3A_1108 = arith.addi %add3A_1107, %scan3A_993 : i32
      %get3A_1109 = arith.index_cast %add3A_1108 : i32 to index
      %get3A_1110 = arith.constant 16 : index
      %get3A_1111 = tpu.vector_load %arg6[%get3A_1109, %get3A_1110] {strides = array<i32>} : memref<1280x32xf32, #tpu.memory_space<vmem>>, vector<1x16xf32>,
      %get3A_1112 = vector.shape_cast %get3A_1111 : vector<1x16xf32> to vector<16xf32>
      %add3A_1113 = arith.constant 896 : i32
      %add3A_1114 = arith.addi %add3A_1113, %scan3A_993 : i32
      %get3A_1115 = arith.index_cast %add3A_1114 : i32 to index
      %get3A_1116 = arith.constant 16 : index
      %get3A_1117 = tpu.vector_load %arg6[%get3A_1115, %get3A_1116] {strides = array<i32>} : memref<1280x32xf32, #tpu.memory_space<vmem>>, vector<1x16xf32>,
      %get3A_1118 = vector.shape_cast %get3A_1117 : vector<1x16xf32> to vector<16xf32>
      %add3A_1119 = arith.constant 1024 : i32
      %add3A_1120 = arith.addi %add3A_1119, %scan3A_993 : i32
      %get3A_1121 = arith.index_cast %add3A_1120 : i32 to index
      %get3A_1122 = arith.constant 16 : index
      %get3A_1123 = tpu.vector_load %arg6[%get3A_1121, %get3A_1122] {strides = array<i32>} : memref<1280x32xf32, #tpu.memory_space<vmem>>, vector<1x16xf32>,
      %get3A_1124 = vector.shape_cast %get3A_1123 : vector<1x16xf32> to vector<16xf32>
      %add3A_1125 = arith.constant 1152 : i32
      %add3A_1126 = arith.addi %add3A_1125, %scan3A_993 : i32
      %get3A_1127 = arith.index_cast %add3A_1126 : i32 to index
      %get3A_1128 = arith.constant 16 : index
      %get3A_1129 = tpu.vector_load %arg6[%get3A_1127, %get3A_1128] {strides = array<i32>} : memref<1280x32xf32, #tpu.memory_space<vmem>>, vector<1x16xf32>,
      %get3A_1130 = vector.shape_cast %get3A_1129 : vector<1x16xf32> to vector<16xf32>
      %add3A_1131 = arith.addf %get3A_1076, %get3A_1082 : vector<16xf32>
      %add3A_1132 = arith.addf %get3A_1088, %get3A_1094 : vector<16xf32>
      %add3A_1133 = arith.addf %add3A_1131, %add3A_1132 : vector<16xf32>
      %add3A_1134 = arith.addf %get3A_1100, %get3A_1106 : vector<16xf32>
      %add3A_1135 = arith.addf %get3A_1112, %get3A_1118 : vector<16xf32>
      %add3A_1136 = arith.addf %add3A_1134, %add3A_1135 : vector<16xf32>
      %add3A_1137 = arith.addf %add3A_1133, %add3A_1136 : vector<16xf32>
      %add3A_1138 = arith.addf %get3A_1124, %get3A_1130 : vector<16xf32>
      %add3A_1139 = arith.addf %add3A_1137, %add3A_1138 : vector<16xf32>
      %get3A_1140 = arith.index_cast %scan3A_993 : i32 to index
      %get3A_1141 = arith.constant 16 : index
      %get3A_1142 = tpu.vector_load %arg8[%get3A_1140, %get3A_1141] {strides = array<i32>} : memref<128x32xf32, #tpu.memory_space<vmem>>, vector<1x16xf32>,
      %get3A_1143 = vector.shape_cast %get3A_1142 : vector<1x16xf32> to vector<16xf32>
      %add3A_1144 = arith.addf %get3A_1143, %add3A_1139 : vector<16xf32>
      %swap3A_1145 = arith.index_cast %scan3A_993 : i32 to index
      %swap3A_1146 = arith.constant 16 : index
      %swap3A_1147 = tpu.vector_load %arg8[%swap3A_1145, %swap3A_1146] {strides = array<i32>} : memref<128x32xf32, #tpu.memory_space<vmem>>, vector<1x16xf32>,
      %swap3A_1148 = vector.shape_cast %swap3A_1147 : vector<1x16xf32> to vector<16xf32>
      %swap3A_1149 = vector.shape_cast %add3A_1144 : vector<16xf32> to vector<1x16xf32>
      tpu.vector_store %arg8[%swap3A_1145, %swap3A_1146], %swap3A_1149 {strides = array<i32>} : memref<128x32xf32, #tpu.memory_space<vmem>>, vector<1x16xf32>,
    }
    %scan3A_985 = arith.constant 128 : i32
    %scan3A_986 = arith.constant 0 : i32
    %scan3A_987 = arith.constant 2.000000e-02 : f32
    %scan3A_988 = arith.constant 0 : i32
    %scan3A_989 = arith.constant 128 : i32
    %scan3A_990 = arith.addi %scan3A_988, %scan3A_989 : i32
    %scan3A_991 = arith.constant 1 : i32
    scf.for %scan3A_993 = %scan3A_988 to %scan3A_990 step %scan3A_991  : i32 {
      %get3A = arith.index_cast %scan3A_993 : i32 to index
      %get3A_994 = arith.constant 0 : index
      %get3A_995 = tpu.vector_load %arg8[%get3A, %get3A_994] {strides = array<i32>} : memref<128x32xf32, #tpu.memory_space<vmem>>, vector<1x16xf32>,
      %get3A_996 = vector.shape_cast %get3A_995 : vector<1x16xf32> to vector<16xf32>
      %mul3A_997 = vector.broadcast %scan3A_987 : f32 to vector<16xf32>
      %mul3A_998 = arith.mulf %get3A_996, %mul3A_997 : vector<16xf32>
      %swap3A = arith.index_cast %scan3A_993 : i32 to index
      %swap3A_999 = arith.constant 0 : index
      %swap3A_1000 = tpu.vector_load %arg8[%swap3A, %swap3A_999] {strides = array<i32>} : memref<128x32xf32, #tpu.memory_space<vmem>>, vector<1x16xf32>,
      %swap3A_1001 = vector.shape_cast %swap3A_1000 : vector<1x16xf32> to vector<16xf32>
      %swap3A_1002 = vector.shape_cast %mul3A_998 : vector<16xf32> to vector<1x16xf32>
      tpu.vector_store %arg8[%swap3A, %swap3A_999], %swap3A_1002 {strides = array<i32>} : memref<128x32xf32, #tpu.memory_space<vmem>>, vector<1x16xf32>,
      %get3A_1003 = arith.index_cast %scan3A_993 : i32 to index
      %get3A_1004 = arith.constant 16 : index
      %get3A_1005 = tpu.vector_load %arg8[%get3A_1003, %get3A_1004] {strides = array<i32>} : memref<128x32xf32, #tpu.memory_space<vmem>>, vector<1x16xf32>,
      %get3A_1006 = vector.shape_cast %get3A_1005 : vector<1x16xf32> to vector<16xf32>
      %mul3A_1007 = vector.broadcast %scan3A_987 : f32 to vector<16xf32>
      %mul3A_1008 = arith.mulf %get3A_1006, %mul3A_1007 : vector<16xf32>
      %swap3A_1009 = arith.index_cast %scan3A_993 : i32 to index
      %swap3A_1010 = arith.constant 16 : index
      %swap3A_1011 = tpu.vector_load %arg8[%swap3A_1009, %swap3A_1010] {strides = array<i32>} : memref<128x32xf32, #tpu.memory_space<vmem>>, vector<1x16xf32>,
      %swap3A_1012 = vector.shape_cast %swap3A_1011 : vector<1x16xf32> to vector<16xf32>
      %swap3A_1013 = vector.shape_cast %mul3A_1008 : vector<16xf32> to vector<1x16xf32>
      tpu.vector_store %arg8[%swap3A_1009, %swap3A_1010], %swap3A_1013 {strides = array<i32>} : memref<128x32xf32, #tpu.memory_space<vmem>>, vector<1x16xf32>,
    }
    %scan3A_992 = arith.constant 128 : i32
    "tpu.region"() ({
      %run_scoped3A = tpu.sem_alloc : memref<!tpu.dma_semaphore, #tpu.memory_space<semaphore_mem>>
      %dma_start3A_993 = arith.constant 0 : i32
      %dma_start3A_994 = tpu.memref_slice %arg4[%mul3A_2, %dma_start3A_993] : memref<4096x32xf32, #tpu.memory_space<hbm>> -> memref<128x32xf32, #tpu.memory_space<hbm>>
      %dma_start3A_995 = arith.constant 0 : i32
      %dma_start3A_996 = tpu.memref_slice %arg4[%mul3A_2, %dma_start3A_995] : memref<4096x32xf32, #tpu.memory_space<hbm>> -> memref<128x32xf32, #tpu.memory_space<hbm>>
      tpu.enqueue_dma source(%arg8 : memref<128x32xf32, #tpu.memory_space<vmem>>) target(%dma_start3A_996 : memref<128x32xf32, #tpu.memory_space<hbm>>) target_semaphore(%run_scoped3A : memref<!tpu.dma_semaphore, #tpu.memory_space<semaphore_mem>>)
      %dma_wait3A_997 = arith.constant 0 : i32
      %dma_wait3A_998 = tpu.memref_slice %arg4[%mul3A_2, %dma_wait3A_997] : memref<4096x32xf32, #tpu.memory_space<hbm>> -> memref<128x32xf32, #tpu.memory_space<hbm>>
      %dma_wait3A_999 = arith.constant 0 : i32
      %dma_wait3A_1000 = tpu.memref_slice %arg4[%mul3A_2, %dma_wait3A_999] : memref<4096x32xf32, #tpu.memory_space<hbm>> -> memref<128x32xf32, #tpu.memory_space<hbm>>
      tpu.wait_dma2 semaphore(%run_scoped3A : memref<!tpu.dma_semaphore, #tpu.memory_space<semaphore_mem>>) src(%arg8 : memref<128x32xf32, #tpu.memory_space<vmem>>) dst(%dma_wait3A_1000 : memref<128x32xf32, #tpu.memory_space<hbm>>)
      tpu.yield
    }) : () -> ()
    return
  }
}

module attributes {stable_mosaic.version = 14 : i64} {
  func.func @_detile_body(%arg0: i32, %arg1: memref<32x16384xf32, #tpu.memory_space<vmem>>, %arg2: memref<4096x128xf32, #tpu.memory_space<vmem>>) attributes {dimension_semantics = [#tpu.dimension_semantics<arbitrary>], iteration_bounds = array<i64: 62>, scalar_prefetch = 0 : i64, scratch_operands = 0 : i64, tpu.core_type = #tpu.core_type<tc>, window_params = [{transform_indices = @transform_0, window_bounds = array<i64: 32, 16384>}, {transform_indices = @transform_1, window_bounds = array<i64: 4096, 128>}]} {
    %get3A = arith.constant 0 : index
    %get3A_0 = arith.constant 0 : index
    %get3A_1 = vector.load %arg1[%get3A, %get3A_0] : memref<32x16384xf32, #tpu.memory_space<vmem>>, vector<32x16384xf32>
    %slice3A = vector.extract_strided_slice %get3A_1 {offsets = [0, 0], sizes = [32, 4096], strides = [1, 1]} : vector<32x16384xf32> to vector<32x4096xf32>
    %transpose3A = tpu.transpose %slice3A, [1, 0] : vector<32x4096xf32> -> vector<4096x32xf32>
    %slice3A_2 = vector.extract_strided_slice %get3A_1 {offsets = [0, 4096], sizes = [32, 4096], strides = [1, 1]} : vector<32x16384xf32> to vector<32x4096xf32>
    %transpose3A_3 = tpu.transpose %slice3A_2, [1, 0] : vector<32x4096xf32> -> vector<4096x32xf32>
    %slice3A_4 = vector.extract_strided_slice %get3A_1 {offsets = [0, 8192], sizes = [32, 4096], strides = [1, 1]} : vector<32x16384xf32> to vector<32x4096xf32>
    %transpose3A_5 = tpu.transpose %slice3A_4, [1, 0] : vector<32x4096xf32> -> vector<4096x32xf32>
    %slice3A_6 = vector.extract_strided_slice %get3A_1 {offsets = [0, 12288], sizes = [32, 4096], strides = [1, 1]} : vector<32x16384xf32> to vector<32x4096xf32>
    %transpose3A_7 = tpu.transpose %slice3A_6, [1, 0] : vector<32x4096xf32> -> vector<4096x32xf32>
    %concatenate3A = tpu.concatenate %transpose3A, %transpose3A_3, %transpose3A_5, %transpose3A_7 in 1 : vector<4096x32xf32>, vector<4096x32xf32>, vector<4096x32xf32>, vector<4096x32xf32> -> vector<4096x128xf32>
    %swap3A = arith.constant 0 : index
    %swap3A_8 = arith.constant 0 : index
    %swap3A_9 = vector.load %arg2[%swap3A, %swap3A_8] : memref<4096x128xf32, #tpu.memory_space<vmem>>, vector<4096x128xf32>
    tpu.vector_store %arg2[%swap3A, %swap3A_8], %concatenate3A {strides = array<i32>} : memref<4096x128xf32, #tpu.memory_space<vmem>>, vector<4096x128xf32>,
    return
  }
  func.func @transform_0(%arg0: i32) -> (i32, i32) {
    %c0_i32 = arith.constant 0 : i32
    %c0_i32_0 = arith.constant 0 : i32
    return %c0_i32, %arg0 : i32, i32
  }
  func.func @transform_1(%arg0: i32) -> (i32, i32) {
    %c0_i32 = arith.constant 0 : i32
    %c0_i32_0 = arith.constant 0 : i32
    return %arg0, %c0_i32 : i32, i32
  }
}

module attributes {stable_mosaic.version = 14 : i64} {
  func.func @_headsT_body(%arg0: memref<4096x32xf32, #tpu.memory_space<vmem>>, %arg1: memref<32x64xf32, #tpu.memory_space<vmem>>, %arg2: memref<64x1xf32, #tpu.memory_space<vmem>>, %arg3: memref<32x64xf32, #tpu.memory_space<vmem>>, %arg4: memref<64x1xf32, #tpu.memory_space<vmem>>, %arg5: memref<64x4096xf32, #tpu.memory_space<vmem>>, %arg6: memref<64x4096xf32, #tpu.memory_space<vmem>>) attributes {dimension_semantics = [], scalar_prefetch = 0 : i64, scratch_operands = 0 : i64, tpu.core_type = #tpu.core_type<tc>} {
    %get3A = arith.constant 0 : index
    %get3A_0 = arith.constant 0 : index
    %get3A_1 = vector.load %arg0[%get3A, %get3A_0] : memref<4096x32xf32, #tpu.memory_space<vmem>>, vector<4096x32xf32>
    %get3A_2 = arith.constant 0 : index
    %get3A_3 = arith.constant 0 : index
    %get3A_4 = vector.load %arg1[%get3A_2, %get3A_3] : memref<32x64xf32, #tpu.memory_space<vmem>>, vector<32x64xf32>
    %dot_general3A = arith.constant dense<0.000000e+00> : vector<64x4096xf32>
    %dot_general3A_5 = tpu.matmul %get3A_4, %get3A_1, %dot_general3A {dimension_numbers = #tpu.dot_dimension_numbers<[0], [1], [1], [0], [0, 1, 1, 0], [], []>, transpose_lhs_hint = false} : vector<32x64xf32>, vector<4096x32xf32>, vector<64x4096xf32> -> vector<64x4096xf32>
    %get3A_6 = arith.constant 0 : index
    %get3A_7 = arith.constant 0 : index
    %get3A_8 = vector.load %arg2[%get3A_6, %get3A_7] : memref<64x1xf32, #tpu.memory_space<vmem>>, vector<64x1xf32>
    %add3A = vector.broadcast %get3A_8 : vector<64x1xf32> to vector<64x4096xf32>
    %add3A_9 = arith.addf %dot_general3A_5, %add3A : vector<64x4096xf32>
    %swap3A = arith.constant 0 : index
    %swap3A_10 = arith.constant 0 : index
    %swap3A_11 = vector.load %arg5[%swap3A, %swap3A_10] : memref<64x4096xf32, #tpu.memory_space<vmem>>, vector<64x4096xf32>
    tpu.vector_store %arg5[%swap3A, %swap3A_10], %add3A_9 {strides = array<i32>} : memref<64x4096xf32, #tpu.memory_space<vmem>>, vector<64x4096xf32>,
    %get3A_12 = arith.constant 0 : index
    %get3A_13 = arith.constant 0 : index
    %get3A_14 = vector.load %arg3[%get3A_12, %get3A_13] : memref<32x64xf32, #tpu.memory_space<vmem>>, vector<32x64xf32>
    %dot_general3A_15 = arith.constant dense<0.000000e+00> : vector<64x4096xf32>
    %dot_general3A_16 = tpu.matmul %get3A_14, %get3A_1, %dot_general3A_15 {dimension_numbers = #tpu.dot_dimension_numbers<[0], [1], [1], [0], [0, 1, 1, 0], [], []>, transpose_lhs_hint = false} : vector<32x64xf32>, vector<4096x32xf32>, vector<64x4096xf32> -> vector<64x4096xf32>
    %get3A_17 = arith.constant 0 : index
    %get3A_18 = arith.constant 0 : index
    %get3A_19 = vector.load %arg4[%get3A_17, %get3A_18] : memref<64x1xf32, #tpu.memory_space<vmem>>, vector<64x1xf32>
    %add3A_20 = vector.broadcast %get3A_19 : vector<64x1xf32> to vector<64x4096xf32>
    %add3A_21 = arith.addf %dot_general3A_16, %add3A_20 : vector<64x4096xf32>
    %swap3A_22 = arith.constant 0 : index
    %swap3A_23 = arith.constant 0 : index
    %swap3A_24 = vector.load %arg6[%swap3A_22, %swap3A_23] : memref<64x4096xf32, #tpu.memory_space<vmem>>, vector<64x4096xf32>
    tpu.vector_store %arg6[%swap3A_22, %swap3A_23], %add3A_21 {strides = array<i32>} : memref<64x4096xf32, #tpu.memory_space<vmem>>, vector<64x4096xf32>,
    return
  }
}

</mosaic_0001>

<sc_bundles>
// kernel: kernel.5.cloned.1.call-start
scs
__scs_entry_jumppad:
0x0: {  	(pc) =	sbr.rel $0x88, $3  }
0x1: {  	(tag) =	ssettag $0x0;
	lr =	simm.s32 $0x1  }
0x2: {  	[smem:$0x3F9B] =	sst lr;
	_ =	strace $0xD0000000  }
0x3: {  	_ = 	snop  }
0x4: {  	_ = 	snop  }
0x5: {  	_ = 	snop  }
0x6: {  	_ = 	snop  }
0x7: {  	_ = 	snop  }
__scs_overlays_trampoline_lowered:
0x8: {  	[smem:$0x3FAA] =	sst s0  }
0x9: {  	[smem:$0x3FAB] =	sst s1  }
0xa: {  	[smem:$0x3FAC] =	sst s2  }
0xb: {  	[smem:$0x3FAD] =	sst s3  }
0xc: {  	[smem:$0x3FAE] =	sst s4  }
0xd: {  	[smem:$0x3FAF] =	sst s5  }
0xe: {  	[smem:$0x3FB0] =	sst s6  }
0xf: {  	[smem:$0x3FB1] =	sst s7  }
0x10: {  	[smem:$0x3FB2] =	sst s8  }
0x11: {  	[smem:$0x3FB3] =	sst s9;
	s0 =	simm.s32 @!p0 $0x0  }
0x12: {  	s1 =	sld [smem:$0x3F99];
	s0 =	simm.s32 @p0 $0x1  }
0x13: {  	[smem:$0x3FB4] =	sst s0;
	s0 =	simm.s32 @!p1 $0x0  }
0x14: {  	s2 =	sld [smem:$0x3F98];
	s0 =	simm.s32 @p1 $0x1  }
0x15: {  	[smem:$0x3FB5] =	sst s0;
	s0 =	simm.s32 @!p2 $0x0  }
0x16: {  	s3 =	sld [smem:$0x3FDB];
	s0 =	simm.s32 @p2 $0x1  }
0x17: {  	s4 =	simm.s32 $0x1BF5;
	[smem:$0x3FB7] =	sst s0  }
0x18: {  	s0 =	sld [smem:$0x3F9A];
	_ =	swait.ge [sflag:s4], $0x0  }
0x19: {  	s7 =	sld [smem:$0x3F9B]  }
0x1a: {  	s8 =	sadd.s32 $0xFFFFE003, lr  }
0x1b: {  	s9 =	sadd.s32 $0xFFFFFEF7, lr;
	s5 =	simm.s32 $0xFFFFFFFF;
	p2 =	slt.u32 s8, $0xFFFFF086  }
0x1c: {  	p1 =	slt.u32 s9, $0xF7A;
	s5 =	simm.s32 @!p2 $0x0  }
0x1d: {  	s5 =	simm.s32 @p1 $0x1;
	p0 =	seq.s32 s7, s2  }
0x1e: {  	s7 =	smul.u32 @!p0 $0xF7A, s2;
	p2 =	seq.s32 @!p0 s5, $0x0  }
0x1f: {  	s9 =	smul.u32 $0xF7A, s1;
	s8 =	simm.s32 @!p0 $0x1BF5;
	p2 =	por !p2, p0  }
0x20: {  	[sflag:s8] =	ssyncset.s32 @!p0 $0xFFFFF086;
	s6 =	sadd.s32 @!p0 s3, s7;
	s7 =	simm.s32 @!p0 $0x108  }
0x21: {  	s3 =	sadd.s32 s3, s9;
	s6 =	sadd.s32 @!p0 $0x88, s6;
	s7 =	simm.s32 @p2 $0x1082  }
0x22: {  	[simem:s7], [sflag:s8] =	dma.local @!p0 [hbm:s6], $0xF7A  }
0x23: {  	s9 =	sor.u32 $0xD0000000, s2;
	s6 =	simm.s32 $0x108;
	_ =	swait.ge @!p0 [sflag:s8], $0x0  }
0x24: {  	s3 =	sadd.s32 $0x88, s3;
	s6 =	simm.s32 @!p1 $0x1082;
	[sflag:s4] =	ssyncset.s32 $0xFFFFF086  }
0x25: {  	[simem:s6], [sflag:s4] =	dma.local [hbm:s3], $0xF7A  }
0x26: {  	[smem:$0x3F9B] =	sst s1;
	(tag) =	ssettag s2;
	_ =	strace s9  }
0x27: {  	s1 =	sld [smem:$0x3FAB]  }
0x28: {  	s2 =	sld [smem:$0x3FAC]  }
0x29: {  	s4 =	sld [smem:$0x3FAE]  }
0x2a: {  	p0 =	seq.s32 s5, $0x0;
	s5 =	sld [smem:$0x3FAF]  }
0x2b: {  	s6 =	sld [smem:$0x3FB0]  }
0x2c: {  	s7 =	sld [smem:$0x3FB1]  }
0x2d: {  	s3 =	simm.s32 $0x108;
	s8 =	sld [smem:$0x3FB2]  }
0x2e: {  	s3 =	simm.s32 @!p0 $0x1082;
	s9 =	sld [smem:$0x3FB3]  }
0x2f: {  	lr =	sadd.s32 s0, s3;
	s0 =	sld [smem:$0x3FAA]  }
0x30: {  	s3 =	sld [smem:$0x3FAD]  }
0x31: {  	[smem:$0x3FB6] =	sst s10  }
0x32: {  	s10 =	sld [smem:$0x3FB4];
	_ =	sdelay $0x3  }
0x33: {  	p0 =	seq.s32 s10, $0x1;
	s10 =	sld [smem:$0x3FB6];
	_ =	sdelay $0x3  }
0x34: {  	[smem:$0x3FB6] =	sst s10  }
0x35: {  	s10 =	sld [smem:$0x3FB5];
	_ =	sdelay $0x3  }
0x36: {  	p1 =	seq.s32 s10, $0x1;
	s10 =	sld [smem:$0x3FB6];
	_ =	sdelay $0x3  }
0x37: {  	[smem:$0x3FB6] =	sst s10  }
0x38: {  	s10 =	sld [smem:$0x3FB7]  }
0x39: {  	_ = 	snop;
	(pc) =	sbr.ind lr, $3  }
0x3a: {  	_ = 	snop  }
0x3b: {  	_ = 	snop  }
0x3c: {  	p2 =	seq.s32 s10, $0x1;
	s10 =	sld [smem:$0x3FB6]  }
0x3d: {  	_ =	shalt  }
0x3e: {  	_ =	shalt  }
0x3f: {  	_ =	shalt  }
0x40: {  	_ =	shalt  }
0x41: {  	_ =	shalt  }
0x42: {  	_ =	shalt  }
0x43: {  	_ =	shalt  }
0x44: {  	_ =	shalt  }
0x45: {  	_ =	shalt  }
0x46: {  	_ =	shalt  }
0x47: {  	_ =	shalt  }
0x48: {  	_ =	shalt  }
0x49: {  	_ =	shalt  }
0x4a: {  	_ =	shalt  }
0x4b: {  	_ =	shalt  }
0x4c: {  	_ =	shalt  }
0x4d: {  	_ =	shalt  }
0x4e: {  	_ =	shalt  }
0x4f: {  	_ =	shalt  }
0x50: {  	_ =	shalt  }
0x51: {  	_ =	shalt  }
0x52: {  	_ =	shalt  }
0x53: {  	_ =	shalt  }
0x54: {  	_ =	shalt  }
0x55: {  	_ =	shalt  }
0x56: {  	_ =	shalt  }
0x57: {  	_ =	shalt  }
0x58: {  	_ =	shalt  }
0x59: {  	_ =	shalt  }
0x5a: {  	_ =	shalt  }
0x5b: {  	_ =	shalt  }
0x5c: {  	_ =	shalt  }
0x5d: {  	_ =	shalt  }
0x5e: {  	_ =	shalt  }
0x5f: {  	_ =	shalt  }
0x60: {  	_ =	shalt  }
0x61: {  	_ =	shalt  }
0x62: {  	_ =	shalt  }
0x63: {  	_ =	shalt  }
0x64: {  	_ =	shalt  }
0x65: {  	_ =	shalt  }
0x66: {  	_ =	shalt  }
0x67: {  	_ =	shalt  }
0x68: {  	_ =	shalt  }
0x69: {  	_ =	shalt  }
0x6a: {  	_ =	shalt  }
0x6b: {  	_ =	shalt  }
0x6c: {  	_ =	shalt  }
0x6d: {  	_ =	shalt  }
0x6e: {  	_ =	shalt  }
0x6f: {  	_ =	shalt  }
0x70: {  	_ =	shalt  }
0x71: {  	_ =	shalt  }
0x72: {  	_ =	shalt  }
0x73: {  	_ =	shalt  }
0x74: {  	_ =	shalt  }
0x75: {  	_ =	shalt  }
0x76: {  	_ =	shalt  }
0x77: {  	_ =	shalt  }
0x78: {  	_ =	shalt  }
0x79: {  	_ =	shalt  }
0x7a: {  	_ =	shalt  }
0x7b: {  	_ =	shalt  }
0x7c: {  	_ =	shalt  }
0x7d: {  	_ =	shalt  }
0x7e: {  	_ =	shalt  }
0x7f: {  	_ =	shalt  }
0x80: {  	_ =	shalt  }
0x81: {  	_ =	shalt  }
0x82: {  	_ =	shalt  }
0x83: {  	_ =	shalt  }
0x84: {  	_ =	shalt  }
0x85: {  	_ =	shalt  }
0x86: {  	_ =	shalt  }
0x87: {  	_ =	shalt  }
.Lfunc_end0:
.L_simem_size_0:
called_computation_lowered:
.L_overlay_start_0:
0x88: {  	s2 =	sld [smem:$0x3FD9]  }
0x89: {  	s3 =	sld [smem:$0x3FFE];
	_ =	sdelay $0x1  }
0x8a: {  	s1 =	srdreg.scid  }
0x8b: {  	s0 =	sand.u32 $0x1, s1  }
0x8c: {  	s14 =	sshll.u32 s0, $0xA;
	s2 =	sadd.s32 s3, s2  }
0x8d: {  	s2 =	sadd.s32 s2, s14  }
0x8e: {  	[smem:$0x3FC2] =	sst s2  }
0x8f: {  	_ = 	snop  }
0x90: {  	s2 =	sld [smem:$0x3FD0];
	_ =	sdelay $0x2  }
0x91: {  	s15 =	simm.s32 $0xA;
	s4 =	simm.s32 $0x10  }
0x92: {  	[smem:s4], [sflag:s15] =	dma.local [hbm:s2], $0x1  }
0x93: {  	_ =	swait.eq [sflag:s15], $0x1  }
0x94: {  	[sflag:s15] =	ssyncset.done $0x0  }
0x95: {  	s16 =	sld [smem:$0x10];
	[sflag:s15] =	ssyncadd.s32 $0xFFFFFFFF  }
0x96: {  	s17 =	sld [smem:$0x11];
	(tm) =	ssettm $0x1  }
0x97: {  	s18 =	sld [smem:$0x3FFB];
	_ =	sdelay $0x3  }
0x98: {  	_ =	strace s18  }
0x99: {  	s4 =	sld [smem:$0x3FFC];
	_ =	sdelay $0x3  }
0x9a: {  	_ =	strace s4  }
0x9b: {  	s4 =	sld [smem:$0x3FFD];
	_ =	sdelay $0x3  }
0x9c: {  	_ =	strace s4  }
0x9d: {  	_ =	strace $0x8FFFFFFF  }
0x9e: {  	s19 =	sld [smem:$0x3FDB];
	_ =	sdelay $0x1  }
0x9f: {  	s5 =	simm.s32 $_scs_section_size  }
0xa0: {  	s6 =	simm.s32 $_size__tile_overlayer_lowered;
	s7 =	simm.s32 $_tile_overlayer_lowered  }
0xa1: {  	s22 =	simm.s32 $0x1BFF;
	s21 =	sshll.u32 s7, $0x1;
	s4 =	sadd.s32 s5, s19  }
0xa2: {  	s8 =	simm.s32 $0x0;
	s20 =	sshll.u32 s6, $0x1;
	s6 =	sadd.s32 s21, s4  }
0xa3: {  	[timem:s8], [sflag:s22] =	dma.local [hbm:s6], s20  }
0xa4: {  	_ =	swait.ge [sflag:s22], s20  }
0xa5: {  	s5 =	ssub.s32 $0x0, s20;
	[sflag:s22] =	ssyncset.done $0x0  }
0xa6: {  	[sflag:s22] =	ssyncadd.s32 s5;
	_ =	sdelay $0x1  }
0xa7: {  	s23 =	simm.s32 $0x1B8B  }
0xa8: {  	_ =	swait.ge [sflag:s23], $0x1  }
0xa9: {  	[sflag:s23] =	ssyncset.done $0x0  }
0xaa: {  	s25 =	simm.s32 $0x1B8E;
	s24 =	sld [smem:$0x3FFE];
	[sflag:s23] =	ssyncadd.s32 $0xFFFFFFFF  }
0xab: {  	s26 =	simm.s32 $execute0_lowered;
	[smem:$0x3FD2] =	sst s25  }
0xac: {  	s6 =	sshll.u32 s26, $0x1;
	_ =	strace $0x80000046;
	[dreg:$0x1] =	wrdreg $0xFFFFFFFF  }
0xad: {  	s28 =	simm.s32 $_size_execute0_lowered;
	s4 =	sadd.s32 s4, s6;
	[dreg:$0x0] =	wrdreg $0x0  }
0xae: {  	s6 =	sshll.u32 s28, $0x1;
	[dreg:$0x2] =	wrdreg s4  }
0xaf: {  	[dreg:$0x3] =	wrdreg s6  }
0xb0: {  	[dreg:$0x4] =	wrdreg $0xC0  }
0xb1: {  	_ =	task [dreg:s8], $0x5FFFF  }
0xb2: {  	[dreg:$0x1] =	wrdreg $0xFFFFFFFF  }
0xb3: {  	[dreg:$0x0] =	wrdreg $0x60  }
0xb4: {  	[dreg:$0x2] =	wrdreg s17  }
0xb5: {  	[dreg:$0x3] =	wrdreg s24  }
0xb6: {  	[dreg:$0x4] =	wrdreg s16  }
0xb7: {  	[dreg:$0x5] =	wrdreg $0x9  }
0xb8: {  	_ =	task.clear_ibuf [dreg:s8], $0x6FFFF;
	_ =	strace $0x90000046  }
0xb9: {  	s29 =	simm.s32 $0x9;
	_ =	strace $0x80000048  }
0xba: {  	_ =	swait.ge [sflag:s29], $0x1  }
0xbb: {  	[sflag:s29] =	ssyncadd.s32 $0xFFFFFFFF  }
0xbc: {  	_ =	strace $0x90000048  }
0xbd: {  	_ =	sfence  }
0xbe: {  	s30 =	sld [smem:$0x0];
	_ =	sdelay $0x2  }
0xbf: {  	s31 =	sshll.u32 s1, $0xD;
	s1 =	sshrl.u32 s1, $0x2  }
0xc0: {  	s3 =	sand.u32 $0x4000, s31;
	s1 =	sadd.s32 s1, s30  }
0xc1: {  	s0 =	sor.u32 s3, s0;
	s1 =	sshll.u32 s1, $0x11  }
0xc2: {  	s0 =	sor.u32 s1, s0  }
0xc3: {  	s0 =	sadd.s32 $0x8F2B, s0  }
0xc4: {  	[sflag:s0] =	ssyncadd.remote.s32 $0x1  }
0xc5: {  	_ =	sfence.sel $0xFFFF  }
0xc6: {  	[dreg:$0x0] =	wrdreg $0xFFFFFFFF;
	(pc) =	sbr.abs _section_cstart, $3  }
0xc7: {  	[dreg:$0x1] =	wrdreg $0xFFFFFFFF  }
0xc8: {  	_ =	task.clear_ibuf [dreg:s8], $0x2FFFF;
	_ =	strace $0x9FFFFFFF  }
0xc9: {  	(tm) =	ssettm $0x7FFFFFFF  }
tec
execute0_lowered:
.L_overlay_start_1:
0x0: {  	(tag) =	ssettag $0x1  }
0x1: {  	s0 =	rddreg [dreg:$0x0]  }
0x2: {  	s1 =	srdreg.scid;
	s4 =	rddreg [dreg:$0x1]  }
0x3: {  	s2 =	stileid.u32;
	s5 =	rddreg [dreg:$0x2];
	s1 =	sand.u32 $0x1, s1  }
0x4: {  	s3 =	sshll.u32 s2, $0x8;
	s2 =	simm.s32 $0x0;
	s6 =	sshll.u32 s1, $0x7  }
0x5: {  	[smem:$0x7FF] =	sst s2;
	s1 =	ssub.s32 $0x2, s1;
	s6 =	sor.u32 s6, s3  }
0x6: {  	s7 =	sshrl.u32 s1, $0x1;
	s3 =	sshrl.u32 s6, $0x3;
	s8 =	sshll.u32 s6, $0x2  }
0x7: {  	s3 =	sadd.s32 s0, s3;
	s0 =	ssub.s32 s1, s7;
	s1 =	sadd.s32 s5, s8  }
0x8: {  	_ =	strace $0x80000047;
	s10 =	sadd.s32 $0x200, s3;
	[dreg:$0x16] =	wrdreg s1  }
0x9: {  	s11 =	sadd.s32 $0x400, s3;
	[dreg:$0x4] =	wrdreg s10  }
0xa: {  	s12 =	sadd.s32 $0x600, s3;
	[dreg:$0x5] =	wrdreg s11  }
0xb: {  	s13 =	sadd.s32 $0x800, s3;
	[dreg:$0x6] =	wrdreg s12  }
0xc: {  	s14 =	sadd.s32 $0xA00, s3;
	[dreg:$0x7] =	wrdreg s13  }
0xd: {  	s15 =	sadd.s32 $0xC00, s3;
	[dreg:$0x8] =	wrdreg s14  }
0xe: {  	s16 =	sadd.s32 $0xE00, s3;
	[dreg:$0x9] =	wrdreg s15  }
0xf: {  	s17 =	sadd.s32 $0x1000, s3;
	[dreg:$0xa] =	wrdreg s16  }
0x10: {  	s18 =	sadd.s32 $0x1200, s3;
	[dreg:$0xb] =	wrdreg s17  }
0x11: {  	s19 =	sadd.s32 $0x1400, s3;
	[dreg:$0xc] =	wrdreg s18  }
0x12: {  	s20 =	sadd.s32 $0x1600, s3;
	[dreg:$0xd] =	wrdreg s19  }
0x13: {  	s21 =	sadd.s32 $0x1800, s3;
	[dreg:$0xe] =	wrdreg s20  }
0x14: {  	s22 =	sadd.s32 $0x1A00, s3;
	[dreg:$0xf] =	wrdreg s21  }
0x15: {  	s23 =	sadd.s32 $0x1C00, s3;
	[dreg:$0x10] =	wrdreg s22  }
0x16: {  	s24 =	sadd.s32 $0x1E00, s3;
	[dreg:$0x11] =	wrdreg s23  }
0x17: {  	s25 =	sadd.s32 $0x2000, s3;
	[dreg:$0x12] =	wrdreg s24  }
0x18: {  	s26 =	sadd.s32 $0x2200, s3;
	[dreg:$0x13] =	wrdreg s25  }
0x19: {  	s7 =	sadd.s32 $0x2400, s3;
	[dreg:$0x14] =	wrdreg s26  }
0x1a: {  	s9 =	sadd.s32 $0x2600, s3;
	[dreg:$0x15] =	wrdreg s7  }
0x1b: {  	s0 =	smax.u32 s0, $0x1;
	[dreg:$0x17] =	wrdreg s9  }
0x1c: {  	[dreg:$0x18] =	wrdreg s0;
	s10 =	sadd.s32 $0x2800, s3  }
0x1d: {  	s11 =	sadd.s32 $0x2A00, s3;
	[dreg:$0x19] =	wrdreg s10  }
0x1e: {  	s12 =	sadd.s32 $0x2C00, s3;
	[dreg:$0x1a] =	wrdreg s11  }
0x1f: {  	s13 =	sadd.s32 $0x2E00, s3;
	[dreg:$0x1b] =	wrdreg s12  }
0x20: {  	s14 =	sadd.s32 $0x3000, s3;
	[dreg:$0x1c] =	wrdreg s13  }
0x21: {  	s15 =	sadd.s32 $0x3200, s3;
	[dreg:$0x1d] =	wrdreg s14  }
0x22: {  	s29 =	simm.s32 $0x500;
	s16 =	sadd.s32 $0x3400, s3;
	[dreg:$0x1e] =	wrdreg s15  }
0x23: {  	s30 =	simm.s32 $0xA00;
	s17 =	sadd.s32 $0x3600, s3;
	[dreg:$0x1f] =	wrdreg s16  }
0x24: {  	s31 =	simm.s32 $0xF00;
	s18 =	sadd.s32 $0x3800, s3;
	[smem:$0x7F4] =	sst s17  }
0x25: {  	s4 =	sadd.s32 $0x1000, s4;
	s19 =	sadd.s32 $0x3A00, s3;
	[smem:$0x7F5] =	sst s18  }
0x26: {  	s6 =	simm.s32 $0xB900;
	s20 =	sadd.s32 $0x3C00, s3;
	[smem:$0x7F6] =	sst s19  }
0x27: {  	s5 =	simm.s32 $0x1900;
	s21 =	sadd.s32 $0x3E00, s3;
	[smem:$0x7F7] =	sst s20  }
0x28: {  	s8 =	simm.s32 $0x2;
	s22 =	sadd.s32 $0x4000, s3;
	[smem:$0x7F8] =	sst s21  }
0x29: {  	s28 =	sadd.s32 $0x6200, s3;
	s23 =	sadd.s32 $0x4200, s3;
	[smem:$0x7F9] =	sst s22  }
0x2a: {  	s1 =	simm.s32 $0x1400;
	s24 =	sadd.s32 $0x4400, s3;
	[smem:$0x7FA] =	sst s23  }
0x2b: {  	s25 =	sadd.s32 $0x4600, s3;
	s26 =	sadd.s32 $0x4800, s3;
	[smem:$0x7FB] =	sst s24  }
0x2c: {  	s0 =	simm.s32 $0x3;
	s7 =	simm.s32 $0x1;
	[smem:$0x7FC] =	sst s25  }
0x2d: {  	s9 =	simm.s32 $0x4;
	[smem:$0x7FD] =	sst s26;
	s15 =	sadd.s32 $0x4A00, s3  }
0x2e: {  	s16 =	sadd.s32 $0x4C00, s3;
	s17 =	sadd.s32 $0x4E00, s3;
	s18 =	sadd.s32 $0x5000, s3  }
0x2f: {  	s19 =	sadd.s32 $0x5200, s3;
	s20 =	sadd.s32 $0x5400, s3;
	s21 =	sadd.s32 $0x5600, s3  }
0x30: {  	s22 =	sadd.s32 $0x5800, s3;
	s23 =	sadd.s32 $0x5A00, s3;
	s24 =	sadd.s32 $0x5C00, s3  }
0x31: {  	s25 =	sadd.s32 $0x5E00, s3;
	s26 =	sadd.s32 $0x6000, s3;
	s10 =	simm.s32 $0x0  }
.LBB2_1:
0x32: {  	[tilespmem:s2], [sflag:$0x3] =	stream.linear.gather [hbm4b:s3+s2], $0x80, $0x38;
	[tilespmem:$0x16900] =	vst v63  }
0x33: {  	s11 =	rddreg [dreg:$0x4];
	s12 =	simm.s32 $0x80  }
0x34: {  	[tilespmem:s12], [sflag:$0x3] =	stream.linear.gather [hbm4b:s11+s2], $0x80, $0x38;
	[tilespmem:$0x16900] =	vst v63  }
0x35: {  	s13 =	rddreg [dreg:$0x5];
	s14 =	simm.s32 $0x100  }
0x36: {  	[tilespmem:s14], [sflag:$0x3] =	stream.linear.gather [hbm4b:s13+s2], $0x80, $0x38;
	[tilespmem:$0x16900] =	vst v63  }
0x37: {  	s13 =	rddreg [dreg:$0x6];
	s14 =	simm.s32 $0x180  }
0x38: {  	[tilespmem:s14], [sflag:$0x3] =	stream.linear.gather [hbm4b:s13+s2], $0x80, $0x38;
	[tilespmem:$0x16900] =	vst v63  }
0x39: {  	s13 =	rddreg [dreg:$0x7];
	s14 =	simm.s32 $0x200  }
0x3a: {  	[tilespmem:s14], [sflag:$0x3] =	stream.linear.gather [hbm4b:s13+s2], $0x80, $0x38;
	[tilespmem:$0x16900] =	vst v63  }
0x3b: {  	s13 =	rddreg [dreg:$0x8];
	s14 =	simm.s32 $0x280  }
0x3c: {  	[tilespmem:s14], [sflag:$0x3] =	stream.linear.gather [hbm4b:s13+s2], $0x80, $0x38;
	[tilespmem:$0x16900] =	vst v63  }
0x3d: {  	s13 =	rddreg [dreg:$0x9];
	s14 =	simm.s32 $0x300  }
0x3e: {  	[tilespmem:s14], [sflag:$0x3] =	stream.linear.gather [hbm4b:s13+s2], $0x80, $0x38;
	[tilespmem:$0x16900] =	vst v63  }
0x3f: {  	s13 =	rddreg [dreg:$0xa];
	s14 =	simm.s32 $0x380  }
0x40: {  	[tilespmem:s14], [sflag:$0x3] =	stream.linear.gather [hbm4b:s13+s2], $0x80, $0x38;
	[tilespmem:$0x16900] =	vst v63  }
0x41: {  	s13 =	rddreg [dreg:$0xb];
	s14 =	simm.s32 $0x400  }
0x42: {  	[tilespmem:s14], [sflag:$0x3] =	stream.linear.gather [hbm4b:s13+s2], $0x80, $0x38;
	[tilespmem:$0x16900] =	vst v63  }
0x43: {  	s13 =	rddreg [dreg:$0xc];
	s14 =	simm.s32 $0x480  }
0x44: {  	[tilespmem:s14], [sflag:$0x3] =	stream.linear.gather [hbm4b:s13+s2], $0x80, $0x38;
	[tilespmem:$0x16900] =	vst v63  }
0x45: {  	s12 =	rddreg [dreg:$0xd]  }
0x46: {  	[tilespmem:s29], [sflag:$0x3] =	stream.linear.gather [hbm4b:s12+s2], $0x80, $0x38;
	[tilespmem:$0x16900] =	vst v63  }
0x47: {  	s13 =	rddreg [dreg:$0xe];
	s14 =	simm.s32 $0x580  }
0x48: {  	[tilespmem:s14], [sflag:$0x3] =	stream.linear.gather [hbm4b:s13+s2], $0x80, $0x38;
	[tilespmem:$0x16900] =	vst v63  }
0x49: {  	s13 =	rddreg [dreg:$0xf];
	s14 =	simm.s32 $0x600  }
0x4a: {  	[tilespmem:s14], [sflag:$0x3] =	stream.linear.gather [hbm4b:s13+s2], $0x80, $0x38;
	[tilespmem:$0x16900] =	vst v63  }
0x4b: {  	s13 =	rddreg [dreg:$0x10];
	s14 =	simm.s32 $0x680  }
0x4c: {  	[tilespmem:s14], [sflag:$0x3] =	stream.linear.gather [hbm4b:s13+s2], $0x80, $0x38;
	[tilespmem:$0x16900] =	vst v63  }
0x4d: {  	s13 =	rddreg [dreg:$0x11];
	s14 =	simm.s32 $0x700  }
0x4e: {  	[tilespmem:s14], [sflag:$0x3] =	stream.linear.gather [hbm4b:s13+s2], $0x80, $0x38;
	[tilespmem:$0x16900] =	vst v63  }
0x4f: {  	s13 =	rddreg [dreg:$0x12];
	s14 =	simm.s32 $0x780  }
0x50: {  	[tilespmem:s14], [sflag:$0x3] =	stream.linear.gather [hbm4b:s13+s2], $0x80, $0x38;
	[tilespmem:$0x16900] =	vst v63  }
0x51: {  	s13 =	rddreg [dreg:$0x13];
	s14 =	simm.s32 $0x800  }
0x52: {  	[tilespmem:s14], [sflag:$0x3] =	stream.linear.gather [hbm4b:s13+s2], $0x80, $0x38;
	[tilespmem:$0x16900] =	vst v63  }
0x53: {  	s13 =	rddreg [dreg:$0x14];
	s14 =	simm.s32 $0x880  }
0x54: {  	[tilespmem:s14], [sflag:$0x3] =	stream.linear.gather [hbm4b:s13+s2], $0x80, $0x38;
	[tilespmem:$0x16900] =	vst v63  }
0x55: {  	s13 =	rddreg [dreg:$0x15];
	s14 =	simm.s32 $0x900  }
0x56: {  	[tilespmem:s14], [sflag:$0x3] =	stream.linear.gather [hbm4b:s13+s2], $0x80, $0x38;
	[tilespmem:$0x16900] =	vst v63  }
0x57: {  	s13 =	rddreg [dreg:$0x17];
	s14 =	simm.s32 $0x980  }
0x58: {  	[tilespmem:s14], [sflag:$0x3] =	stream.linear.gather [hbm4b:s13+s2], $0x80, $0x38;
	[tilespmem:$0x16900] =	vst v63  }
0x59: {  	s12 =	rddreg [dreg:$0x19]  }
0x5a: {  	[tilespmem:s30], [sflag:$0x3] =	stream.linear.gather [hbm4b:s12+s2], $0x80, $0x38;
	[tilespmem:$0x16900] =	vst v63  }
0x5b: {  	s13 =	rddreg [dreg:$0x1a];
	s14 =	simm.s32 $0xA80  }
0x5c: {  	[tilespmem:s14], [sflag:$0x3] =	stream.linear.gather [hbm4b:s13+s2], $0x80, $0x38;
	[tilespmem:$0x16900] =	vst v63  }
0x5d: {  	s13 =	rddreg [dreg:$0x1b];
	s14 =	simm.s32 $0xB00  }
0x5e: {  	[tilespmem:s14], [sflag:$0x3] =	stream.linear.gather [hbm4b:s13+s2], $0x80, $0x38;
	[tilespmem:$0x16900] =	vst v63  }
0x5f: {  	s13 =	rddreg [dreg:$0x1c];
	s14 =	simm.s32 $0xB80  }
0x60: {  	[tilespmem:s14], [sflag:$0x3] =	stream.linear.gather [hbm4b:s13+s2], $0x80, $0x38;
	[tilespmem:$0x16900] =	vst v63  }
0x61: {  	s13 =	rddreg [dreg:$0x1d];
	s14 =	simm.s32 $0xC00  }
0x62: {  	[tilespmem:s14], [sflag:$0x3] =	stream.linear.gather [hbm4b:s13+s2], $0x80, $0x38;
	[tilespmem:$0x16900] =	vst v63  }
0x63: {  	s13 =	rddreg [dreg:$0x1e];
	s14 =	simm.s32 $0xC80  }
0x64: {  	[tilespmem:s14], [sflag:$0x3] =	stream.linear.gather [hbm4b:s13+s2], $0x80, $0x38;
	[tilespmem:$0x16900] =	vst v63  }
0x65: {  	s13 =	rddreg [dreg:$0x1f];
	s14 =	simm.s32 $0xD00  }
0x66: {  	[tilespmem:s14], [sflag:$0x3] =	stream.linear.gather [hbm4b:s13+s2], $0x80, $0x38;
	[tilespmem:$0x16900] =	vst v63  }
0x67: {  	s13 =	sld [smem:$0x7F4];
	_ =	sdelay $0x1  }
0x68: {  	s14 =	simm.s32 $0xD80  }
0x69: {  	[tilespmem:s14], [sflag:$0x3] =	stream.linear.gather [hbm4b:s13+s2], $0x80, $0x38;
	[tilespmem:$0x16900] =	vst v63  }
0x6a: {  	s13 =	sld [smem:$0x7F5];
	_ =	sdelay $0x1  }
0x6b: {  	s14 =	simm.s32 $0xE00  }
0x6c: {  	[tilespmem:s14], [sflag:$0x3] =	stream.linear.gather [hbm4b:s13+s2], $0x80, $0x38;
	[tilespmem:$0x16900] =	vst v63  }
0x6d: {  	s13 =	sld [smem:$0x7F6];
	_ =	sdelay $0x1  }
0x6e: {  	s12 =	sld [smem:$0x7F7];
	s14 =	simm.s32 $0xE80  }
0x6f: {  	[tilespmem:s14], [sflag:$0x3] =	stream.linear.gather [hbm4b:s13+s2], $0x80, $0x38;
	[tilespmem:$0x16900] =	vst v63  }
0x70: {  	s13 =	sld [smem:$0x7F8]  }
0x71: {  	[tilespmem:s31], [sflag:$0x3] =	stream.linear.gather [hbm4b:s12+s2], $0x80, $0x38;
	[tilespmem:$0x16900] =	vst v63  }
0x72: {  	s14 =	simm.s32 $0xF80  }
0x73: {  	[tilespmem:s14], [sflag:$0x3] =	stream.linear.gather [hbm4b:s13+s2], $0x80, $0x38;
	[tilespmem:$0x16900] =	vst v63  }
0x74: {  	s13 =	sld [smem:$0x7F9];
	_ =	sdelay $0x1  }
0x75: {  	s14 =	simm.s32 $0x1000  }
0x76: {  	[tilespmem:s14], [sflag:$0x3] =	stream.linear.gather [hbm4b:s13+s2], $0x80, $0x38;
	[tilespmem:$0x16900] =	vst v63  }
0x77: {  	s13 =	sld [smem:$0x7FA];
	_ =	sdelay $0x1  }
0x78: {  	s14 =	simm.s32 $0x1080  }
0x79: {  	[tilespmem:s14], [sflag:$0x3] =	stream.linear.gather [hbm4b:s13+s2], $0x80, $0x38;
	[tilespmem:$0x16900] =	vst v63  }
0x7a: {  	s13 =	sld [smem:$0x7FB];
	_ =	sdelay $0x1  }
0x7b: {  	s14 =	simm.s32 $0x1100  }
0x7c: {  	[tilespmem:s14], [sflag:$0x3] =	stream.linear.gather [hbm4b:s13+s2], $0x80, $0x38;
	[tilespmem:$0x16900] =	vst v63  }
0x7d: {  	s13 =	sld [smem:$0x7FC];
	_ =	sdelay $0x1  }
0x7e: {  	s14 =	simm.s32 $0x1180  }
0x7f: {  	[tilespmem:s14], [sflag:$0x3] =	stream.linear.gather [hbm4b:s13+s2], $0x80, $0x38;
	[tilespmem:$0x16900] =	vst v63  }
0x80: {  	s13 =	sld [smem:$0x7FD];
	_ =	sdelay $0x1  }
0x81: {  	s14 =	simm.s32 $0x1200  }
0x82: {  	[tilespmem:s14], [sflag:$0x3] =	stream.linear.gather [hbm4b:s13+s2], $0x80, $0x38;
	[tilespmem:$0x16900] =	vst v63  }
0x83: {  	s12 =	simm.s32 $0x1280  }
0x84: {  	[tilespmem:s12], [sflag:$0x3] =	stream.linear.gather [hbm4b:s15+s2], $0x80, $0x38;
	[tilespmem:$0x16900] =	vst v63  }
0x85: {  	s13 =	simm.s32 $0x1300  }
0x86: {  	[tilespmem:s13], [sflag:$0x3] =	stream.linear.gather [hbm4b:s16+s2], $0x80, $0x38;
	[tilespmem:$0x16900] =	vst v63  }
0x87: {  	s14 =	simm.s32 $0x1380  }
0x88: {  	[tilespmem:s14], [sflag:$0x3] =	stream.linear.gather [hbm4b:s17+s2], $0x80, $0x38;
	[tilespmem:$0x16900] =	vst v63  }
0x89: {  	_ = 	snop  }
0x8a: {  	[tilespmem:s1], [sflag:$0x3] =	stream.linear.gather [hbm4b:s18+s2], $0x80, $0x38;
	[tilespmem:$0x16900] =	vst v63  }
0x8b: {  	s12 =	simm.s32 $0x1480  }
0x8c: {  	[tilespmem:s12], [sflag:$0x3] =	stream.linear.gather [hbm4b:s19+s2], $0x80, $0x38;
	[tilespmem:$0x16900] =	vst v63  }
0x8d: {  	s13 =	simm.s32 $0x1500  }
0x8e: {  	[tilespmem:s13], [sflag:$0x3] =	stream.linear.gather [hbm4b:s20+s2], $0x80, $0x38;
	[tilespmem:$0x16900] =	vst v63  }
0x8f: {  	s14 =	simm.s32 $0x1580  }
0x90: {  	[tilespmem:s14], [sflag:$0x3] =	stream.linear.gather [hbm4b:s21+s2], $0x80, $0x38;
	[tilespmem:$0x16900] =	vst v63  }
0x91: {  	s12 =	simm.s32 $0x1600  }
0x92: {  	[tilespmem:s12], [sflag:$0x3] =	stream.linear.gather [hbm4b:s22+s2], $0x80, $0x38;
	[tilespmem:$0x16900] =	vst v63  }
0x93: {  	s13 =	simm.s32 $0x1680  }
0x94: {  	[tilespmem:s13], [sflag:$0x3] =	stream.linear.gather [hbm4b:s23+s2], $0x80, $0x38;
	[tilespmem:$0x16900] =	vst v63  }
0x95: {  	s14 =	simm.s32 $0x1700  }
0x96: {  	[tilespmem:s14], [sflag:$0x3] =	stream.linear.gather [hbm4b:s24+s2], $0x80, $0x38;
	[tilespmem:$0x16900] =	vst v63  }
0x97: {  	s12 =	simm.s32 $0x1780  }
0x98: {  	[tilespmem:s12], [sflag:$0x3] =	stream.linear.gather [hbm4b:s25+s2], $0x80, $0x38;
	[tilespmem:$0x16900] =	vst v63  }
0x99: {  	s13 =	simm.s32 $0x1800  }
0x9a: {  	[tilespmem:s13], [sflag:$0x3] =	stream.linear.gather [hbm4b:s26+s2], $0x80, $0x38;
	[tilespmem:$0x16900] =	vst v63  }
0x9b: {  	s14 =	simm.s32 $0x1880  }
0x9c: {  	[tilespmem:s14], [sflag:$0x3] =	stream.linear.gather [hbm4b:s28+s2], $0x80, $0x38;
	[tilespmem:$0x16900] =	vst v63  }
0x9d: {  	_ =	swait.ge [sflag:s0], $0x80  }
0x9e: {  	[sflag:s0] =	ssyncset.done $0x0  }
0x9f: {  	[sflag:s0] =	ssyncadd.s32 $0xFFFFFF80  }
0xa0: {  	_ =	swait.ge [sflag:s0], $0x80  }
0xa1: {  	[sflag:s0] =	ssyncset.done $0x0  }
0xa2: {  	[sflag:s0] =	ssyncadd.s32 $0xFFFFFF80  }
0xa3: {  	_ =	swait.ge [sflag:s0], $0x80  }
0xa4: {  	[sflag:s0] =	ssyncset.done $0x0  }
0xa5: {  	[sflag:s0] =	ssyncadd.s32 $0xFFFFFF80  }
0xa6: {  	_ =	swait.ge [sflag:s0], $0x80  }
0xa7: {  	[sflag:s0] =	ssyncset.done $0x0  }
0xa8: {  	[sflag:s0] =	ssyncadd.s32 $0xFFFFFF80  }
0xa9: {  	_ =	swait.ge [sflag:s0], $0x80  }
0xaa: {  	[sflag:s0] =	ssyncset.done $0x0  }
0xab: {  	[sflag:s0] =	ssyncadd.s32 $0xFFFFFF80  }
0xac: {  	_ =	swait.ge [sflag:s0], $0x80  }
0xad: {  	[sflag:s0] =	ssyncset.done $0x0  }
0xae: {  	[sflag:s0] =	ssyncadd.s32 $0xFFFFFF80  }
0xaf: {  	_ =	swait.ge [sflag:s0], $0x80  }
0xb0: {  	[sflag:s0] =	ssyncset.done $0x0  }
0xb1: {  	[sflag:s0] =	ssyncadd.s32 $0xFFFFFF80  }
0xb2: {  	_ =	swait.ge [sflag:s0], $0x80  }
0xb3: {  	[sflag:s0] =	ssyncset.done $0x0  }
0xb4: {  	[sflag:s0] =	ssyncadd.s32 $0xFFFFFF80  }
0xb5: {  	_ =	swait.ge [sflag:s0], $0x80  }
0xb6: {  	[sflag:s0] =	ssyncset.done $0x0  }
0xb7: {  	[sflag:s0] =	ssyncadd.s32 $0xFFFFFF80  }
0xb8: {  	_ =	swait.ge [sflag:s0], $0x80  }
0xb9: {  	[sflag:s0] =	ssyncset.done $0x0  }
0xba: {  	[sflag:s0] =	ssyncadd.s32 $0xFFFFFF80  }
0xbb: {  	_ =	swait.ge [sflag:s0], $0x80  }
0xbc: {  	[sflag:s0] =	ssyncset.done $0x0  }
0xbd: {  	[sflag:s0] =	ssyncadd.s32 $0xFFFFFF80  }
0xbe: {  	_ =	swait.ge [sflag:s0], $0x80  }
0xbf: {  	[sflag:s0] =	ssyncset.done $0x0  }
0xc0: {  	[sflag:s0] =	ssyncadd.s32 $0xFFFFFF80  }
0xc1: {  	_ =	swait.ge [sflag:s0], $0x80  }
0xc2: {  	[sflag:s0] =	ssyncset.done $0x0  }
0xc3: {  	[sflag:s0] =	ssyncadd.s32 $0xFFFFFF80  }
0xc4: {  	_ =	swait.ge [sflag:s0], $0x80  }
0xc5: {  	[sflag:s0] =	ssyncset.done $0x0  }
0xc6: {  	[sflag:s0] =	ssyncadd.s32 $0xFFFFFF80  }
0xc7: {  	_ =	swait.ge [sflag:s0], $0x80  }
0xc8: {  	[sflag:s0] =	ssyncset.done $0x0  }
0xc9: {  	[sflag:s0] =	ssyncadd.s32 $0xFFFFFF80  }
0xca: {  	_ =	swait.ge [sflag:s0], $0x80  }
0xcb: {  	[sflag:s0] =	ssyncset.done $0x0  }
0xcc: {  	[sflag:s0] =	ssyncadd.s32 $0xFFFFFF80  }
0xcd: {  	_ =	swait.ge [sflag:s0], $0x80  }
0xce: {  	[sflag:s0] =	ssyncset.done $0x0  }
0xcf: {  	[sflag:s0] =	ssyncadd.s32 $0xFFFFFF80  }
0xd0: {  	_ =	swait.ge [sflag:s0], $0x80  }
0xd1: {  	[sflag:s0] =	ssyncset.done $0x0  }
0xd2: {  	[sflag:s0] =	ssyncadd.s32 $0xFFFFFF80  }
0xd3: {  	_ =	swait.ge [sflag:s0], $0x80  }
0xd4: {  	[sflag:s0] =	ssyncset.done $0x0  }
0xd5: {  	[sflag:s0] =	ssyncadd.s32 $0xFFFFFF80  }
0xd6: {  	_ =	swait.ge [sflag:s0], $0x80  }
0xd7: {  	[sflag:s0] =	ssyncset.done $0x0  }
0xd8: {  	[sflag:s0] =	ssyncadd.s32 $0xFFFFFF80  }
0xd9: {  	_ =	swait.ge [sflag:s0], $0x80  }
0xda: {  	[sflag:s0] =	ssyncset.done $0x0  }
0xdb: {  	[sflag:s0] =	ssyncadd.s32 $0xFFFFFF80  }
0xdc: {  	_ =	swait.ge [sflag:s0], $0x80  }
0xdd: {  	[sflag:s0] =	ssyncset.done $0x0  }
0xde: {  	[sflag:s0] =	ssyncadd.s32 $0xFFFFFF80  }
0xdf: {  	_ =	swait.ge [sflag:s0], $0x80  }
0xe0: {  	[sflag:s0] =	ssyncset.done $0x0  }
0xe1: {  	[sflag:s0] =	ssyncadd.s32 $0xFFFFFF80  }
0xe2: {  	_ =	swait.ge [sflag:s0], $0x80  }
0xe3: {  	[sflag:s0] =	ssyncset.done $0x0  }
0xe4: {  	[sflag:s0] =	ssyncadd.s32 $0xFFFFFF80  }
0xe5: {  	_ =	swait.ge [sflag:s0], $0x80  }
0xe6: {  	[sflag:s0] =	ssyncset.done $0x0  }
0xe7: {  	[sflag:s0] =	ssyncadd.s32 $0xFFFFFF80  }
0xe8: {  	_ =	swait.ge [sflag:s0], $0x80  }
0xe9: {  	[sflag:s0] =	ssyncset.done $0x0  }
0xea: {  	[sflag:s0] =	ssyncadd.s32 $0xFFFFFF80  }
0xeb: {  	_ =	swait.ge [sflag:s0], $0x80  }
0xec: {  	[sflag:s0] =	ssyncset.done $0x0  }
0xed: {  	[sflag:s0] =	ssyncadd.s32 $0xFFFFFF80  }
0xee: {  	_ =	swait.ge [sflag:s0], $0x80  }
0xef: {  	[sflag:s0] =	ssyncset.done $0x0  }
0xf0: {  	[sflag:s0] =	ssyncadd.s32 $0xFFFFFF80  }
0xf1: {  	_ =	swait.ge [sflag:s0], $0x80  }
0xf2: {  	[sflag:s0] =	ssyncset.done $0x0  }
0xf3: {  	[sflag:s0] =	ssyncadd.s32 $0xFFFFFF80  }
0xf4: {  	_ =	swait.ge [sflag:s0], $0x80  }
0xf5: {  	[sflag:s0] =	ssyncset.done $0x0  }
0xf6: {  	[sflag:s0] =	ssyncadd.s32 $0xFFFFFF80  }
0xf7: {  	_ =	swait.ge [sflag:s0], $0x80  }
0xf8: {  	[sflag:s0] =	ssyncset.done $0x0  }
0xf9: {  	[sflag:s0] =	ssyncadd.s32 $0xFFFFFF80  }
0xfa: {  	_ =	swait.ge [sflag:s0], $0x80  }
0xfb: {  	[sflag:s0] =	ssyncset.done $0x0  }
0xfc: {  	[sflag:s0] =	ssyncadd.s32 $0xFFFFFF80  }
0xfd: {  	_ =	swait.ge [sflag:s0], $0x80  }
0xfe: {  	[sflag:s0] =	ssyncset.done $0x0  }
0xff: {  	[sflag:s0] =	ssyncadd.s32 $0xFFFFFF80  }
0x100: {  	_ =	swait.ge [sflag:s0], $0x80  }
0x101: {  	[sflag:s0] =	ssyncset.done $0x0  }
0x102: {  	[sflag:s0] =	ssyncadd.s32 $0xFFFFFF80  }
0x103: {  	_ =	swait.ge [sflag:s0], $0x80  }
0x104: {  	[sflag:s0] =	ssyncset.done $0x0  }
0x105: {  	[sflag:s0] =	ssyncadd.s32 $0xFFFFFF80  }
0x106: {  	_ =	swait.ge [sflag:s0], $0x80  }
0x107: {  	[sflag:s0] =	ssyncset.done $0x0  }
0x108: {  	[sflag:s0] =	ssyncadd.s32 $0xFFFFFF80  }
0x109: {  	_ =	swait.ge [sflag:s0], $0x80  }
0x10a: {  	[sflag:s0] =	ssyncset.done $0x0  }
0x10b: {  	[sflag:s0] =	ssyncadd.s32 $0xFFFFFF80  }
0x10c: {  	_ =	swait.ge [sflag:s0], $0x80  }
0x10d: {  	[sflag:s0] =	ssyncset.done $0x0  }
0x10e: {  	[sflag:s0] =	ssyncadd.s32 $0xFFFFFF80  }
0x10f: {  	_ =	swait.ge [sflag:s0], $0x80  }
0x110: {  	[sflag:s0] =	ssyncset.done $0x0  }
0x111: {  	[sflag:s0] =	ssyncadd.s32 $0xFFFFFF80  }
0x112: {  	_ =	swait.ge [sflag:s0], $0x80  }
0x113: {  	[sflag:s0] =	ssyncset.done $0x0  }
0x114: {  	[sflag:s0] =	ssyncadd.s32 $0xFFFFFF80  }
0x115: {  	_ =	swait.ge [sflag:s0], $0x80  }
0x116: {  	[sflag:s0] =	ssyncset.done $0x0  }
0x117: {  	[sflag:s0] =	ssyncadd.s32 $0xFFFFFF80  }
0x118: {  	_ =	swait.ge [sflag:s0], $0x80  }
0x119: {  	[sflag:s0] =	ssyncset.done $0x0  }
0x11a: {  	[sflag:s0] =	ssyncadd.s32 $0xFFFFFF80  }
0x11b: {  	_ =	swait.ge [sflag:s0], $0x80  }
0x11c: {  	[sflag:s0] =	ssyncset.done $0x0  }
0x11d: {  	[sflag:s0] =	ssyncadd.s32 $0xFFFFFF80  }
0x11e: {  	_ =	swait.ge [sflag:s0], $0x80  }
0x11f: {  	[sflag:s0] =	ssyncset.done $0x0  }
0x120: {  	[sflag:s0] =	ssyncadd.s32 $0xFFFFFF80  }
0x121: {  	_ =	swait.ge [sflag:s0], $0x80  }
0x122: {  	[sflag:s0] =	ssyncset.done $0x0  }
0x123: {  	[sflag:s0] =	ssyncadd.s32 $0xFFFFFF80  }
0x124: {  	_ =	swait.ge [sflag:s0], $0x80  }
0x125: {  	[sflag:s0] =	ssyncset.done $0x0  }
0x126: {  	[sflag:s0] =	ssyncadd.s32 $0xFFFFFF80  }
0x127: {  	_ =	swait.ge [sflag:s0], $0x80  }
0x128: {  	[sflag:s0] =	ssyncset.done $0x0  }
0x129: {  	[sflag:s0] =	ssyncadd.s32 $0xFFFFFF80  }
0x12a: {  	_ =	swait.ge [sflag:s0], $0x80  }
0x12b: {  	[sflag:s0] =	ssyncset.done $0x0  }
0x12c: {  	[sflag:s0] =	ssyncadd.s32 $0xFFFFFF80  }
0x12d: {  	_ =	swait.ge [sflag:s0], $0x80  }
0x12e: {  	[sflag:s0] =	ssyncset.done $0x0  }
0x12f: {  	[sflag:s0] =	ssyncadd.s32 $0xFFFFFF80  }
0x130: {  	_ =	swait.ge [sflag:s0], $0x80  }
0x131: {  	[sflag:s0] =	ssyncset.done $0x0  }
0x132: {  	s11 =	simm.s32 $0x0;
	s12 =	simm.s32 $0x40;
	[sflag:s0] =	ssyncadd.s32 $0xFFFFFF80  }
.LBB2_2:
0x133: {  	p0 =	sne.s32 s12, $0x63C0;
	v0 =	vld [tilespmem:s11+$0x0];
	_ =	sdelay $0x4  }
.Ltmp0:
0x134: {  	v1 =	vshll.u32 v0, $0x2;
	(pc) =	sbr.rel @p0 .LBB2_2-.Ltmp0, $4  }
0x135: {  	v2 =	vand.u32 $0xFFFFC000, v0;
	v0 =	vshrl.u32 v0, $0xC;
	v1 =	vand.u32 $0x3FFC, v1  }
0x136: {  	v0 =	vand.u32 $0x3, v0;
	v1 =	vor.u32 v2, v1  }
0x137: {  	v0 =	vor.u32 v0, v1  }
0x138: {  	[tilespmem:s11+$0x0] =	vst v0;
	s11 =	sshra.s32 s12, $0x2;
	s12 =	sadd.s32 $0x40, s12  }
0x139: {  	v0 =	vld [tilespmem:s11+$0x0];
	_ =	sdelay $0x4  }
0x13a: {  	v1 =	vshll.u32 v0, $0x2  }
0x13b: {  	v2 =	vand.u32 $0xFFFFC000, v0;
	v0 =	vshrl.u32 v0, $0xC;
	v1 =	vand.u32 $0x3FFC, v1  }
0x13c: {  	v0 =	vand.u32 $0x3, v0;
	v1 =	vor.u32 v2, v1  }
0x13d: {  	v0 =	vor.u32 v0, v1  }
0x13e: {  	s14 =	simm.s32 $0x0;
	[tilespmem:s11+$0x0] =	vst v0  }
0x13f: {  	[tilespmem:s5], [sflag:$0x1] =	stream.indirect.gather [hbm4b:s4+s29], $0x20, s14, s29, $0xb8;
	[tilespmem:$0x16900] =	vst v63  }
0x140: {  	_ = 	snop  }
0x141: {  	[tilespmem:s6], [sflag:$0x2] =	stream.indirect.gather [hbm4b:s4+s29], $0x20, s29, s29, $0xb8;
	[tilespmem:$0x16900] =	vst v63  }
0x142: {  	_ =	swait.ge [sflag:s7], $0xA000  }
0x143: {  	[sflag:s7] =	ssyncset.done $0x0  }
0x144: {  	s11 =	simm.s32 $0x0;
	[sflag:s7] =	ssyncadd.s32 $0xFFFF6000  }
0x145: {  	v0 =	vld [tilespmem:s11+$0x1910]  }
0x146: {  	v1 =	vld [tilespmem:s11+$0x2910]  }
0x147: {  	v2 =	vld [tilespmem:s11+$0x3910]  }
0x148: {  	v3 =	vld [tilespmem:s11+$0x4910]  }
0x149: {  	v4 =	vld [tilespmem:s11+$0x5910]  }
0x14a: {  	v5 =	vld [tilespmem:s11+$0x6910]  }
0x14b: {  	v6 =	vld [tilespmem:s11+$0x7910]  }
0x14c: {  	v7 =	vld [tilespmem:s11+$0x8910]  }
0x14d: {  	v8 =	vld [tilespmem:s11+$0x1900]  }
0x14e: {  	v9 =	vld [tilespmem:s11+$0x2900]  }
0x14f: {  	v10 =	vld [tilespmem:s11+$0x9910]  }
0x150: {  	v11 =	vld [tilespmem:s11+$0xA910];
	v0 =	vadd.f32 v1, v0;
	v1 =	vadd.f32 v3, v2  }
0x151: {  	v2 =	vld [tilespmem:s11+$0x3900];
	v3 =	vadd.f32 v5, v4;
	v4 =	vadd.f32 v7, v6  }
0x152: {  	v5 =	vld [tilespmem:s11+$0x4900]  }
0x153: {  	v6 =	vld [tilespmem:s11+$0x5900];
	v0 =	vadd.f32 v1, v0;
	v1 =	vadd.f32 v4, v3  }
0x154: {  	v7 =	vld [tilespmem:s11+$0x8900]  }
0x155: {  	v3 =	vld [tilespmem:s11+$0x6900];
	v0 =	vadd.f32 v1, v0;
	v1 =	vadd.f32 v11, v10  }
0x156: {  	v4 =	vld [tilespmem:s11+$0x7900]  }
0x157: {  	v10 =	vld [tilespmem:s11+$0x9900];
	v1 =	vadd.f32 v1, v0  }
0x158: {  	s12 =	simm.s32 $0x20;
	v11 =	vld [tilespmem:s11+$0xA900]  }
0x159: {  	v0 =	vld [tilespmem:s12+$0x1910];
	[tilespmem:s11+$0x15910] =	vst v1  }
0x15a: {  	v8 =	vadd.f32 v9, v8;
	v5 =	vadd.f32 v5, v2;
	v1 =	vld [tilespmem:s12+$0x2910]  }
0x15b: {  	v6 =	vadd.f32 v3, v6;
	v7 =	vadd.f32 v7, v4;
	v2 =	vld [tilespmem:s12+$0x3910]  }
0x15c: {  	v4 =	vld [tilespmem:s12+$0x4910]  }
0x15d: {  	v8 =	vadd.f32 v5, v8;
	v3 =	vld [tilespmem:s12+$0x5910];
	v9 =	vadd.f32 v7, v6  }
0x15e: {  	v5 =	vld [tilespmem:s12+$0x6910]  }
0x15f: {  	s13 =	simm.s32 $0x100;
	v7 =	vadd.f32 v11, v10;
	v6 =	vld [tilespmem:s12+$0x7910];
	v8 =	vadd.f32 v9, v8  }
.LBB2_4:
0x160: {  	p0 =	sne.s32 s13, $0x3F80;
	v9 =	vld [tilespmem:s12+$0x8910]  }
0x161: {  	v10 =	vld [tilespmem:s12+$0x1900];
	v7 =	vadd.f32 v7, v8  }
0x162: {  	v8 =	vld [tilespmem:s12+$0x2900]  }
0x163: {  	v11 =	vld [tilespmem:s12+$0x9910];
	[tilespmem:s11+$0x15900] =	vst v7;
	s11 =	smov.u32 s12  }
0x164: {  	v0 =	vadd.f32 v1, v0;
	v1 =	vadd.f32 v4, v2;
	v7 =	vld [tilespmem:s11+$0xA910]  }
0x165: {  	v3 =	vadd.f32 v5, v3;
	v2 =	vld [tilespmem:s11+$0x3900];
	v4 =	vadd.f32 v9, v6  }
0x166: {  	v5 =	vld [tilespmem:s11+$0x4900]  }
0x167: {  	v0 =	vadd.f32 v1, v0;
	v6 =	vld [tilespmem:s11+$0x5900];
	v1 =	vadd.f32 v4, v3  }
0x168: {  	v4 =	vadd.f32 v8, v10;
	v3 =	vld [tilespmem:s11+$0x6900]  }
0x169: {  	v8 =	vld [tilespmem:s11+$0x7900];
	v0 =	vadd.f32 v1, v0;
	v1 =	vadd.f32 v7, v11  }
0x16a: {  	v7 =	vld [tilespmem:s11+$0x8900]  }
0x16b: {  	v9 =	vld [tilespmem:s11+$0x9900];
	v2 =	vadd.f32 v5, v2;
	v1 =	vadd.f32 v1, v0  }
0x16c: {  	s12 =	sshra.s32 s13, $0x2;
	v5 =	vld [tilespmem:s11+$0xA900]  }
0x16d: {  	v0 =	vld [tilespmem:s12+$0x1910];
	v10 =	vadd.f32 v2, v4;
	v6 =	vadd.f32 v3, v6;
	[tilespmem:s11+$0x15910] =	vst v1  }
0x16e: {  	v1 =	vld [tilespmem:s12+$0x2910]  }
.Ltmp1:
0x16f: {  	v2 =	vld [tilespmem:s12+$0x3910];
	v7 =	vadd.f32 v7, v8;
	(pc) =	sbr.rel @p0 .LBB2_4-.Ltmp1, $4  }
0x170: {  	v4 =	vld [tilespmem:s12+$0x4910]  }
0x171: {  	v3 =	vld [tilespmem:s12+$0x5910];
	v8 =	vadd.f32 v7, v6;
	v7 =	vadd.f32 v5, v9  }
0x172: {  	v5 =	vld [tilespmem:s12+$0x6910]  }
0x173: {  	s13 =	sadd.s32 $0x80, s13;
	v6 =	vld [tilespmem:s12+$0x7910];
	v8 =	vadd.f32 v8, v10  }
0x174: {  	v9 =	vld [tilespmem:s12+$0x8910]  }
0x175: {  	v10 =	vld [tilespmem:s12+$0x1900];
	v7 =	vadd.f32 v7, v8  }
0x176: {  	v11 =	vld [tilespmem:s12+$0x9910]  }
0x177: {  	v8 =	vld [tilespmem:s12+$0x2900];
	[tilespmem:s11+$0x15900] =	vst v7  }
0x178: {  	v7 =	vld [tilespmem:s12+$0x3900]  }
0x179: {  	v12 =	vld [tilespmem:s12+$0x4900]  }
0x17a: {  	v13 =	vld [tilespmem:s12+$0x5900]  }
0x17b: {  	v14 =	vld [tilespmem:s12+$0x6900]  }
0x17c: {  	v15 =	vld [tilespmem:s12+$0x7900]  }
0x17d: {  	v16 =	vld [tilespmem:s12+$0x8900];
	_ =	sdelay $0x1  }
0x17e: {  	v0 =	vadd.f32 v1, v0;
	v1 =	vadd.f32 v4, v2;
	v2 =	vld [tilespmem:s12+$0xA910]  }
0x17f: {  	v3 =	vadd.f32 v5, v3;
	v5 =	vld [tilespmem:s12+$0x9900];
	v4 =	vadd.f32 v9, v6  }
0x180: {  	v6 =	vadd.f32 v8, v10;
	v8 =	vld [tilespmem:s12+$0xA900];
	v7 =	vadd.f32 v12, v7  }
0x181: {  	v9 =	vadd.f32 v14, v13;
	v10 =	vadd.f32 v16, v15  }
0x182: {  	v0 =	vadd.f32 v1, v0;
	v1 =	vadd.f32 v4, v3  }
0x183: {  	v3 =	vadd.f32 v7, v6;
	v4 =	vadd.f32 v10, v9  }
0x184: {  	v0 =	vadd.f32 v1, v0;
	v1 =	vadd.f32 v2, v11  }
0x185: {  	v2 =	vadd.f32 v8, v5;
	v3 =	vadd.f32 v4, v3  }
0x186: {  	v0 =	vadd.f32 v1, v0  }
0x187: {  	v1 =	vadd.f32 v2, v3  }
0x188: {  	[tilespmem:s12+$0x15910] =	vst v0  }
0x189: {  	[tilespmem:s12+$0x15900] =	vst v1  }
0x18a: {  	[tilespmem:s5], [sflag:$0x1] =	stream.indirect.gather [hbm4b:s4+s29], $0x20, s30, s29, $0xb8;
	[tilespmem:$0x16900] =	vst v63  }
0x18b: {  	_ =	swait.ge [sflag:s8], $0xA000  }
0x18c: {  	[sflag:s8] =	ssyncset.done $0x0  }
0x18d: {  	s11 =	simm.s32 $0x0;
	[sflag:s8] =	ssyncadd.s32 $0xFFFF6000  }
0x18e: {  	v0 =	vld [tilespmem:s11+$0xB900]  }
0x18f: {  	v1 =	vld [tilespmem:s11+$0xC900]  }
0x190: {  	v2 =	vld [tilespmem:s11+$0xD900]  }
0x191: {  	v3 =	vld [tilespmem:s11+$0xE900]  }
0x192: {  	v4 =	vld [tilespmem:s11+$0xF900]  }
0x193: {  	v5 =	vld [tilespmem:s11+$0x10900]  }
0x194: {  	v6 =	vld [tilespmem:s11+$0x11900]  }
0x195: {  	v8 =	vld [tilespmem:s11+$0x12900]  }
0x196: {  	v7 =	vld [tilespmem:s11+$0xB910]  }
0x197: {  	v9 =	vld [tilespmem:s11+$0xC910]  }
0x198: {  	v10 =	vld [tilespmem:s11+$0xD910]  }
0x199: {  	v12 =	vld [tilespmem:s11+$0xE910]  }
0x19a: {  	v11 =	vld [tilespmem:s11+$0xF910]  }
0x19b: {  	v13 =	vld [tilespmem:s11+$0x10910]  }
0x19c: {  	s12 =	simm.s32 $0x80;
	v14 =	vld [tilespmem:s11+$0x11910]  }
.LBB2_6:
0x19d: {  	p0 =	sne.s32 s12, $0x3F80;
	v15 =	vld [tilespmem:s11+$0x12910]  }
0x19e: {  	v16 =	vld [tilespmem:s11+$0x13900]  }
0x19f: {  	v18 =	vadd.f32 v1, v0;
	v2 =	vadd.f32 v3, v2;
	v17 =	vld [tilespmem:s11+$0x14900]  }
0x1a0: {  	v3 =	vadd.f32 v5, v4;
	v4 =	vadd.f32 v8, v6;
	v5 =	vld [tilespmem:s11+$0x13910]  }
0x1a1: {  	s13 =	sshra.s32 s12, $0x2;
	v7 =	vadd.f32 v9, v7;
	v8 =	vadd.f32 v12, v10;
	v6 =	vld [tilespmem:s11+$0x14910]  }
0x1a2: {  	v9 =	vadd.f32 v13, v11;
	v0 =	vld [tilespmem:s13+$0xB900];
	v10 =	vadd.f32 v15, v14  }
0x1a3: {  	v2 =	vadd.f32 v2, v18;
	v3 =	vadd.f32 v4, v3;
	v1 =	vld [tilespmem:s13+$0xC900]  }
0x1a4: {  	v4 =	vadd.f32 v8, v7;
	v11 =	vld [tilespmem:s11+$0x15900];
	v7 =	vadd.f32 v10, v9  }
0x1a5: {  	v8 =	vadd.f32 v3, v2;
	v9 =	vadd.f32 v17, v16;
	v10 =	vld [tilespmem:s11+$0x15910]  }
0x1a6: {  	v2 =	vld [tilespmem:s13+$0xD900];
	v7 =	vadd.f32 v7, v4;
	v5 =	vadd.f32 v6, v5  }
0x1a7: {  	v6 =	vadd.f32 v9, v8;
	v3 =	vld [tilespmem:s13+$0xE900]  }
0x1a8: {  	v4 =	vld [tilespmem:s13+$0xF900];
	v7 =	vadd.f32 v5, v7  }
0x1a9: {  	v5 =	vld [tilespmem:s13+$0x10900];
	v9 =	vadd.f32 v6, v11  }
0x1aa: {  	v6 =	vld [tilespmem:s13+$0x11900];
	v10 =	vadd.f32 v7, v10  }
0x1ab: {  	v8 =	vld [tilespmem:s13+$0x12900];
	[tilespmem:s11+$0x15900] =	vst v9  }
0x1ac: {  	v7 =	vld [tilespmem:s13+$0xB910];
	[tilespmem:s11+$0x15910] =	vst v10;
	s11 =	smov.u32 s13  }
0x1ad: {  	v9 =	vld [tilespmem:s11+$0xC910]  }
.Ltmp2:
0x1ae: {  	v10 =	vld [tilespmem:s11+$0xD910];
	(pc) =	sbr.rel @p0 .LBB2_6-.Ltmp2, $4  }
0x1af: {  	v12 =	vld [tilespmem:s11+$0xE910]  }
0x1b0: {  	v11 =	vld [tilespmem:s11+$0xF910]  }
0x1b1: {  	v13 =	vld [tilespmem:s11+$0x10910]  }
0x1b2: {  	s12 =	sadd.s32 $0x80, s12;
	v14 =	vld [tilespmem:s11+$0x11910]  }
0x1b3: {  	v15 =	vld [tilespmem:s11+$0x12910]  }
0x1b4: {  	v16 =	vld [tilespmem:s11+$0x13900]  }
0x1b5: {  	v17 =	vld [tilespmem:s11+$0x14900];
	v0 =	vadd.f32 v1, v0;
	v1 =	vadd.f32 v3, v2  }
0x1b6: {  	v2 =	vadd.f32 v5, v4;
	v3 =	vadd.f32 v8, v6;
	v4 =	vld [tilespmem:s11+$0x13910]  }
0x1b7: {  	v5 =	vld [tilespmem:s11+$0x14910];
	v6 =	vadd.f32 v9, v7;
	v7 =	vadd.f32 v12, v10  }
0x1b8: {  	v8 =	vadd.f32 v13, v11;
	v9 =	vadd.f32 v15, v14  }
0x1b9: {  	v0 =	vadd.f32 v1, v0;
	v1 =	vadd.f32 v3, v2  }
0x1ba: {  	v2 =	vld [tilespmem:s11+$0x15900];
	v3 =	vadd.f32 v7, v6;
	v6 =	vadd.f32 v9, v8  }
0x1bb: {  	v7 =	vld [tilespmem:s11+$0x15910];
	v0 =	vadd.f32 v1, v0;
	v1 =	vadd.f32 v17, v16  }
0x1bc: {  	v4 =	vadd.f32 v5, v4;
	v3 =	vadd.f32 v6, v3  }
0x1bd: {  	v0 =	vadd.f32 v1, v0  }
0x1be: {  	v1 =	vadd.f32 v4, v3  }
0x1bf: {  	v0 =	vadd.f32 v0, v2  }
0x1c0: {  	v1 =	vadd.f32 v1, v7  }
0x1c1: {  	[tilespmem:s11+$0x15900] =	vst v0  }
0x1c2: {  	[tilespmem:s11+$0x15910] =	vst v1  }
0x1c3: {  	[tilespmem:s6], [sflag:$0x2] =	stream.indirect.gather [hbm4b:s4+s29], $0x20, s31, s29, $0xb8;
	[tilespmem:$0x16900] =	vst v63  }
0x1c4: {  	_ =	swait.ge [sflag:s7], $0xA000  }
0x1c5: {  	[sflag:s7] =	ssyncset.done $0x0  }
0x1c6: {  	s11 =	simm.s32 $0x0;
	[sflag:s7] =	ssyncadd.s32 $0xFFFF6000  }
0x1c7: {  	v0 =	vld [tilespmem:s11+$0x1900]  }
0x1c8: {  	v1 =	vld [tilespmem:s11+$0x2900]  }
0x1c9: {  	v2 =	vld [tilespmem:s11+$0x3900]  }
0x1ca: {  	v3 =	vld [tilespmem:s11+$0x4900]  }
0x1cb: {  	v4 =	vld [tilespmem:s11+$0x5900]  }
0x1cc: {  	v5 =	vld [tilespmem:s11+$0x6900]  }
0x1cd: {  	v6 =	vld [tilespmem:s11+$0x7900]  }
0x1ce: {  	v8 =	vld [tilespmem:s11+$0x8900]  }
0x1cf: {  	v7 =	vld [tilespmem:s11+$0x1910]  }
0x1d0: {  	v9 =	vld [tilespmem:s11+$0x2910]  }
0x1d1: {  	v10 =	vld [tilespmem:s11+$0x3910]  }
0x1d2: {  	v12 =	vld [tilespmem:s11+$0x4910]  }
0x1d3: {  	v11 =	vld [tilespmem:s11+$0x5910]  }
0x1d4: {  	v13 =	vld [tilespmem:s11+$0x6910]  }
0x1d5: {  	s12 =	simm.s32 $0x80;
	v14 =	vld [tilespmem:s11+$0x7910]  }
.LBB2_8:
0x1d6: {  	p0 =	sne.s32 s12, $0x3F80;
	v15 =	vld [tilespmem:s11+$0x8910]  }
0x1d7: {  	v16 =	vld [tilespmem:s11+$0x9900]  }
0x1d8: {  	v18 =	vadd.f32 v1, v0;
	v2 =	vadd.f32 v3, v2;
	v17 =	vld [tilespmem:s11+$0xA900]  }
0x1d9: {  	v3 =	vadd.f32 v5, v4;
	v4 =	vadd.f32 v8, v6;
	v5 =	vld [tilespmem:s11+$0x9910]  }
0x1da: {  	s13 =	sshra.s32 s12, $0x2;
	v7 =	vadd.f32 v9, v7;
	v8 =	vadd.f32 v12, v10;
	v6 =	vld [tilespmem:s11+$0xA910]  }
0x1db: {  	v9 =	vadd.f32 v13, v11;
	v0 =	vld [tilespmem:s13+$0x1900];
	v10 =	vadd.f32 v15, v14  }
0x1dc: {  	v2 =	vadd.f32 v2, v18;
	v3 =	vadd.f32 v4, v3;
	v1 =	vld [tilespmem:s13+$0x2900]  }
0x1dd: {  	v4 =	vadd.f32 v8, v7;
	v11 =	vld [tilespmem:s11+$0x15900];
	v7 =	vadd.f32 v10, v9  }
0x1de: {  	v8 =	vadd.f32 v3, v2;
	v9 =	vadd.f32 v17, v16;
	v10 =	vld [tilespmem:s11+$0x15910]  }
0x1df: {  	v2 =	vld [tilespmem:s13+$0x3900];
	v7 =	vadd.f32 v7, v4;
	v5 =	vadd.f32 v6, v5  }
0x1e0: {  	v6 =	vadd.f32 v9, v8;
	v3 =	vld [tilespmem:s13+$0x4900]  }
0x1e1: {  	v4 =	vld [tilespmem:s13+$0x5900];
	v7 =	vadd.f32 v5, v7  }
0x1e2: {  	v5 =	vld [tilespmem:s13+$0x6900];
	v9 =	vadd.f32 v6, v11  }
0x1e3: {  	v6 =	vld [tilespmem:s13+$0x7900];
	v10 =	vadd.f32 v7, v10  }
0x1e4: {  	v8 =	vld [tilespmem:s13+$0x8900];
	[tilespmem:s11+$0x15900] =	vst v9  }
0x1e5: {  	v7 =	vld [tilespmem:s13+$0x1910];
	[tilespmem:s11+$0x15910] =	vst v10;
	s11 =	smov.u32 s13  }
0x1e6: {  	v9 =	vld [tilespmem:s11+$0x2910]  }
.Ltmp3:
0x1e7: {  	v10 =	vld [tilespmem:s11+$0x3910];
	(pc) =	sbr.rel @p0 .LBB2_8-.Ltmp3, $4  }
0x1e8: {  	v12 =	vld [tilespmem:s11+$0x4910]  }
0x1e9: {  	v11 =	vld [tilespmem:s11+$0x5910]  }
0x1ea: {  	v13 =	vld [tilespmem:s11+$0x6910]  }
0x1eb: {  	s12 =	sadd.s32 $0x80, s12;
	v14 =	vld [tilespmem:s11+$0x7910]  }
0x1ec: {  	v15 =	vld [tilespmem:s11+$0x8910]  }
0x1ed: {  	v16 =	vld [tilespmem:s11+$0x9900]  }
0x1ee: {  	v17 =	vld [tilespmem:s11+$0xA900];
	v0 =	vadd.f32 v1, v0;
	v1 =	vadd.f32 v3, v2  }
0x1ef: {  	v2 =	vadd.f32 v5, v4;
	v3 =	vadd.f32 v8, v6;
	v4 =	vld [tilespmem:s11+$0x9910]  }
0x1f0: {  	v5 =	vld [tilespmem:s11+$0xA910];
	v6 =	vadd.f32 v9, v7;
	v7 =	vadd.f32 v12, v10  }
0x1f1: {  	v8 =	vadd.f32 v13, v11;
	v9 =	vadd.f32 v15, v14  }
0x1f2: {  	v0 =	vadd.f32 v1, v0;
	v1 =	vadd.f32 v3, v2  }
0x1f3: {  	v2 =	vld [tilespmem:s11+$0x15900];
	v3 =	vadd.f32 v7, v6;
	v6 =	vadd.f32 v9, v8  }
0x1f4: {  	v7 =	vld [tilespmem:s11+$0x15910];
	v0 =	vadd.f32 v1, v0;
	v1 =	vadd.f32 v17, v16  }
0x1f5: {  	v4 =	vadd.f32 v5, v4;
	v3 =	vadd.f32 v6, v3  }
0x1f6: {  	v0 =	vadd.f32 v1, v0  }
0x1f7: {  	v1 =	vadd.f32 v4, v3  }
0x1f8: {  	v0 =	vadd.f32 v0, v2  }
0x1f9: {  	v1 =	vadd.f32 v1, v7  }
0x1fa: {  	[tilespmem:s11+$0x15900] =	vst v0  }
0x1fb: {  	[tilespmem:s11+$0x15910] =	vst v1  }
0x1fc: {  	[tilespmem:s5], [sflag:$0x1] =	stream.indirect.gather [hbm4b:s4+s29], $0x20, s1, s29, $0xb8;
	[tilespmem:$0x16900] =	vst v63  }
0x1fd: {  	_ =	swait.ge [sflag:s8], $0xA000  }
0x1fe: {  	[sflag:s8] =	ssyncset.done $0x0  }
0x1ff: {  	s11 =	simm.s32 $0x0;
	[sflag:s8] =	ssyncadd.s32 $0xFFFF6000  }
0x200: {  	v0 =	vld [tilespmem:s11+$0xB900]  }
0x201: {  	v1 =	vld [tilespmem:s11+$0xC900]  }
0x202: {  	v2 =	vld [tilespmem:s11+$0xD900]  }
0x203: {  	v3 =	vld [tilespmem:s11+$0xE900]  }
0x204: {  	v4 =	vld [tilespmem:s11+$0xF900]  }
0x205: {  	v5 =	vld [tilespmem:s11+$0x10900]  }
0x206: {  	v6 =	vld [tilespmem:s11+$0x11900]  }
0x207: {  	v8 =	vld [tilespmem:s11+$0x12900]  }
0x208: {  	v7 =	vld [tilespmem:s11+$0xB910]  }
0x209: {  	v9 =	vld [tilespmem:s11+$0xC910]  }
0x20a: {  	v10 =	vld [tilespmem:s11+$0xD910]  }
0x20b: {  	v12 =	vld [tilespmem:s11+$0xE910]  }
0x20c: {  	v11 =	vld [tilespmem:s11+$0xF910]  }
0x20d: {  	v13 =	vld [tilespmem:s11+$0x10910]  }
0x20e: {  	s12 =	simm.s32 $0x80;
	v14 =	vld [tilespmem:s11+$0x11910]  }
.LBB2_10:
0x20f: {  	p0 =	sne.s32 s12, $0x3F80;
	v15 =	vld [tilespmem:s11+$0x12910]  }
0x210: {  	v16 =	vld [tilespmem:s11+$0x13900]  }
0x211: {  	v18 =	vadd.f32 v1, v0;
	v2 =	vadd.f32 v3, v2;
	v17 =	vld [tilespmem:s11+$0x14900]  }
0x212: {  	v3 =	vadd.f32 v5, v4;
	v4 =	vadd.f32 v8, v6;
	v5 =	vld [tilespmem:s11+$0x13910]  }
0x213: {  	s13 =	sshra.s32 s12, $0x2;
	v7 =	vadd.f32 v9, v7;
	v8 =	vadd.f32 v12, v10;
	v6 =	vld [tilespmem:s11+$0x14910]  }
0x214: {  	v9 =	vadd.f32 v13, v11;
	v0 =	vld [tilespmem:s13+$0xB900];
	v10 =	vadd.f32 v15, v14  }
0x215: {  	v2 =	vadd.f32 v2, v18;
	v3 =	vadd.f32 v4, v3;
	v1 =	vld [tilespmem:s13+$0xC900]  }
0x216: {  	v4 =	vadd.f32 v8, v7;
	v11 =	vld [tilespmem:s11+$0x15900];
	v7 =	vadd.f32 v10, v9  }
0x217: {  	v8 =	vadd.f32 v3, v2;
	v9 =	vadd.f32 v17, v16;
	v10 =	vld [tilespmem:s11+$0x15910]  }
0x218: {  	v2 =	vld [tilespmem:s13+$0xD900];
	v7 =	vadd.f32 v7, v4;
	v5 =	vadd.f32 v6, v5  }
0x219: {  	v6 =	vadd.f32 v9, v8;
	v3 =	vld [tilespmem:s13+$0xE900]  }
0x21a: {  	v4 =	vld [tilespmem:s13+$0xF900];
	v7 =	vadd.f32 v5, v7  }
0x21b: {  	v5 =	vld [tilespmem:s13+$0x10900];
	v9 =	vadd.f32 v6, v11  }
0x21c: {  	v6 =	vld [tilespmem:s13+$0x11900];
	v10 =	vadd.f32 v7, v10  }
0x21d: {  	v8 =	vld [tilespmem:s13+$0x12900];
	[tilespmem:s11+$0x15900] =	vst v9  }
0x21e: {  	v7 =	vld [tilespmem:s13+$0xB910];
	[tilespmem:s11+$0x15910] =	vst v10;
	s11 =	smov.u32 s13  }
0x21f: {  	v9 =	vld [tilespmem:s11+$0xC910]  }
.Ltmp4:
0x220: {  	v10 =	vld [tilespmem:s11+$0xD910];
	(pc) =	sbr.rel @p0 .LBB2_10-.Ltmp4, $4  }
0x221: {  	v12 =	vld [tilespmem:s11+$0xE910]  }
0x222: {  	v11 =	vld [tilespmem:s11+$0xF910]  }
0x223: {  	v13 =	vld [tilespmem:s11+$0x10910]  }
0x224: {  	s12 =	sadd.s32 $0x80, s12;
	v14 =	vld [tilespmem:s11+$0x11910]  }
0x225: {  	v15 =	vld [tilespmem:s11+$0x12910]  }
0x226: {  	v16 =	vld [tilespmem:s11+$0x13900]  }
0x227: {  	v17 =	vld [tilespmem:s11+$0x14900];
	v0 =	vadd.f32 v1, v0;
	v1 =	vadd.f32 v3, v2  }
0x228: {  	v2 =	vadd.f32 v5, v4;
	v3 =	vadd.f32 v8, v6;
	v4 =	vld [tilespmem:s11+$0x13910]  }
0x229: {  	v5 =	vld [tilespmem:s11+$0x14910];
	v6 =	vadd.f32 v9, v7;
	v7 =	vadd.f32 v12, v10  }
0x22a: {  	v8 =	vadd.f32 v13, v11;
	v9 =	vadd.f32 v15, v14  }
0x22b: {  	v0 =	vadd.f32 v1, v0;
	v1 =	vadd.f32 v3, v2  }
0x22c: {  	v2 =	vld [tilespmem:s11+$0x15900];
	v3 =	vadd.f32 v7, v6;
	v6 =	vadd.f32 v9, v8  }
0x22d: {  	v7 =	vld [tilespmem:s11+$0x15910];
	v0 =	vadd.f32 v1, v0;
	v1 =	vadd.f32 v17, v16  }
0x22e: {  	v4 =	vadd.f32 v5, v4;
	v3 =	vadd.f32 v6, v3  }
0x22f: {  	v0 =	vadd.f32 v1, v0  }
0x230: {  	v1 =	vadd.f32 v4, v3  }
0x231: {  	v0 =	vadd.f32 v0, v2  }
0x232: {  	v1 =	vadd.f32 v1, v7  }
0x233: {  	[tilespmem:s11+$0x15900] =	vst v0  }
0x234: {  	[tilespmem:s11+$0x15910] =	vst v1  }
0x235: {  	_ =	swait.ge [sflag:s7], $0xA000  }
0x236: {  	[sflag:s7] =	ssyncset.done $0x0  }
0x237: {  	s11 =	simm.s32 $0x0;
	[sflag:s7] =	ssyncadd.s32 $0xFFFF6000  }
0x238: {  	v0 =	vld [tilespmem:s11+$0x1900]  }
0x239: {  	v1 =	vld [tilespmem:s11+$0x2900]  }
0x23a: {  	v2 =	vld [tilespmem:s11+$0x3900]  }
0x23b: {  	v3 =	vld [tilespmem:s11+$0x4900]  }
0x23c: {  	v4 =	vld [tilespmem:s11+$0x5900]  }
0x23d: {  	v5 =	vld [tilespmem:s11+$0x6900]  }
0x23e: {  	v6 =	vld [tilespmem:s11+$0x7900]  }
0x23f: {  	v8 =	vld [tilespmem:s11+$0x8900]  }
0x240: {  	v7 =	vld [tilespmem:s11+$0x1910]  }
0x241: {  	v9 =	vld [tilespmem:s11+$0x2910]  }
0x242: {  	v10 =	vld [tilespmem:s11+$0x3910]  }
0x243: {  	v12 =	vld [tilespmem:s11+$0x4910]  }
0x244: {  	v11 =	vld [tilespmem:s11+$0x5910]  }
0x245: {  	v13 =	vld [tilespmem:s11+$0x6910]  }
0x246: {  	s13 =	simm.s32 $0x80;
	s12 =	simm.s32 $0x0;
	v14 =	vld [tilespmem:s11+$0x7910]  }
.LBB2_12:
0x247: {  	p0 =	sne.s32 s13, $0x3F80;
	v15 =	vld [tilespmem:s12+$0x8910]  }
0x248: {  	v16 =	vld [tilespmem:s12+$0x9900]  }
0x249: {  	v18 =	vadd.f32 v1, v0;
	v2 =	vadd.f32 v3, v2;
	v17 =	vld [tilespmem:s12+$0xA900]  }
0x24a: {  	v3 =	vadd.f32 v5, v4;
	v4 =	vadd.f32 v8, v6;
	v5 =	vld [tilespmem:s12+$0x9910]  }
0x24b: {  	s14 =	sshra.s32 s13, $0x2;
	v7 =	vadd.f32 v9, v7;
	v8 =	vadd.f32 v12, v10;
	v6 =	vld [tilespmem:s12+$0xA910]  }
0x24c: {  	v9 =	vadd.f32 v13, v11;
	v0 =	vld [tilespmem:s14+$0x1900];
	v10 =	vadd.f32 v15, v14  }
0x24d: {  	v2 =	vadd.f32 v2, v18;
	v3 =	vadd.f32 v4, v3;
	v1 =	vld [tilespmem:s14+$0x2900]  }
0x24e: {  	v4 =	vadd.f32 v8, v7;
	v11 =	vld [tilespmem:s12+$0x15900];
	v7 =	vadd.f32 v10, v9  }
0x24f: {  	v8 =	vadd.f32 v3, v2;
	v9 =	vadd.f32 v17, v16;
	v10 =	vld [tilespmem:s12+$0x15910]  }
0x250: {  	v2 =	vld [tilespmem:s14+$0x3900];
	v7 =	vadd.f32 v7, v4;
	v5 =	vadd.f32 v6, v5  }
0x251: {  	v6 =	vadd.f32 v9, v8;
	v3 =	vld [tilespmem:s14+$0x4900]  }
0x252: {  	v4 =	vld [tilespmem:s14+$0x5900];
	v7 =	vadd.f32 v5, v7  }
0x253: {  	v5 =	vld [tilespmem:s14+$0x6900];
	v9 =	vadd.f32 v6, v11  }
0x254: {  	v6 =	vld [tilespmem:s14+$0x7900];
	v10 =	vadd.f32 v7, v10  }
0x255: {  	v8 =	vld [tilespmem:s14+$0x8900];
	[tilespmem:s12+$0x15900] =	vst v9  }
0x256: {  	v7 =	vld [tilespmem:s14+$0x1910];
	[tilespmem:s12+$0x15910] =	vst v10;
	s12 =	smov.u32 s14  }
0x257: {  	v9 =	vld [tilespmem:s12+$0x2910]  }
.Ltmp5:
0x258: {  	v10 =	vld [tilespmem:s12+$0x3910];
	(pc) =	sbr.rel @p0 .LBB2_12-.Ltmp5, $4  }
0x259: {  	v12 =	vld [tilespmem:s12+$0x4910]  }
0x25a: {  	v11 =	vld [tilespmem:s12+$0x5910]  }
0x25b: {  	v13 =	vld [tilespmem:s12+$0x6910]  }
0x25c: {  	s13 =	sadd.s32 $0x80, s13;
	v14 =	vld [tilespmem:s12+$0x7910]  }
0x25d: {  	v15 =	vld [tilespmem:s12+$0x8910]  }
0x25e: {  	v16 =	vld [tilespmem:s12+$0x9900]  }
0x25f: {  	v17 =	vld [tilespmem:s12+$0xA900];
	v0 =	vadd.f32 v1, v0;
	v1 =	vadd.f32 v3, v2  }
0x260: {  	v2 =	vadd.f32 v5, v4;
	v3 =	vadd.f32 v8, v6;
	v56 =	vld [tilespmem:s12+$0x9910]  }
0x261: {  	v57 =	vld [tilespmem:s12+$0xA910];
	v58 =	vadd.f32 v9, v7;
	v59 =	vadd.f32 v12, v10  }
0x262: {  	v60 =	vadd.f32 v13, v11;
	v61 =	vadd.f32 v15, v14  }
0x263: {  	v0 =	vadd.f32 v1, v0;
	v1 =	vadd.f32 v3, v2  }
0x264: {  	v2 =	vld [tilespmem:s12+$0x15900];
	v3 =	vadd.f32 v59, v58;
	v62 =	vadd.f32 v61, v60  }
0x265: {  	v63 =	vld [tilespmem:s12+$0x15910];
	v0 =	vadd.f32 v1, v0;
	v1 =	vadd.f32 v17, v16  }
0x266: {  	v4 =	vadd.f32 v57, v56;
	v3 =	vadd.f32 v62, v3  }
0x267: {  	v0 =	vadd.f32 v1, v0  }
0x268: {  	v1 =	vadd.f32 v4, v3  }
0x269: {  	v0 =	vadd.f32 v0, v2  }
0x26a: {  	v1 =	vadd.f32 v1, v63  }
0x26b: {  	[tilespmem:s12+$0x15900] =	vst v0  }
0x26c: {  	[tilespmem:s12+$0x15910] =	vst v1  }
0x26d: {  	s12 =	simm.s32 $0x80;
	v0 =	vld [tilespmem:s11+$0x15900]  }
.LBB2_14:
0x26e: {  	p0 =	sne.s32 s12, $0x3F80;
	v1 =	vld [tilespmem:s11+$0x15910];
	_ =	sdelay $0x2  }
.Ltmp6:
0x26f: {  	(pc) =	sbr.rel @p0 .LBB2_14-.Ltmp6, $4  }
0x270: {  	v0 =	vmul.f32 $1.999999960e-02, v0  }
0x271: {  	v1 =	vmul.f32 $1.999999960e-02, v1  }
0x272: {  	s13 =	sshra.s32 s12, $0x2;
	[tilespmem:s11+$0x15900] =	vst v0  }
0x273: {  	s12 =	sadd.s32 $0x80, s12;
	v0 =	vld [tilespmem:s13+$0x15900];
	[tilespmem:s11+$0x15910] =	vst v1;
	s11 =	smov.u32 s13  }
0x274: {  	v1 =	vld [tilespmem:s11+$0x15910];
	_ =	sdelay $0x3  }
0x275: {  	v0 =	vmul.f32 $1.999999960e-02, v0  }
0x276: {  	v1 =	vmul.f32 $1.999999960e-02, v1  }
0x277: {  	[tilespmem:s11+$0x15900] =	vst v0  }
0x278: {  	s13 =	rddreg [dreg:$0x16];
	s12 =	simm.s32 $0x15900;
	[tilespmem:s11+$0x15910] =	vst v1  }
0x279: {  	[hbm4b:s13+s2] =	stream.linear.scatter [tilespmem:s12], [sflag:$0x4], $0x1000, $0x38;
	[tilespmem:$0x16900] =	vst v63  }
0x27a: {  	_ =	swait.ge [sflag:s9], $0x1000  }
0x27b: {  	s10 =	sadd.s32 $0x1, s10;
	s14 =	rddreg [dreg:$0x18]  }
0x27c: {  	p0 =	sne.s32 s10, s14  }
.Ltmp7:
0x27d: {  	_ = 	snop;
	(pc) =	sbr.rel @p0 .LBB2_1-.Ltmp7, $3  }
0x27e: {  	_ =	sdelay $0x1  }
0x27f: {  	[sflag:s9] =	ssyncset.done $0x0  }
0x280: {  	[sflag:s9] =	ssyncadd.s32 $0xFFFFF000  }
0x281: {  	_ =	sfence.sel $0x180000  }
0x282: {  	[bflag:$0x0] =	sbarrier.arrive $0xFFFF  }
0x283: {  	_ =	strace $0x90000047  }
0x284: {  	s0 =	stileid.u32;
	[bflag:$0x2] =	sbarrier.arrive $0xFFFF  }
0x285: {  	p0 =	sne.s32 s0, $0x0;
	s0 =	rddreg [dreg:$0x3]  }
0x286: {  	s0 =	sadd.s32 @!p0 $0x100000, s0  }
0x287: {  	[sflag:s0] =	ssyncadd.tile.s32 @!p0 $0x1;
	_ =	shalt  }
.Lfunc_end2:
_tile_overlayer_lowered:
.L_overlay_start_2:
0x288: {  	(tag) =	ssettag $0x2  }
0x289: {  	s0 =	rddreg [dreg:$0x0];
	s2 =	stileid.u32  }
0x28a: {  	s1 =	rddreg [dreg:$0x1];
	p0 =	sne.s32 s2, $0x0  }
0x28b: {  	s3 =	rddreg [dreg:$0x2];
	[bflag:$0x3] =	sbarrier.arrive $0xFFFF;
	s2 =	simm.s32 @!p0 $0x1C04  }
0x28c: {  	[timem:s3], [sflag:s2] =	dma.local @!p0 [hbm:s0], s1  }
0x28d: {  	s0 =	simm.s32 @!p0 $0x4  }
0x28e: {  	_ =	swait.ge @!p0 [sflag:s0], s1  }
0x28f: {  	s1 =	ssub.s32 @!p0 $0x0, s1;
	[sflag:s0] =	ssyncset.done @!p0 $0x0  }
0x290: {  	[sflag:s0] =	ssyncadd.s32 @!p0 s1  }
0x291: {  	[bflag:$0x3] =	sbarrier.arrive $0xFFFF  }
0x292: {  	_ =	shalt  }

</sc_bundles>
